<compile_context>
chip_gen: v7x
topology: tpu7x:2x2x1
jax: 0.10.2.dev20260603
libtpu: 0.0.44.dev20260713+nightly
codegen_flags: <defaults>
</compile_context>

<pallas_src>
import functools

import jax
import jax.numpy as jnp
from jax import lax
from jax.experimental import pallas as pl
from jax.experimental.pallas import tpu as pltpu
from jax.experimental.pallas import tpu_sc as plsc

N = 4096
D = 128
NC = 64
KEEP = N - int(0.3 * N)
RES = 3584
NBUF = 4
BROWS = RES // NBUF
CH = 448
KPB = BROWS // CH
NRC = RES // CH
TAIL = N - RES
TB = 64
NTT = TAIL // TB
NSTEPS = 3
NSC = 8
SCORE_CHUNK = N // NSC

_ALPHA = 0.5


def _res_copy(b, k, adj_hbm, bufs, rsems):
    return pltpu.make_async_copy(
        adj_hbm.at[pl.ds(b * BROWS + k * CH, CH)],
        bufs[b].at[pl.ds(k * CH, CH)],
        rsems.at[k * NBUF + b])


def _tail_copy(t, adj_hbm, tbuf, tsems):
    j = t % NTT
    return pltpu.make_async_copy(
        adj_hbm.at[pl.ds(RES + j * TB, TB)],
        tbuf.at[t % 2],
        tsems.at[t % 2])


def _tc_body(he_ref, hc_ref, adj_hbm, w1_ref, pp_ref,
             mask_ref, posd_ref, ar0, ar1, ar2, ar3, tbuf, h_row, a_row,
             hw_row, rsems, tsems):
    bufs = (ar0, ar1, ar2, ar3)
    for k in range(KPB):
        for b in range(NBUF):
            _res_copy(b, k, adj_hbm, bufs, rsems).start()
    for t in range(2):
        _tail_copy(t, adj_hbm, tbuf, tsems).start()

    hc = hc_ref[...]
    w1 = w1_ref[...]
    for c in range(NSC):
        he = he_ref[pl.ds(c * SCORE_CHUNK, SCORE_CHUNK), :]
        score1 = jnp.dot(he, w1)
        logits = lax.dot_general(he, hc, (((1,), (1,)), ((), ())))
        sw = jax.nn.softmax(logits, axis=-1)
        wc = jnp.dot(sw, hc)
        rel = jnp.sum(wc, axis=1, keepdims=True)
        score = _ALPHA * score1 + (1.0 - _ALPHA) * (-jnp.log(rel + 1e-10))
        h_row[0:1, pl.ds(c * SCORE_CHUNK, SCORE_CHUNK)] = jnp.reshape(
            score, (1, SCORE_CHUNK))

    hw_row[...] = h_row[...] * pp_ref[0, 0]

    def _gru():
        b_msg = pp_ref[0, 1]
        w_z = pp_ref[0, 2]
        u_z = pp_ref[0, 3]
        b_z = pp_ref[0, 4]
        w_r = pp_ref[0, 5]
        u_r = pp_ref[0, 6]
        b_r = pp_ref[0, 7]
        w_h = pp_ref[0, 8]
        u_h = pp_ref[0, 9]
        b_h = pp_ref[0, 10]
        hv = h_row[...]
        a = a_row[...] + b_msg
        z = jax.nn.sigmoid(a * w_z + hv * u_z + b_z)
        r = jax.nn.sigmoid(a * w_r + hv * u_r + b_r)
        h_t = jnp.tanh(a * w_h + (r * hv) * u_h + b_h)
        hn = (1.0 - z) * hv + z * h_t
        h_row[...] = hn
        hw_row[...] = hn * pp_ref[0, 0]

    for k in range(KPB):
        for b in range(NBUF):
            _res_copy(b, k, adj_hbm, bufs, rsems).wait()
            part = lax.dot_general(
                hw_row[...], bufs[b][pl.ds(k * CH, CH), :],
                (((1,), (1,)), ((), ())))
            a_row[0:1, pl.ds(b * BROWS + k * CH, CH)] = part
    for j in range(NTT):
        t = j
        _tail_copy(t, adj_hbm, tbuf, tsems).wait()
        part = lax.dot_general(
            hw_row[...], tbuf[t % 2], (((1,), (1,)), ((), ())))
        a_row[0:1, pl.ds(RES + j * TB, TB)] = part
        if t + 2 < NSTEPS * NTT:
            _tail_copy(t + 2, adj_hbm, tbuf, tsems).start()
    _gru()

    for s in range(1, NSTEPS):
        for b in range(NBUF):
            a_row[0:1, pl.ds(b * BROWS, BROWS)] = lax.dot_general(
                hw_row[...], bufs[b][...], (((1,), (1,)), ((), ())))
        for j in range(NTT):
            t = s * NTT + j
            _tail_copy(t, adj_hbm, tbuf, tsems).wait()
            part = lax.dot_general(
                hw_row[...], tbuf[t % 2], (((1,), (1,)), ((), ())))
            a_row[0:1, pl.ds(RES + j * TB, TB)] = part
            if t + 2 < NSTEPS * NTT:
                _tail_copy(t + 2, adj_hbm, tbuf, tsems).start()
        _gru()

    sc = h_row[...]
    sc = jnp.where(sc == 0.0, 0.0, sc)
    mat = jnp.reshape(sc, (N // 128, 128))
    bits = pltpu.bitcast(mat, jnp.int32)
    sgn = bits >> 31
    key = bits ^ (sgn & jnp.int32(0x7FFFFFFF))

    def _bisect(_, carry):
        lo, hi = carry
        mid = (lo & hi) + ((lo ^ hi) >> 1)
        cnt = jnp.sum((key <= mid).astype(jnp.int32))
        take = cnt >= KEEP
        return (jnp.where(take, lo, mid + 1), jnp.where(take, mid, hi))

    lo0 = jnp.int32(-2147483647 - 1)
    hi0 = jnp.int32(2147483647)
    _, thr = lax.fori_loop(0, 32, _bisect, (lo0, hi0))

    cnt_lt = jnp.sum((key < thr).astype(jnp.int32))
    need = (KEEP - cnt_lt).astype(jnp.float32)
    eq = (key == thr).astype(jnp.float32)
    li = lax.broadcasted_iota(jnp.int32, (128, 128), 0)
    ci = lax.broadcasted_iota(jnp.int32, (128, 128), 1)
    ut = (li < ci).astype(jnp.float32)
    p_in = jnp.dot(eq, ut)
    row_tot = jnp.sum(eq, axis=1, keepdims=True)
    ri = lax.broadcasted_iota(jnp.int32, (N // 128, N // 128), 0)
    rj = lax.broadcasted_iota(jnp.int32, (N // 128, N // 128), 1)
    lt = (rj < ri).astype(jnp.float32)
    row_off = jnp.dot(lt, row_tot)
    tie_pre = p_in + row_off
    keep = (key < thr) | ((key == thr) & (tie_pre < need))
    mask_ref[...] = keep.astype(jnp.int32)
    keepf = keep.astype(jnp.float32)
    kp_in = jnp.dot(keepf, ut)
    krow_tot = jnp.sum(keepf, axis=1, keepdims=True)
    krow_off = jnp.dot(lt, krow_tot)
    kpi = (kp_in + krow_off).astype(jnp.int32)
    lin = (lax.broadcasted_iota(jnp.int32, (N // 128, 128), 0) * 128
           + lax.broadcasted_iota(jnp.int32, (N // 128, 128), 1))
    posd_ref[...] = jnp.where(keep, kpi, KEEP + lin - kpi)


def _tc_scores_mask(H_e, H_c, adj_e, W_score1, params):
    return pl.pallas_call(
        _tc_body,
        in_specs=[
            pl.BlockSpec((N, D), lambda: (0, 0)),
            pl.BlockSpec((NC, D), lambda: (0, 0)),
            pl.BlockSpec(memory_space=pl.ANY),
            pl.BlockSpec((D, 1), lambda: (0, 0)),
            pl.BlockSpec((1, 11), lambda: (0, 0), memory_space=pltpu.SMEM),
        ],
        out_specs=[pl.BlockSpec((N // 128, 128), lambda: (0, 0)),
                   pl.BlockSpec((N // 128, 128), lambda: (0, 0))],
        out_shape=[jax.ShapeDtypeStruct((N // 128, 128), jnp.int32),
                   jax.ShapeDtypeStruct((N // 128, 128), jnp.int32)],
        scratch_shapes=[
            pltpu.VMEM((BROWS, N), jnp.float32),
            pltpu.VMEM((BROWS, N), jnp.float32),
            pltpu.VMEM((BROWS, N), jnp.float32),
            pltpu.VMEM((BROWS, N), jnp.float32),
            pltpu.VMEM((2, TB, N), jnp.float32),
            pltpu.VMEM((1, N), jnp.float32),
            pltpu.VMEM((1, N), jnp.float32),
            pltpu.VMEM((1, N), jnp.float32),
            pltpu.SemaphoreType.DMA((NRC,)),
            pltpu.SemaphoreType.DMA((2,)),
        ],
        compiler_params=pltpu.CompilerParams(
            vmem_limit_bytes=100 * 1024 * 1024),
    )(H_e, H_c, adj_e, W_score1, params)



_WPN = 32
_CHW = N // _WPN


def _sc_body(posd_hbm, he_hbm, out_hbm, pos_vmem, rows_vmem, sem):
    cidx = lax.axis_index("c")
    sidx = lax.axis_index("s")
    wid = sidx * 2 + cidx
    base = wid * _CHW
    pltpu.sync_copy(posd_hbm.at[pl.ds(base, _CHW)], pos_vmem)
    pltpu.sync_copy(he_hbm.at[pl.ds(base, _CHW)], rows_vmem)
    pltpu.async_copy(rows_vmem, out_hbm.at[pos_vmem], sem).wait()


def _sc_scatter(posd_flat, H_e):
    mesh = plsc.VectorSubcoreMesh(core_axis_name="c", subcore_axis_name="s")
    kfn = functools.partial(
        pl.kernel,
        mesh=mesh,
        out_type=jax.ShapeDtypeStruct((N, D), jnp.float32),
        scratch_types=[
            pltpu.VMEM((_CHW,), jnp.int32),
            pltpu.VMEM((_CHW, D), jnp.float32),
            pltpu.SemaphoreType.DMA,
        ],
    )(_sc_body)
    return kfn(posd_flat, H_e)


def kernel(H_e, H_c, adj_e, W_score1, W_msg, b_msg, W_z, U_z, b_z,
           W_r, U_r, b_r, W_h, U_h, b_h):
    params = jnp.concatenate([
        W_msg.reshape(-1), b_msg.reshape(-1), W_z.reshape(-1),
        U_z.reshape(-1), b_z.reshape(-1), W_r.reshape(-1),
        U_r.reshape(-1), b_r.reshape(-1), W_h.reshape(-1),
        U_h.reshape(-1), b_h.reshape(-1),
    ]).reshape(1, 11)
    mask_mat, posd_mat = _tc_scores_mask(H_e, H_c, adj_e, W_score1, params)
    keep_mask = mask_mat.reshape(N) != 0
    refined = _sc_scatter(posd_mat.reshape(N), H_e)[:KEEP]
    return (refined, keep_mask)

# --- scband reference (transcript-rebuilt; emitter-appended) ---
"""Pipeline reference for scband-semantic-refinement-85718957293800 (READ-ONLY COPY).

The authoritative reference and input builder live on the scoring server;
editing this copy changes nothing except your own understanding.
"""

import jax, jax.numpy as jnp
import numpy as np

ALPHA = 0.5
TOP_K_RATIO = 0.3
NUM_STEPS = 3


def setup_inputs(seed: int = 0) -> dict:
    key = jax.random.key(seed)
    ks = jax.random.split(key, 16)
    N, Nc, D = 4096, 64, 128
    return {
        "H_e": jax.random.normal(ks[0], (N, D), dtype=jnp.float32),
        "H_c": jax.random.uniform(ks[1], (Nc, D), dtype=jnp.float32),
        "adj_e": jax.random.uniform(ks[2], (N, N), dtype=jnp.float32),
        "W_score1": jax.random.normal(ks[3], (D, 1), dtype=jnp.float32) * 0.05,
        "W_msg": jax.random.normal(ks[4], (1, 1), dtype=jnp.float32) * 0.5,
        "b_msg": jnp.zeros((1,), dtype=jnp.float32),
        "W_z": jax.random.normal(ks[5], (1, 1), dtype=jnp.float32) * 0.5,
        "U_z": jax.random.normal(ks[6], (1, 1), dtype=jnp.float32) * 0.5,
        "b_z": jnp.zeros((1,), dtype=jnp.float32),
        "W_r": jax.random.normal(ks[7], (1, 1), dtype=jnp.float32) * 0.5,
        "U_r": jax.random.normal(ks[8], (1, 1), dtype=jnp.float32) * 0.5,
        "b_r": jnp.zeros((1,), dtype=jnp.float32),
        "W_h": jax.random.normal(ks[9], (1, 1), dtype=jnp.float32) * 0.5,
        "U_h": jax.random.normal(ks[10], (1, 1), dtype=jnp.float32) * 0.5,
        "b_h": jnp.zeros((1,), dtype=jnp.float32),
    }


def _ggnn(score, adj, W_msg, b_msg, W_z, U_z, b_z, W_r, U_r, b_r, W_h, U_h, b_h):
    # Gated Graph NN on 1-dim node state: message = adj @ (h W_msg) + b; GRU update.
    h = score
    for _ in range(NUM_STEPS):
        a = adj @ (h @ W_msg) + b_msg
        z = jax.nn.sigmoid(a @ W_z + h @ U_z + b_z)
        r = jax.nn.sigmoid(a @ W_r + h @ U_r + b_r)
        h_tilde = jnp.tanh(a @ W_h + (r * h) @ U_h + b_h)
        h = (1.0 - z) * h + z * h_tilde
    return h


def reference(H_e, H_c, adj_e, W_score1, W_msg, b_msg, W_z, U_z, b_z, W_r, U_r, b_r, W_h, U_h, b_h):
    N = H_e.shape[0]
    # (11) self-redundancy
    score1 = H_e @ W_score1  # [N,1]
    # (12) claim-relevance redundancy
    W = jax.nn.softmax(H_e @ H_c.T, axis=-1)  # [N,Nc]
    weighted_claim = W @ H_c  # [N,D]
    relevance_sum = jnp.sum(weighted_claim, axis=-1, keepdims=True)
    score2 = -jnp.log(relevance_sum + 1e-10)
    # (13) combine
    score = ALPHA * score1 + (1.0 - ALPHA) * score2
    # (14) GGNN refinement
    S = _ggnn(score, adj_e, W_msg, b_msg, W_z, U_z, b_z, W_r, U_r, b_r, W_h, U_h, b_h)
    k = int(TOP_K_RATIO * N)
    order = jnp.argsort(S.squeeze(-1))  # ascending: low redundancy first
    keep_indices = order[: N - k] if k > 0 else order
    keep_mask = jnp.zeros((N,), dtype=bool).at[keep_indices].set(True)
    # boolean-mask selection preserves original node order -> sort kept indices
    keep_idx_sorted = jnp.sort(keep_indices)
    H_e_refined = H_e[keep_idx_sorted]
    return (H_e_refined, keep_mask)

if __name__ == "__main__":
    import jax
    _d = setup_inputs()
    print(jax.jit(kernel)(*tuple(_d.values())))

</pallas_src>

<mosaic_0001>
#map = affine_map<(d0, d1) -> (0)>
#map1 = affine_map<(d0, d1) -> (0, 0)>
module attributes {stable_mosaic.version = 14 : i64} {
  func.func @_sc_body(%arg0: i32, %arg1: i32, %arg2: memref<4096xi32, #tpu.memory_space<hbm>>, %arg3: memref<4096x128xf32, #tpu.memory_space<hbm>>, %arg4: memref<4096x128xf32, #tpu.memory_space<hbm>>, %arg5: memref<128xi32, #tpu.memory_space<vmem>>, %arg6: memref<128x128xf32, #tpu.memory_space<vmem>>, %arg7: memref<!tpu.dma_semaphore, #tpu.memory_space<semaphore_mem>>) attributes {dimension_semantics = [#tpu.dimension_semantics<core_parallel>, #tpu.dimension_semantics<subcore_parallel>], iteration_bounds = array<i64: 2, 16>, scalar_prefetch = 0 : i64, scratch_operands = 3 : i64, tpu.core_type = #tpu.core_type<sc_vector_subcore>, window_params = [{transform_indices = #map}, {transform_indices = #map1}, {transform_indices = #map1}]} {
    %mul3A = arith.constant 2 : i32
    %mul3A_0 = arith.muli %arg1, %mul3A : i32
    %add3A = arith.addi %mul3A_0, %arg0 : i32
    %mul3A_1 = arith.constant 128 : i32
    %mul3A_2 = arith.muli %add3A, %mul3A_1 : i32
    "tpu.region"() ({
      %run_scoped3A = tpu.sem_alloc : memref<!tpu.dma_semaphore, #tpu.memory_space<semaphore_mem>>
      %dma_start3A_7 = tpu.memref_slice %arg2[%mul3A_2] : memref<4096xi32, #tpu.memory_space<hbm>> -> memref<128xi32, #tpu.memory_space<hbm>>
      %dma_start3A_8 = tpu.memref_slice %arg2[%mul3A_2] : memref<4096xi32, #tpu.memory_space<hbm>> -> memref<128xi32, #tpu.memory_space<hbm>>
      tpu.enqueue_dma source(%dma_start3A_8 : memref<128xi32, #tpu.memory_space<hbm>>) target(%arg5 : memref<128xi32, #tpu.memory_space<vmem>>) target_semaphore(%run_scoped3A : memref<!tpu.dma_semaphore, #tpu.memory_space<semaphore_mem>>)
      %dma_wait3A_9 = tpu.memref_slice %arg2[%mul3A_2] : memref<4096xi32, #tpu.memory_space<hbm>> -> memref<128xi32, #tpu.memory_space<hbm>>
      %dma_wait3A_10 = tpu.memref_slice %arg2[%mul3A_2] : memref<4096xi32, #tpu.memory_space<hbm>> -> memref<128xi32, #tpu.memory_space<hbm>>
      tpu.wait_dma2 semaphore(%run_scoped3A : memref<!tpu.dma_semaphore, #tpu.memory_space<semaphore_mem>>) src(%dma_wait3A_10 : memref<128xi32, #tpu.memory_space<hbm>>) dst(%arg5 : memref<128xi32, #tpu.memory_space<vmem>>)
      tpu.yield
    }) : () -> ()
    "tpu.region"() ({
      %run_scoped3A = tpu.sem_alloc : memref<!tpu.dma_semaphore, #tpu.memory_space<semaphore_mem>>
      %dma_start3A_7 = arith.constant 0 : i32
      %dma_start3A_8 = tpu.memref_slice %arg3[%mul3A_2, %dma_start3A_7] : memref<4096x128xf32, #tpu.memory_space<hbm>> -> memref<128x128xf32, #tpu.memory_space<hbm>>
      %dma_start3A_9 = arith.constant 0 : i32
      %dma_start3A_10 = tpu.memref_slice %arg3[%mul3A_2, %dma_start3A_9] : memref<4096x128xf32, #tpu.memory_space<hbm>> -> memref<128x128xf32, #tpu.memory_space<hbm>>
      tpu.enqueue_dma source(%dma_start3A_10 : memref<128x128xf32, #tpu.memory_space<hbm>>) target(%arg6 : memref<128x128xf32, #tpu.memory_space<vmem>>) target_semaphore(%run_scoped3A : memref<!tpu.dma_semaphore, #tpu.memory_space<semaphore_mem>>)
      %dma_wait3A_11 = arith.constant 0 : i32
      %dma_wait3A_12 = tpu.memref_slice %arg3[%mul3A_2, %dma_wait3A_11] : memref<4096x128xf32, #tpu.memory_space<hbm>> -> memref<128x128xf32, #tpu.memory_space<hbm>>
      %dma_wait3A_13 = arith.constant 0 : i32
      %dma_wait3A_14 = tpu.memref_slice %arg3[%mul3A_2, %dma_wait3A_13] : memref<4096x128xf32, #tpu.memory_space<hbm>> -> memref<128x128xf32, #tpu.memory_space<hbm>>
      tpu.wait_dma2 semaphore(%run_scoped3A : memref<!tpu.dma_semaphore, #tpu.memory_space<semaphore_mem>>) src(%dma_wait3A_14 : memref<128x128xf32, #tpu.memory_space<hbm>>) dst(%arg6 : memref<128x128xf32, #tpu.memory_space<vmem>>)
      tpu.yield
    }) : () -> ()
    %dma_start3A = arith.constant 0 : i32
    %dma_start3A_3 = arith.constant 0 : i32
    %dma_start3A_4 = tpu.memref_slice %arg4[%dma_start3A, %dma_start3A_3] : memref<4096x128xf32, #tpu.memory_space<hbm>> -> memref<4096x128xf32, #tpu.memory_space<hbm>>
    tpu.enqueue_indirect_dma source(%arg6 : memref<128x128xf32, #tpu.memory_space<vmem>>) target(%dma_start3A_4 : memref<4096x128xf32, #tpu.memory_space<hbm>>) offsets(%arg5 : memref<128xi32, #tpu.memory_space<vmem>>) semaphore(%arg7 : memref<!tpu.dma_semaphore, #tpu.memory_space<semaphore_mem>>)
    %dma_wait3A = arith.constant 0 : i32
    %dma_wait3A_5 = arith.constant 0 : i32
    %dma_wait3A_6 = tpu.memref_slice %arg4[%dma_wait3A, %dma_wait3A_5] : memref<4096x128xf32, #tpu.memory_space<hbm>> -> memref<4096x128xf32, #tpu.memory_space<hbm>>
    tpu.wait_indirect_dma semaphore(%arg7 : memref<!tpu.dma_semaphore, #tpu.memory_space<semaphore_mem>>) src(%arg6 : memref<128x128xf32, #tpu.memory_space<vmem>>) dst(%dma_wait3A_6 : memref<4096x128xf32, #tpu.memory_space<hbm>>)
    return
  }
}

module attributes {stable_mosaic.version = 14 : i64} {
  func.func @_tc_body(%arg0: memref<4096x128xf32, #tpu.memory_space<vmem>>, %arg1: memref<64x128xf32, #tpu.memory_space<vmem>>, %arg2: memref<4096x4096xf32, #tpu.memory_space<any>>, %arg3: memref<128x1xf32, #tpu.memory_space<vmem>>, %arg4: memref<1x11xf32, #tpu.memory_space<smem>>, %arg5: memref<32x128xi32, #tpu.memory_space<vmem>>, %arg6: memref<32x128xi32, #tpu.memory_space<vmem>>, %arg7: memref<896x4096xf32, #tpu.memory_space<vmem>>, %arg8: memref<896x4096xf32, #tpu.memory_space<vmem>>, %arg9: memref<896x4096xf32, #tpu.memory_space<vmem>>, %arg10: memref<896x4096xf32, #tpu.memory_space<vmem>>, %arg11: memref<2x64x4096xf32, #tpu.memory_space<vmem>>, %arg12: memref<1x4096xf32, #tpu.memory_space<vmem>>, %arg13: memref<1x4096xf32, #tpu.memory_space<vmem>>, %arg14: memref<1x4096xf32, #tpu.memory_space<vmem>>, %arg15: memref<8x!tpu.dma_semaphore, #tpu.memory_space<semaphore_mem>>, %arg16: memref<2x!tpu.dma_semaphore, #tpu.memory_space<semaphore_mem>>) attributes {dimension_semantics = [], scalar_prefetch = 0 : i64, scratch_operands = 10 : i64, tpu.core_type = #tpu.core_type<tc>} {
    %dma_start3A = arith.constant 0 : i32
    %dma_start3A_0 = tpu.memref_slice %arg15[%dma_start3A] : memref<8x!tpu.dma_semaphore, #tpu.memory_space<semaphore_mem>> -> memref<1x!tpu.dma_semaphore, #tpu.memory_space<semaphore_mem>>
    %dma_start3A_1 = tpu.memref_squeeze %dma_start3A_0 : memref<1x!tpu.dma_semaphore, #tpu.memory_space<semaphore_mem>> -> memref<!tpu.dma_semaphore, #tpu.memory_space<semaphore_mem>>
    %dma_start3A_2 = arith.constant 0 : i32
    %dma_start3A_3 = arith.constant 0 : i32
    %dma_start3A_4 = tpu.memref_slice %arg7[%dma_start3A_2, %dma_start3A_3] : memref<896x4096xf32, #tpu.memory_space<vmem>> -> memref<448x4096xf32, #tpu.memory_space<vmem>>
    %dma_start3A_5 = arith.constant 0 : i32
    %dma_start3A_6 = arith.constant 0 : i32
    %dma_start3A_7 = tpu.memref_slice %arg2[%dma_start3A_5, %dma_start3A_6] : memref<4096x4096xf32, #tpu.memory_space<any>> -> memref<448x4096xf32, #tpu.memory_space<any>>
    tpu.enqueue_dma source(%dma_start3A_7 : memref<448x4096xf32, #tpu.memory_space<any>>) target(%dma_start3A_4 : memref<448x4096xf32, #tpu.memory_space<vmem>>) target_semaphore(%dma_start3A_1 : memref<!tpu.dma_semaphore, #tpu.memory_space<semaphore_mem>>)
    %dma_start3A_8 = arith.constant 1 : i32
    %dma_start3A_9 = tpu.memref_slice %arg15[%dma_start3A_8] : memref<8x!tpu.dma_semaphore, #tpu.memory_space<semaphore_mem>> -> memref<1x!tpu.dma_semaphore, #tpu.memory_space<semaphore_mem>>
    %dma_start3A_10 = tpu.memref_squeeze %dma_start3A_9 : memref<1x!tpu.dma_semaphore, #tpu.memory_space<semaphore_mem>> -> memref<!tpu.dma_semaphore, #tpu.memory_space<semaphore_mem>>
    %dma_start3A_11 = arith.constant 0 : i32
    %dma_start3A_12 = arith.constant 0 : i32
    %dma_start3A_13 = tpu.memref_slice %arg8[%dma_start3A_11, %dma_start3A_12] : memref<896x4096xf32, #tpu.memory_space<vmem>> -> memref<448x4096xf32, #tpu.memory_space<vmem>>
    %dma_start3A_14 = arith.constant 896 : i32
    %dma_start3A_15 = arith.constant 0 : i32
    %dma_start3A_16 = tpu.memref_slice %arg2[%dma_start3A_14, %dma_start3A_15] : memref<4096x4096xf32, #tpu.memory_space<any>> -> memref<448x4096xf32, #tpu.memory_space<any>>
    tpu.enqueue_dma source(%dma_start3A_16 : memref<448x4096xf32, #tpu.memory_space<any>>) target(%dma_start3A_13 : memref<448x4096xf32, #tpu.memory_space<vmem>>) target_semaphore(%dma_start3A_10 : memref<!tpu.dma_semaphore, #tpu.memory_space<semaphore_mem>>)
    %dma_start3A_17 = arith.constant 2 : i32
    %dma_start3A_18 = tpu.memref_slice %arg15[%dma_start3A_17] : memref<8x!tpu.dma_semaphore, #tpu.memory_space<semaphore_mem>> -> memref<1x!tpu.dma_semaphore, #tpu.memory_space<semaphore_mem>>
    %dma_start3A_19 = tpu.memref_squeeze %dma_start3A_18 : memref<1x!tpu.dma_semaphore, #tpu.memory_space<semaphore_mem>> -> memref<!tpu.dma_semaphore, #tpu.memory_space<semaphore_mem>>
    %dma_start3A_20 = arith.constant 0 : i32
    %dma_start3A_21 = arith.constant 0 : i32
    %dma_start3A_22 = tpu.memref_slice %arg9[%dma_start3A_20, %dma_start3A_21] : memref<896x4096xf32, #tpu.memory_space<vmem>> -> memref<448x4096xf32, #tpu.memory_space<vmem>>
    %dma_start3A_23 = arith.constant 1792 : i32
    %dma_start3A_24 = arith.constant 0 : i32
    %dma_start3A_25 = tpu.memref_slice %arg2[%dma_start3A_23, %dma_start3A_24] : memref<4096x4096xf32, #tpu.memory_space<any>> -> memref<448x4096xf32, #tpu.memory_space<any>>
    tpu.enqueue_dma source(%dma_start3A_25 : memref<448x4096xf32, #tpu.memory_space<any>>) target(%dma_start3A_22 : memref<448x4096xf32, #tpu.memory_space<vmem>>) target_semaphore(%dma_start3A_19 : memref<!tpu.dma_semaphore, #tpu.memory_space<semaphore_mem>>)
    %dma_start3A_26 = arith.constant 3 : i32
    %dma_start3A_27 = tpu.memref_slice %arg15[%dma_start3A_26] : memref<8x!tpu.dma_semaphore, #tpu.memory_space<semaphore_mem>> -> memref<1x!tpu.dma_semaphore, #tpu.memory_space<semaphore_mem>>
    %dma_start3A_28 = tpu.memref_squeeze %dma_start3A_27 : memref<1x!tpu.dma_semaphore, #tpu.memory_space<semaphore_mem>> -> memref<!tpu.dma_semaphore, #tpu.memory_space<semaphore_mem>>
    %dma_start3A_29 = arith.constant 0 : i32
    %dma_start3A_30 = arith.constant 0 : i32
    %dma_start3A_31 = tpu.memref_slice %arg10[%dma_start3A_29, %dma_start3A_30] : memref<896x4096xf32, #tpu.memory_space<vmem>> -> memref<448x4096xf32, #tpu.memory_space<vmem>>
    %dma_start3A_32 = arith.constant 2688 : i32
    %dma_start3A_33 = arith.constant 0 : i32
    %dma_start3A_34 = tpu.memref_slice %arg2[%dma_start3A_32, %dma_start3A_33] : memref<4096x4096xf32, #tpu.memory_space<any>> -> memref<448x4096xf32, #tpu.memory_space<any>>
    tpu.enqueue_dma source(%dma_start3A_34 : memref<448x4096xf32, #tpu.memory_space<any>>) target(%dma_start3A_31 : memref<448x4096xf32, #tpu.memory_space<vmem>>) target_semaphore(%dma_start3A_28 : memref<!tpu.dma_semaphore, #tpu.memory_space<semaphore_mem>>)
    %dma_start3A_35 = arith.constant 4 : i32
    %dma_start3A_36 = tpu.memref_slice %arg15[%dma_start3A_35] : memref<8x!tpu.dma_semaphore, #tpu.memory_space<semaphore_mem>> -> memref<1x!tpu.dma_semaphore, #tpu.memory_space<semaphore_mem>>
    %dma_start3A_37 = tpu.memref_squeeze %dma_start3A_36 : memref<1x!tpu.dma_semaphore, #tpu.memory_space<semaphore_mem>> -> memref<!tpu.dma_semaphore, #tpu.memory_space<semaphore_mem>>
    %dma_start3A_38 = arith.constant 448 : i32
    %dma_start3A_39 = arith.constant 0 : i32
    %dma_start3A_40 = tpu.memref_slice %arg7[%dma_start3A_38, %dma_start3A_39] : memref<896x4096xf32, #tpu.memory_space<vmem>> -> memref<448x4096xf32, #tpu.memory_space<vmem>>
    %dma_start3A_41 = arith.constant 448 : i32
    %dma_start3A_42 = arith.constant 0 : i32
    %dma_start3A_43 = tpu.memref_slice %arg2[%dma_start3A_41, %dma_start3A_42] : memref<4096x4096xf32, #tpu.memory_space<any>> -> memref<448x4096xf32, #tpu.memory_space<any>>
    tpu.enqueue_dma source(%dma_start3A_43 : memref<448x4096xf32, #tpu.memory_space<any>>) target(%dma_start3A_40 : memref<448x4096xf32, #tpu.memory_space<vmem>>) target_semaphore(%dma_start3A_37 : memref<!tpu.dma_semaphore, #tpu.memory_space<semaphore_mem>>)
    %dma_start3A_44 = arith.constant 5 : i32
    %dma_start3A_45 = tpu.memref_slice %arg15[%dma_start3A_44] : memref<8x!tpu.dma_semaphore, #tpu.memory_space<semaphore_mem>> -> memref<1x!tpu.dma_semaphore, #tpu.memory_space<semaphore_mem>>
    %dma_start3A_46 = tpu.memref_squeeze %dma_start3A_45 : memref<1x!tpu.dma_semaphore, #tpu.memory_space<semaphore_mem>> -> memref<!tpu.dma_semaphore, #tpu.memory_space<semaphore_mem>>
    %dma_start3A_47 = arith.constant 448 : i32
    %dma_start3A_48 = arith.constant 0 : i32
    %dma_start3A_49 = tpu.memref_slice %arg8[%dma_start3A_47, %dma_start3A_48] : memref<896x4096xf32, #tpu.memory_space<vmem>> -> memref<448x4096xf32, #tpu.memory_space<vmem>>
    %dma_start3A_50 = arith.constant 1344 : i32
    %dma_start3A_51 = arith.constant 0 : i32
    %dma_start3A_52 = tpu.memref_slice %arg2[%dma_start3A_50, %dma_start3A_51] : memref<4096x4096xf32, #tpu.memory_space<any>> -> memref<448x4096xf32, #tpu.memory_space<any>>
    tpu.enqueue_dma source(%dma_start3A_52 : memref<448x4096xf32, #tpu.memory_space<any>>) target(%dma_start3A_49 : memref<448x4096xf32, #tpu.memory_space<vmem>>) target_semaphore(%dma_start3A_46 : memref<!tpu.dma_semaphore, #tpu.memory_space<semaphore_mem>>)
    %dma_start3A_53 = arith.constant 6 : i32
    %dma_start3A_54 = tpu.memref_slice %arg15[%dma_start3A_53] : memref<8x!tpu.dma_semaphore, #tpu.memory_space<semaphore_mem>> -> memref<1x!tpu.dma_semaphore, #tpu.memory_space<semaphore_mem>>
    %dma_start3A_55 = tpu.memref_squeeze %dma_start3A_54 : memref<1x!tpu.dma_semaphore, #tpu.memory_space<semaphore_mem>> -> memref<!tpu.dma_semaphore, #tpu.memory_space<semaphore_mem>>
    %dma_start3A_56 = arith.constant 448 : i32
    %dma_start3A_57 = arith.constant 0 : i32
    %dma_start3A_58 = tpu.memref_slice %arg9[%dma_start3A_56, %dma_start3A_57] : memref<896x4096xf32, #tpu.memory_space<vmem>> -> memref<448x4096xf32, #tpu.memory_space<vmem>>
    %dma_start3A_59 = arith.constant 2240 : i32
    %dma_start3A_60 = arith.constant 0 : i32
    %dma_start3A_61 = tpu.memref_slice %arg2[%dma_start3A_59, %dma_start3A_60] : memref<4096x4096xf32, #tpu.memory_space<any>> -> memref<448x4096xf32, #tpu.memory_space<any>>
    tpu.enqueue_dma source(%dma_start3A_61 : memref<448x4096xf32, #tpu.memory_space<any>>) target(%dma_start3A_58 : memref<448x4096xf32, #tpu.memory_space<vmem>>) target_semaphore(%dma_start3A_55 : memref<!tpu.dma_semaphore, #tpu.memory_space<semaphore_mem>>)
    %dma_start3A_62 = arith.constant 7 : i32
    %dma_start3A_63 = tpu.memref_slice %arg15[%dma_start3A_62] : memref<8x!tpu.dma_semaphore, #tpu.memory_space<semaphore_mem>> -> memref<1x!tpu.dma_semaphore, #tpu.memory_space<semaphore_mem>>
    %dma_start3A_64 = tpu.memref_squeeze %dma_start3A_63 : memref<1x!tpu.dma_semaphore, #tpu.memory_space<semaphore_mem>> -> memref<!tpu.dma_semaphore, #tpu.memory_space<semaphore_mem>>
    %dma_start3A_65 = arith.constant 448 : i32
    %dma_start3A_66 = arith.constant 0 : i32
    %dma_start3A_67 = tpu.memref_slice %arg10[%dma_start3A_65, %dma_start3A_66] : memref<896x4096xf32, #tpu.memory_space<vmem>> -> memref<448x4096xf32, #tpu.memory_space<vmem>>
    %dma_start3A_68 = arith.constant 3136 : i32
    %dma_start3A_69 = arith.constant 0 : i32
    %dma_start3A_70 = tpu.memref_slice %arg2[%dma_start3A_68, %dma_start3A_69] : memref<4096x4096xf32, #tpu.memory_space<any>> -> memref<448x4096xf32, #tpu.memory_space<any>>
    tpu.enqueue_dma source(%dma_start3A_70 : memref<448x4096xf32, #tpu.memory_space<any>>) target(%dma_start3A_67 : memref<448x4096xf32, #tpu.memory_space<vmem>>) target_semaphore(%dma_start3A_64 : memref<!tpu.dma_semaphore, #tpu.memory_space<semaphore_mem>>)
    %dma_start3A_71 = arith.constant 0 : i32
    %dma_start3A_72 = arith.constant 0 : i32
    %dma_start3A_73 = tpu.memref_slice %arg16[%dma_start3A_72] : memref<2x!tpu.dma_semaphore, #tpu.memory_space<semaphore_mem>> -> memref<1x!tpu.dma_semaphore, #tpu.memory_space<semaphore_mem>>
    %dma_start3A_74 = tpu.memref_squeeze %dma_start3A_73 : memref<1x!tpu.dma_semaphore, #tpu.memory_space<semaphore_mem>> -> memref<!tpu.dma_semaphore, #tpu.memory_space<semaphore_mem>>
    %dma_start3A_75 = arith.constant 0 : i32
    %dma_start3A_76 = arith.constant 0 : i32
    %dma_start3A_77 = tpu.memref_slice %arg11[%dma_start3A_71, %dma_start3A_75, %dma_start3A_76] : memref<2x64x4096xf32, #tpu.memory_space<vmem>> -> memref<1x64x4096xf32, #tpu.memory_space<vmem>>
    %dma_start3A_78 = tpu.memref_squeeze %dma_start3A_77 : memref<1x64x4096xf32, #tpu.memory_space<vmem>> -> memref<64x4096xf32, #tpu.memory_space<vmem>>
    %dma_start3A_79 = arith.constant 3584 : i32
    %dma_start3A_80 = arith.constant 0 : i32
    %dma_start3A_81 = tpu.memref_slice %arg2[%dma_start3A_79, %dma_start3A_80] : memref<4096x4096xf32, #tpu.memory_space<any>> -> memref<64x4096xf32, #tpu.memory_space<any>>
    tpu.enqueue_dma source(%dma_start3A_81 : memref<64x4096xf32, #tpu.memory_space<any>>) target(%dma_start3A_78 : memref<64x4096xf32, #tpu.memory_space<vmem>>) target_semaphore(%dma_start3A_74 : memref<!tpu.dma_semaphore, #tpu.memory_space<semaphore_mem>>)
    %dma_start3A_82 = arith.constant 1 : i32
    %dma_start3A_83 = arith.constant 1 : i32
    %dma_start3A_84 = tpu.memref_slice %arg16[%dma_start3A_83] : memref<2x!tpu.dma_semaphore, #tpu.memory_space<semaphore_mem>> -> memref<1x!tpu.dma_semaphore, #tpu.memory_space<semaphore_mem>>
    %dma_start3A_85 = tpu.memref_squeeze %dma_start3A_84 : memref<1x!tpu.dma_semaphore, #tpu.memory_space<semaphore_mem>> -> memref<!tpu.dma_semaphore, #tpu.memory_space<semaphore_mem>>
    %dma_start3A_86 = arith.constant 0 : i32
    %dma_start3A_87 = arith.constant 0 : i32
    %dma_start3A_88 = tpu.memref_slice %arg11[%dma_start3A_82, %dma_start3A_86, %dma_start3A_87] : memref<2x64x4096xf32, #tpu.memory_space<vmem>> -> memref<1x64x4096xf32, #tpu.memory_space<vmem>>
    %dma_start3A_89 = tpu.memref_squeeze %dma_start3A_88 : memref<1x64x4096xf32, #tpu.memory_space<vmem>> -> memref<64x4096xf32, #tpu.memory_space<vmem>>
    %dma_start3A_90 = arith.constant 3648 : i32
    %dma_start3A_91 = arith.constant 0 : i32
    %dma_start3A_92 = tpu.memref_slice %arg2[%dma_start3A_90, %dma_start3A_91] : memref<4096x4096xf32, #tpu.memory_space<any>> -> memref<64x4096xf32, #tpu.memory_space<any>>
    tpu.enqueue_dma source(%dma_start3A_92 : memref<64x4096xf32, #tpu.memory_space<any>>) target(%dma_start3A_89 : memref<64x4096xf32, #tpu.memory_space<vmem>>) target_semaphore(%dma_start3A_85 : memref<!tpu.dma_semaphore, #tpu.memory_space<semaphore_mem>>)
    %get3A = arith.constant 0 : index
    %get3A_93 = arith.constant 0 : index
    %get3A_94 = vector.load %arg1[%get3A, %get3A_93] : memref<64x128xf32, #tpu.memory_space<vmem>>, vector<64x128xf32>
    %get3A_95 = arith.constant 0 : index
    %get3A_96 = arith.constant 0 : index
    %get3A_97 = vector.load %arg3[%get3A_95, %get3A_96] : memref<128x1xf32, #tpu.memory_space<vmem>>, vector<128x1xf32>
    %get3A_98 = arith.constant 0 : index
    %get3A_99 = arith.constant 0 : index
    %get3A_100 = vector.load %arg0[%get3A_98, %get3A_99] : memref<4096x128xf32, #tpu.memory_space<vmem>>, vector<512x128xf32>
    %dot_general3A = arith.constant dense<0.000000e+00> : vector<512x1xf32>
    %dot_general3A_101 = tpu.matmul %get3A_100, %get3A_97, %dot_general3A {dimension_numbers = #tpu.dot_dimension_numbers<[1], [0], [0], [1], [0, 0, 1, 1], [], []>, transpose_lhs_hint = false} : vector<512x128xf32>, vector<128x1xf32>, vector<512x1xf32> -> vector<512x1xf32>
    %dot_general3A_102 = arith.constant dense<0.000000e+00> : vector<512x64xf32>
    %dot_general3A_103 = tpu.matmul %get3A_100, %get3A_94, %dot_general3A_102 {dimension_numbers = #tpu.dot_dimension_numbers<[1], [1], [0], [0], [0, 0, 1, 0], [], []>, transpose_lhs_hint = false} : vector<512x128xf32>, vector<64x128xf32>, vector<512x64xf32> -> vector<512x64xf32>
    %reduce_max3A = arith.constant dense<0xFF800000> : vector<512xf32>
    %reduce_max3A_104 = vector.multi_reduction <maximumf>, %dot_general3A_103, %reduce_max3A [1] : vector<512x64xf32> to vector<512xf32>
    %max3A = arith.constant 0xFF800000 : f32
    %max3A_105 = vector.broadcast %max3A : f32 to vector<512xf32>
    %max3A_106 = arith.maximumf %max3A_105, %reduce_max3A_104 : vector<512xf32>
    %broadcast_in_dim3A = vector.shape_cast %max3A_106 : vector<512xf32> to vector<512x1xf32>
    %sub3A = vector.broadcast %broadcast_in_dim3A : vector<512x1xf32> to vector<512x64xf32>
    %sub3A_107 = arith.subf %dot_general3A_103, %sub3A : vector<512x64xf32>
    %exp3A = math.exp %sub3A_107 : vector<512x64xf32>
    %reduce_sum3A = arith.constant dense<0.000000e+00> : vector<512xf32>
    %reduce_sum3A_108 = vector.multi_reduction <add>, %exp3A, %reduce_sum3A [1] : vector<512x64xf32> to vector<512xf32>
    %broadcast_in_dim3A_109 = vector.shape_cast %reduce_sum3A_108 : vector<512xf32> to vector<512x1xf32>
    %div3A = vector.broadcast %broadcast_in_dim3A_109 : vector<512x1xf32> to vector<512x64xf32>
    %div3A_110 = arith.divf %exp3A, %div3A : vector<512x64xf32>
    %dot_general3A_111 = arith.constant dense<0.000000e+00> : vector<512x128xf32>
    %dot_general3A_112 = tpu.matmul %div3A_110, %get3A_94, %dot_general3A_111 {dimension_numbers = #tpu.dot_dimension_numbers<[1], [0], [0], [1], [0, 0, 1, 1], [], []>, transpose_lhs_hint = false} : vector<512x64xf32>, vector<64x128xf32>, vector<512x128xf32> -> vector<512x128xf32>
    %reduce_sum3A_113 = arith.constant dense<0.000000e+00> : vector<512xf32>
    %reduce_sum3A_114 = vector.multi_reduction <add>, %dot_general3A_112, %reduce_sum3A_113 [1] : vector<512x128xf32> to vector<512xf32>
    %broadcast_in_dim3A_115 = vector.shape_cast %reduce_sum3A_114 : vector<512xf32> to vector<512x1xf32>
    %mul3A = arith.constant 5.000000e-01 : f32
    %mul3A_116 = vector.broadcast %mul3A : f32 to vector<512x1xf32>
    %mul3A_117 = arith.mulf %mul3A_116, %dot_general3A_101 : vector<512x1xf32>
    %add3A = arith.constant 1.000000e-10 : f32
    %add3A_118 = vector.broadcast %add3A : f32 to vector<512x1xf32>
    %add3A_119 = arith.addf %broadcast_in_dim3A_115, %add3A_118 : vector<512x1xf32>
    %log3A = math.log %add3A_119 : vector<512x1xf32>
    %neg3A = arith.constant 0.000000e+00 : f32
    %neg3A_120 = vector.broadcast %neg3A : f32 to vector<512x1xf32>
    %neg3A_121 = arith.subf %neg3A_120, %log3A : vector<512x1xf32>
    %mul3A_122 = arith.constant 5.000000e-01 : f32
    %mul3A_123 = vector.broadcast %mul3A_122 : f32 to vector<512x1xf32>
    %mul3A_124 = arith.mulf %mul3A_123, %neg3A_121 : vector<512x1xf32>
    %add3A_125 = arith.addf %mul3A_117, %mul3A_124 : vector<512x1xf32>
    %reshape3A = vector.shape_cast %add3A_125 : vector<512x1xf32> to vector<1x512xf32>
    %swap3A = arith.constant 0 : index
    %swap3A_126 = arith.constant 0 : index
    %swap3A_127 = vector.load %arg12[%swap3A, %swap3A_126] : memref<1x4096xf32, #tpu.memory_space<vmem>>, vector<1x512xf32>
    tpu.vector_store %arg12[%swap3A, %swap3A_126], %reshape3A {strides = array<i32>} : memref<1x4096xf32, #tpu.memory_space<vmem>>, vector<1x512xf32>,
    %get3A_128 = arith.constant 512 : index
    %get3A_129 = arith.constant 0 : index
    %get3A_130 = vector.load %arg0[%get3A_128, %get3A_129] : memref<4096x128xf32, #tpu.memory_space<vmem>>, vector<512x128xf32>
    %dot_general3A_131 = arith.constant dense<0.000000e+00> : vector<512x1xf32>
    %dot_general3A_132 = tpu.matmul %get3A_130, %get3A_97, %dot_general3A_131 {dimension_numbers = #tpu.dot_dimension_numbers<[1], [0], [0], [1], [0, 0, 1, 1], [], []>, transpose_lhs_hint = false} : vector<512x128xf32>, vector<128x1xf32>, vector<512x1xf32> -> vector<512x1xf32>
    %dot_general3A_133 = arith.constant dense<0.000000e+00> : vector<512x64xf32>
    %dot_general3A_134 = tpu.matmul %get3A_130, %get3A_94, %dot_general3A_133 {dimension_numbers = #tpu.dot_dimension_numbers<[1], [1], [0], [0], [0, 0, 1, 0], [], []>, transpose_lhs_hint = false} : vector<512x128xf32>, vector<64x128xf32>, vector<512x64xf32> -> vector<512x64xf32>
    %reduce_max3A_135 = arith.constant dense<0xFF800000> : vector<512xf32>
    %reduce_max3A_136 = vector.multi_reduction <maximumf>, %dot_general3A_134, %reduce_max3A_135 [1] : vector<512x64xf32> to vector<512xf32>
    %max3A_137 = arith.constant 0xFF800000 : f32
    %max3A_138 = vector.broadcast %max3A_137 : f32 to vector<512xf32>
    %max3A_139 = arith.maximumf %max3A_138, %reduce_max3A_136 : vector<512xf32>
    %broadcast_in_dim3A_140 = vector.shape_cast %max3A_139 : vector<512xf32> to vector<512x1xf32>
    %sub3A_141 = vector.broadcast %broadcast_in_dim3A_140 : vector<512x1xf32> to vector<512x64xf32>
    %sub3A_142 = arith.subf %dot_general3A_134, %sub3A_141 : vector<512x64xf32>
    %exp3A_143 = math.exp %sub3A_142 : vector<512x64xf32>
    %reduce_sum3A_144 = arith.constant dense<0.000000e+00> : vector<512xf32>
    %reduce_sum3A_145 = vector.multi_reduction <add>, %exp3A_143, %reduce_sum3A_144 [1] : vector<512x64xf32> to vector<512xf32>
    %broadcast_in_dim3A_146 = vector.shape_cast %reduce_sum3A_145 : vector<512xf32> to vector<512x1xf32>
    %div3A_147 = vector.broadcast %broadcast_in_dim3A_146 : vector<512x1xf32> to vector<512x64xf32>
    %div3A_148 = arith.divf %exp3A_143, %div3A_147 : vector<512x64xf32>
    %dot_general3A_149 = arith.constant dense<0.000000e+00> : vector<512x128xf32>
    %dot_general3A_150 = tpu.matmul %div3A_148, %get3A_94, %dot_general3A_149 {dimension_numbers = #tpu.dot_dimension_numbers<[1], [0], [0], [1], [0, 0, 1, 1], [], []>, transpose_lhs_hint = false} : vector<512x64xf32>, vector<64x128xf32>, vector<512x128xf32> -> vector<512x128xf32>
    %reduce_sum3A_151 = arith.constant dense<0.000000e+00> : vector<512xf32>
    %reduce_sum3A_152 = vector.multi_reduction <add>, %dot_general3A_150, %reduce_sum3A_151 [1] : vector<512x128xf32> to vector<512xf32>
    %broadcast_in_dim3A_153 = vector.shape_cast %reduce_sum3A_152 : vector<512xf32> to vector<512x1xf32>
    %mul3A_154 = arith.constant 5.000000e-01 : f32
    %mul3A_155 = vector.broadcast %mul3A_154 : f32 to vector<512x1xf32>
    %mul3A_156 = arith.mulf %mul3A_155, %dot_general3A_132 : vector<512x1xf32>
    %add3A_157 = arith.constant 1.000000e-10 : f32
    %add3A_158 = vector.broadcast %add3A_157 : f32 to vector<512x1xf32>
    %add3A_159 = arith.addf %broadcast_in_dim3A_153, %add3A_158 : vector<512x1xf32>
    %log3A_160 = math.log %add3A_159 : vector<512x1xf32>
    %neg3A_161 = arith.constant 0.000000e+00 : f32
    %neg3A_162 = vector.broadcast %neg3A_161 : f32 to vector<512x1xf32>
    %neg3A_163 = arith.subf %neg3A_162, %log3A_160 : vector<512x1xf32>
    %mul3A_164 = arith.constant 5.000000e-01 : f32
    %mul3A_165 = vector.broadcast %mul3A_164 : f32 to vector<512x1xf32>
    %mul3A_166 = arith.mulf %mul3A_165, %neg3A_163 : vector<512x1xf32>
    %add3A_167 = arith.addf %mul3A_156, %mul3A_166 : vector<512x1xf32>
    %reshape3A_168 = vector.shape_cast %add3A_167 : vector<512x1xf32> to vector<1x512xf32>
    %swap3A_169 = arith.constant 0 : index
    %swap3A_170 = arith.constant 512 : index
    %swap3A_171 = vector.load %arg12[%swap3A_169, %swap3A_170] : memref<1x4096xf32, #tpu.memory_space<vmem>>, vector<1x512xf32>
    tpu.vector_store %arg12[%swap3A_169, %swap3A_170], %reshape3A_168 {strides = array<i32>} : memref<1x4096xf32, #tpu.memory_space<vmem>>, vector<1x512xf32>,
    %get3A_172 = arith.constant 1024 : index
    %get3A_173 = arith.constant 0 : index
    %get3A_174 = vector.load %arg0[%get3A_172, %get3A_173] : memref<4096x128xf32, #tpu.memory_space<vmem>>, vector<512x128xf32>
    %dot_general3A_175 = arith.constant dense<0.000000e+00> : vector<512x1xf32>
    %dot_general3A_176 = tpu.matmul %get3A_174, %get3A_97, %dot_general3A_175 {dimension_numbers = #tpu.dot_dimension_numbers<[1], [0], [0], [1], [0, 0, 1, 1], [], []>, transpose_lhs_hint = false} : vector<512x128xf32>, vector<128x1xf32>, vector<512x1xf32> -> vector<512x1xf32>
    %dot_general3A_177 = arith.constant dense<0.000000e+00> : vector<512x64xf32>
    %dot_general3A_178 = tpu.matmul %get3A_174, %get3A_94, %dot_general3A_177 {dimension_numbers = #tpu.dot_dimension_numbers<[1], [1], [0], [0], [0, 0, 1, 0], [], []>, transpose_lhs_hint = false} : vector<512x128xf32>, vector<64x128xf32>, vector<512x64xf32> -> vector<512x64xf32>
    %reduce_max3A_179 = arith.constant dense<0xFF800000> : vector<512xf32>
    %reduce_max3A_180 = vector.multi_reduction <maximumf>, %dot_general3A_178, %reduce_max3A_179 [1] : vector<512x64xf32> to vector<512xf32>
    %max3A_181 = arith.constant 0xFF800000 : f32
    %max3A_182 = vector.broadcast %max3A_181 : f32 to vector<512xf32>
    %max3A_183 = arith.maximumf %max3A_182, %reduce_max3A_180 : vector<512xf32>
    %broadcast_in_dim3A_184 = vector.shape_cast %max3A_183 : vector<512xf32> to vector<512x1xf32>
    %sub3A_185 = vector.broadcast %broadcast_in_dim3A_184 : vector<512x1xf32> to vector<512x64xf32>
    %sub3A_186 = arith.subf %dot_general3A_178, %sub3A_185 : vector<512x64xf32>
    %exp3A_187 = math.exp %sub3A_186 : vector<512x64xf32>
    %reduce_sum3A_188 = arith.constant dense<0.000000e+00> : vector<512xf32>
    %reduce_sum3A_189 = vector.multi_reduction <add>, %exp3A_187, %reduce_sum3A_188 [1] : vector<512x64xf32> to vector<512xf32>
    %broadcast_in_dim3A_190 = vector.shape_cast %reduce_sum3A_189 : vector<512xf32> to vector<512x1xf32>
    %div3A_191 = vector.broadcast %broadcast_in_dim3A_190 : vector<512x1xf32> to vector<512x64xf32>
    %div3A_192 = arith.divf %exp3A_187, %div3A_191 : vector<512x64xf32>
    %dot_general3A_193 = arith.constant dense<0.000000e+00> : vector<512x128xf32>
    %dot_general3A_194 = tpu.matmul %div3A_192, %get3A_94, %dot_general3A_193 {dimension_numbers = #tpu.dot_dimension_numbers<[1], [0], [0], [1], [0, 0, 1, 1], [], []>, transpose_lhs_hint = false} : vector<512x64xf32>, vector<64x128xf32>, vector<512x128xf32> -> vector<512x128xf32>
    %reduce_sum3A_195 = arith.constant dense<0.000000e+00> : vector<512xf32>
    %reduce_sum3A_196 = vector.multi_reduction <add>, %dot_general3A_194, %reduce_sum3A_195 [1] : vector<512x128xf32> to vector<512xf32>
    %broadcast_in_dim3A_197 = vector.shape_cast %reduce_sum3A_196 : vector<512xf32> to vector<512x1xf32>
    %mul3A_198 = arith.constant 5.000000e-01 : f32
    %mul3A_199 = vector.broadcast %mul3A_198 : f32 to vector<512x1xf32>
    %mul3A_200 = arith.mulf %mul3A_199, %dot_general3A_176 : vector<512x1xf32>
    %add3A_201 = arith.constant 1.000000e-10 : f32
    %add3A_202 = vector.broadcast %add3A_201 : f32 to vector<512x1xf32>
    %add3A_203 = arith.addf %broadcast_in_dim3A_197, %add3A_202 : vector<512x1xf32>
    %log3A_204 = math.log %add3A_203 : vector<512x1xf32>
    %neg3A_205 = arith.constant 0.000000e+00 : f32
    %neg3A_206 = vector.broadcast %neg3A_205 : f32 to vector<512x1xf32>
    %neg3A_207 = arith.subf %neg3A_206, %log3A_204 : vector<512x1xf32>
    %mul3A_208 = arith.constant 5.000000e-01 : f32
    %mul3A_209 = vector.broadcast %mul3A_208 : f32 to vector<512x1xf32>
    %mul3A_210 = arith.mulf %mul3A_209, %neg3A_207 : vector<512x1xf32>
    %add3A_211 = arith.addf %mul3A_200, %mul3A_210 : vector<512x1xf32>
    %reshape3A_212 = vector.shape_cast %add3A_211 : vector<512x1xf32> to vector<1x512xf32>
    %swap3A_213 = arith.constant 0 : index
    %swap3A_214 = arith.constant 1024 : index
    %swap3A_215 = vector.load %arg12[%swap3A_213, %swap3A_214] : memref<1x4096xf32, #tpu.memory_space<vmem>>, vector<1x512xf32>
    tpu.vector_store %arg12[%swap3A_213, %swap3A_214], %reshape3A_212 {strides = array<i32>} : memref<1x4096xf32, #tpu.memory_space<vmem>>, vector<1x512xf32>,
    %get3A_216 = arith.constant 1536 : index
    %get3A_217 = arith.constant 0 : index
    %get3A_218 = vector.load %arg0[%get3A_216, %get3A_217] : memref<4096x128xf32, #tpu.memory_space<vmem>>, vector<512x128xf32>
    %dot_general3A_219 = arith.constant dense<0.000000e+00> : vector<512x1xf32>
    %dot_general3A_220 = tpu.matmul %get3A_218, %get3A_97, %dot_general3A_219 {dimension_numbers = #tpu.dot_dimension_numbers<[1], [0], [0], [1], [0, 0, 1, 1], [], []>, transpose_lhs_hint = false} : vector<512x128xf32>, vector<128x1xf32>, vector<512x1xf32> -> vector<512x1xf32>
    %dot_general3A_221 = arith.constant dense<0.000000e+00> : vector<512x64xf32>
    %dot_general3A_222 = tpu.matmul %get3A_218, %get3A_94, %dot_general3A_221 {dimension_numbers = #tpu.dot_dimension_numbers<[1], [1], [0], [0], [0, 0, 1, 0], [], []>, transpose_lhs_hint = false} : vector<512x128xf32>, vector<64x128xf32>, vector<512x64xf32> -> vector<512x64xf32>
    %reduce_max3A_223 = arith.constant dense<0xFF800000> : vector<512xf32>
    %reduce_max3A_224 = vector.multi_reduction <maximumf>, %dot_general3A_222, %reduce_max3A_223 [1] : vector<512x64xf32> to vector<512xf32>
    %max3A_225 = arith.constant 0xFF800000 : f32
    %max3A_226 = vector.broadcast %max3A_225 : f32 to vector<512xf32>
    %max3A_227 = arith.maximumf %max3A_226, %reduce_max3A_224 : vector<512xf32>
    %broadcast_in_dim3A_228 = vector.shape_cast %max3A_227 : vector<512xf32> to vector<512x1xf32>
    %sub3A_229 = vector.broadcast %broadcast_in_dim3A_228 : vector<512x1xf32> to vector<512x64xf32>
    %sub3A_230 = arith.subf %dot_general3A_222, %sub3A_229 : vector<512x64xf32>
    %exp3A_231 = math.exp %sub3A_230 : vector<512x64xf32>
    %reduce_sum3A_232 = arith.constant dense<0.000000e+00> : vector<512xf32>
    %reduce_sum3A_233 = vector.multi_reduction <add>, %exp3A_231, %reduce_sum3A_232 [1] : vector<512x64xf32> to vector<512xf32>
    %broadcast_in_dim3A_234 = vector.shape_cast %reduce_sum3A_233 : vector<512xf32> to vector<512x1xf32>
    %div3A_235 = vector.broadcast %broadcast_in_dim3A_234 : vector<512x1xf32> to vector<512x64xf32>
    %div3A_236 = arith.divf %exp3A_231, %div3A_235 : vector<512x64xf32>
    %dot_general3A_237 = arith.constant dense<0.000000e+00> : vector<512x128xf32>
    %dot_general3A_238 = tpu.matmul %div3A_236, %get3A_94, %dot_general3A_237 {dimension_numbers = #tpu.dot_dimension_numbers<[1], [0], [0], [1], [0, 0, 1, 1], [], []>, transpose_lhs_hint = false} : vector<512x64xf32>, vector<64x128xf32>, vector<512x128xf32> -> vector<512x128xf32>
    %reduce_sum3A_239 = arith.constant dense<0.000000e+00> : vector<512xf32>
    %reduce_sum3A_240 = vector.multi_reduction <add>, %dot_general3A_238, %reduce_sum3A_239 [1] : vector<512x128xf32> to vector<512xf32>
    %broadcast_in_dim3A_241 = vector.shape_cast %reduce_sum3A_240 : vector<512xf32> to vector<512x1xf32>
    %mul3A_242 = arith.constant 5.000000e-01 : f32
    %mul3A_243 = vector.broadcast %mul3A_242 : f32 to vector<512x1xf32>
    %mul3A_244 = arith.mulf %mul3A_243, %dot_general3A_220 : vector<512x1xf32>
    %add3A_245 = arith.constant 1.000000e-10 : f32
    %add3A_246 = vector.broadcast %add3A_245 : f32 to vector<512x1xf32>
    %add3A_247 = arith.addf %broadcast_in_dim3A_241, %add3A_246 : vector<512x1xf32>
    %log3A_248 = math.log %add3A_247 : vector<512x1xf32>
    %neg3A_249 = arith.constant 0.000000e+00 : f32
    %neg3A_250 = vector.broadcast %neg3A_249 : f32 to vector<512x1xf32>
    %neg3A_251 = arith.subf %neg3A_250, %log3A_248 : vector<512x1xf32>
    %mul3A_252 = arith.constant 5.000000e-01 : f32
    %mul3A_253 = vector.broadcast %mul3A_252 : f32 to vector<512x1xf32>
    %mul3A_254 = arith.mulf %mul3A_253, %neg3A_251 : vector<512x1xf32>
    %add3A_255 = arith.addf %mul3A_244, %mul3A_254 : vector<512x1xf32>
    %reshape3A_256 = vector.shape_cast %add3A_255 : vector<512x1xf32> to vector<1x512xf32>
    %swap3A_257 = arith.constant 0 : index
    %swap3A_258 = arith.constant 1536 : index
    %swap3A_259 = vector.load %arg12[%swap3A_257, %swap3A_258] : memref<1x4096xf32, #tpu.memory_space<vmem>>, vector<1x512xf32>
    tpu.vector_store %arg12[%swap3A_257, %swap3A_258], %reshape3A_256 {strides = array<i32>} : memref<1x4096xf32, #tpu.memory_space<vmem>>, vector<1x512xf32>,
    %get3A_260 = arith.constant 2048 : index
    %get3A_261 = arith.constant 0 : index
    %get3A_262 = vector.load %arg0[%get3A_260, %get3A_261] : memref<4096x128xf32, #tpu.memory_space<vmem>>, vector<512x128xf32>
    %dot_general3A_263 = arith.constant dense<0.000000e+00> : vector<512x1xf32>
    %dot_general3A_264 = tpu.matmul %get3A_262, %get3A_97, %dot_general3A_263 {dimension_numbers = #tpu.dot_dimension_numbers<[1], [0], [0], [1], [0, 0, 1, 1], [], []>, transpose_lhs_hint = false} : vector<512x128xf32>, vector<128x1xf32>, vector<512x1xf32> -> vector<512x1xf32>
    %dot_general3A_265 = arith.constant dense<0.000000e+00> : vector<512x64xf32>
    %dot_general3A_266 = tpu.matmul %get3A_262, %get3A_94, %dot_general3A_265 {dimension_numbers = #tpu.dot_dimension_numbers<[1], [1], [0], [0], [0, 0, 1, 0], [], []>, transpose_lhs_hint = false} : vector<512x128xf32>, vector<64x128xf32>, vector<512x64xf32> -> vector<512x64xf32>
    %reduce_max3A_267 = arith.constant dense<0xFF800000> : vector<512xf32>
    %reduce_max3A_268 = vector.multi_reduction <maximumf>, %dot_general3A_266, %reduce_max3A_267 [1] : vector<512x64xf32> to vector<512xf32>
    %max3A_269 = arith.constant 0xFF800000 : f32
    %max3A_270 = vector.broadcast %max3A_269 : f32 to vector<512xf32>
    %max3A_271 = arith.maximumf %max3A_270, %reduce_max3A_268 : vector<512xf32>
    %broadcast_in_dim3A_272 = vector.shape_cast %max3A_271 : vector<512xf32> to vector<512x1xf32>
    %sub3A_273 = vector.broadcast %broadcast_in_dim3A_272 : vector<512x1xf32> to vector<512x64xf32>
    %sub3A_274 = arith.subf %dot_general3A_266, %sub3A_273 : vector<512x64xf32>
    %exp3A_275 = math.exp %sub3A_274 : vector<512x64xf32>
    %reduce_sum3A_276 = arith.constant dense<0.000000e+00> : vector<512xf32>
    %reduce_sum3A_277 = vector.multi_reduction <add>, %exp3A_275, %reduce_sum3A_276 [1] : vector<512x64xf32> to vector<512xf32>
    %broadcast_in_dim3A_278 = vector.shape_cast %reduce_sum3A_277 : vector<512xf32> to vector<512x1xf32>
    %div3A_279 = vector.broadcast %broadcast_in_dim3A_278 : vector<512x1xf32> to vector<512x64xf32>
    %div3A_280 = arith.divf %exp3A_275, %div3A_279 : vector<512x64xf32>
    %dot_general3A_281 = arith.constant dense<0.000000e+00> : vector<512x128xf32>
    %dot_general3A_282 = tpu.matmul %div3A_280, %get3A_94, %dot_general3A_281 {dimension_numbers = #tpu.dot_dimension_numbers<[1], [0], [0], [1], [0, 0, 1, 1], [], []>, transpose_lhs_hint = false} : vector<512x64xf32>, vector<64x128xf32>, vector<512x128xf32> -> vector<512x128xf32>
    %reduce_sum3A_283 = arith.constant dense<0.000000e+00> : vector<512xf32>
    %reduce_sum3A_284 = vector.multi_reduction <add>, %dot_general3A_282, %reduce_sum3A_283 [1] : vector<512x128xf32> to vector<512xf32>
    %broadcast_in_dim3A_285 = vector.shape_cast %reduce_sum3A_284 : vector<512xf32> to vector<512x1xf32>
    %mul3A_286 = arith.constant 5.000000e-01 : f32
    %mul3A_287 = vector.broadcast %mul3A_286 : f32 to vector<512x1xf32>
    %mul3A_288 = arith.mulf %mul3A_287, %dot_general3A_264 : vector<512x1xf32>
    %add3A_289 = arith.constant 1.000000e-10 : f32
    %add3A_290 = vector.broadcast %add3A_289 : f32 to vector<512x1xf32>
    %add3A_291 = arith.addf %broadcast_in_dim3A_285, %add3A_290 : vector<512x1xf32>
    %log3A_292 = math.log %add3A_291 : vector<512x1xf32>
    %neg3A_293 = arith.constant 0.000000e+00 : f32
    %neg3A_294 = vector.broadcast %neg3A_293 : f32 to vector<512x1xf32>
    %neg3A_295 = arith.subf %neg3A_294, %log3A_292 : vector<512x1xf32>
    %mul3A_296 = arith.constant 5.000000e-01 : f32
    %mul3A_297 = vector.broadcast %mul3A_296 : f32 to vector<512x1xf32>
    %mul3A_298 = arith.mulf %mul3A_297, %neg3A_295 : vector<512x1xf32>
    %add3A_299 = arith.addf %mul3A_288, %mul3A_298 : vector<512x1xf32>
    %reshape3A_300 = vector.shape_cast %add3A_299 : vector<512x1xf32> to vector<1x512xf32>
    %swap3A_301 = arith.constant 0 : index
    %swap3A_302 = arith.constant 2048 : index
    %swap3A_303 = vector.load %arg12[%swap3A_301, %swap3A_302] : memref<1x4096xf32, #tpu.memory_space<vmem>>, vector<1x512xf32>
    tpu.vector_store %arg12[%swap3A_301, %swap3A_302], %reshape3A_300 {strides = array<i32>} : memref<1x4096xf32, #tpu.memory_space<vmem>>, vector<1x512xf32>,
    %get3A_304 = arith.constant 2560 : index
    %get3A_305 = arith.constant 0 : index
    %get3A_306 = vector.load %arg0[%get3A_304, %get3A_305] : memref<4096x128xf32, #tpu.memory_space<vmem>>, vector<512x128xf32>
    %dot_general3A_307 = arith.constant dense<0.000000e+00> : vector<512x1xf32>
    %dot_general3A_308 = tpu.matmul %get3A_306, %get3A_97, %dot_general3A_307 {dimension_numbers = #tpu.dot_dimension_numbers<[1], [0], [0], [1], [0, 0, 1, 1], [], []>, transpose_lhs_hint = false} : vector<512x128xf32>, vector<128x1xf32>, vector<512x1xf32> -> vector<512x1xf32>
    %dot_general3A_309 = arith.constant dense<0.000000e+00> : vector<512x64xf32>
    %dot_general3A_310 = tpu.matmul %get3A_306, %get3A_94, %dot_general3A_309 {dimension_numbers = #tpu.dot_dimension_numbers<[1], [1], [0], [0], [0, 0, 1, 0], [], []>, transpose_lhs_hint = false} : vector<512x128xf32>, vector<64x128xf32>, vector<512x64xf32> -> vector<512x64xf32>
    %reduce_max3A_311 = arith.constant dense<0xFF800000> : vector<512xf32>
    %reduce_max3A_312 = vector.multi_reduction <maximumf>, %dot_general3A_310, %reduce_max3A_311 [1] : vector<512x64xf32> to vector<512xf32>
    %max3A_313 = arith.constant 0xFF800000 : f32
    %max3A_314 = vector.broadcast %max3A_313 : f32 to vector<512xf32>
    %max3A_315 = arith.maximumf %max3A_314, %reduce_max3A_312 : vector<512xf32>
    %broadcast_in_dim3A_316 = vector.shape_cast %max3A_315 : vector<512xf32> to vector<512x1xf32>
    %sub3A_317 = vector.broadcast %broadcast_in_dim3A_316 : vector<512x1xf32> to vector<512x64xf32>
    %sub3A_318 = arith.subf %dot_general3A_310, %sub3A_317 : vector<512x64xf32>
    %exp3A_319 = math.exp %sub3A_318 : vector<512x64xf32>
    %reduce_sum3A_320 = arith.constant dense<0.000000e+00> : vector<512xf32>
    %reduce_sum3A_321 = vector.multi_reduction <add>, %exp3A_319, %reduce_sum3A_320 [1] : vector<512x64xf32> to vector<512xf32>
    %broadcast_in_dim3A_322 = vector.shape_cast %reduce_sum3A_321 : vector<512xf32> to vector<512x1xf32>
    %div3A_323 = vector.broadcast %broadcast_in_dim3A_322 : vector<512x1xf32> to vector<512x64xf32>
    %div3A_324 = arith.divf %exp3A_319, %div3A_323 : vector<512x64xf32>
    %dot_general3A_325 = arith.constant dense<0.000000e+00> : vector<512x128xf32>
    %dot_general3A_326 = tpu.matmul %div3A_324, %get3A_94, %dot_general3A_325 {dimension_numbers = #tpu.dot_dimension_numbers<[1], [0], [0], [1], [0, 0, 1, 1], [], []>, transpose_lhs_hint = false} : vector<512x64xf32>, vector<64x128xf32>, vector<512x128xf32> -> vector<512x128xf32>
    %reduce_sum3A_327 = arith.constant dense<0.000000e+00> : vector<512xf32>
    %reduce_sum3A_328 = vector.multi_reduction <add>, %dot_general3A_326, %reduce_sum3A_327 [1] : vector<512x128xf32> to vector<512xf32>
    %broadcast_in_dim3A_329 = vector.shape_cast %reduce_sum3A_328 : vector<512xf32> to vector<512x1xf32>
    %mul3A_330 = arith.constant 5.000000e-01 : f32
    %mul3A_331 = vector.broadcast %mul3A_330 : f32 to vector<512x1xf32>
    %mul3A_332 = arith.mulf %mul3A_331, %dot_general3A_308 : vector<512x1xf32>
    %add3A_333 = arith.constant 1.000000e-10 : f32
    %add3A_334 = vector.broadcast %add3A_333 : f32 to vector<512x1xf32>
    %add3A_335 = arith.addf %broadcast_in_dim3A_329, %add3A_334 : vector<512x1xf32>
    %log3A_336 = math.log %add3A_335 : vector<512x1xf32>
    %neg3A_337 = arith.constant 0.000000e+00 : f32
    %neg3A_338 = vector.broadcast %neg3A_337 : f32 to vector<512x1xf32>
    %neg3A_339 = arith.subf %neg3A_338, %log3A_336 : vector<512x1xf32>
    %mul3A_340 = arith.constant 5.000000e-01 : f32
    %mul3A_341 = vector.broadcast %mul3A_340 : f32 to vector<512x1xf32>
    %mul3A_342 = arith.mulf %mul3A_341, %neg3A_339 : vector<512x1xf32>
    %add3A_343 = arith.addf %mul3A_332, %mul3A_342 : vector<512x1xf32>
    %reshape3A_344 = vector.shape_cast %add3A_343 : vector<512x1xf32> to vector<1x512xf32>
    %swap3A_345 = arith.constant 0 : index
    %swap3A_346 = arith.constant 2560 : index
    %swap3A_347 = vector.load %arg12[%swap3A_345, %swap3A_346] : memref<1x4096xf32, #tpu.memory_space<vmem>>, vector<1x512xf32>
    tpu.vector_store %arg12[%swap3A_345, %swap3A_346], %reshape3A_344 {strides = array<i32>} : memref<1x4096xf32, #tpu.memory_space<vmem>>, vector<1x512xf32>,
    %get3A_348 = arith.constant 3072 : index
    %get3A_349 = arith.constant 0 : index
    %get3A_350 = vector.load %arg0[%get3A_348, %get3A_349] : memref<4096x128xf32, #tpu.memory_space<vmem>>, vector<512x128xf32>
    %dot_general3A_351 = arith.constant dense<0.000000e+00> : vector<512x1xf32>
    %dot_general3A_352 = tpu.matmul %get3A_350, %get3A_97, %dot_general3A_351 {dimension_numbers = #tpu.dot_dimension_numbers<[1], [0], [0], [1], [0, 0, 1, 1], [], []>, transpose_lhs_hint = false} : vector<512x128xf32>, vector<128x1xf32>, vector<512x1xf32> -> vector<512x1xf32>
    %dot_general3A_353 = arith.constant dense<0.000000e+00> : vector<512x64xf32>
    %dot_general3A_354 = tpu.matmul %get3A_350, %get3A_94, %dot_general3A_353 {dimension_numbers = #tpu.dot_dimension_numbers<[1], [1], [0], [0], [0, 0, 1, 0], [], []>, transpose_lhs_hint = false} : vector<512x128xf32>, vector<64x128xf32>, vector<512x64xf32> -> vector<512x64xf32>
    %reduce_max3A_355 = arith.constant dense<0xFF800000> : vector<512xf32>
    %reduce_max3A_356 = vector.multi_reduction <maximumf>, %dot_general3A_354, %reduce_max3A_355 [1] : vector<512x64xf32> to vector<512xf32>
    %max3A_357 = arith.constant 0xFF800000 : f32
    %max3A_358 = vector.broadcast %max3A_357 : f32 to vector<512xf32>
    %max3A_359 = arith.maximumf %max3A_358, %reduce_max3A_356 : vector<512xf32>
    %broadcast_in_dim3A_360 = vector.shape_cast %max3A_359 : vector<512xf32> to vector<512x1xf32>
    %sub3A_361 = vector.broadcast %broadcast_in_dim3A_360 : vector<512x1xf32> to vector<512x64xf32>
    %sub3A_362 = arith.subf %dot_general3A_354, %sub3A_361 : vector<512x64xf32>
    %exp3A_363 = math.exp %sub3A_362 : vector<512x64xf32>
    %reduce_sum3A_364 = arith.constant dense<0.000000e+00> : vector<512xf32>
    %reduce_sum3A_365 = vector.multi_reduction <add>, %exp3A_363, %reduce_sum3A_364 [1] : vector<512x64xf32> to vector<512xf32>
    %broadcast_in_dim3A_366 = vector.shape_cast %reduce_sum3A_365 : vector<512xf32> to vector<512x1xf32>
    %div3A_367 = vector.broadcast %broadcast_in_dim3A_366 : vector<512x1xf32> to vector<512x64xf32>
    %div3A_368 = arith.divf %exp3A_363, %div3A_367 : vector<512x64xf32>
    %dot_general3A_369 = arith.constant dense<0.000000e+00> : vector<512x128xf32>
    %dot_general3A_370 = tpu.matmul %div3A_368, %get3A_94, %dot_general3A_369 {dimension_numbers = #tpu.dot_dimension_numbers<[1], [0], [0], [1], [0, 0, 1, 1], [], []>, transpose_lhs_hint = false} : vector<512x64xf32>, vector<64x128xf32>, vector<512x128xf32> -> vector<512x128xf32>
    %reduce_sum3A_371 = arith.constant dense<0.000000e+00> : vector<512xf32>
    %reduce_sum3A_372 = vector.multi_reduction <add>, %dot_general3A_370, %reduce_sum3A_371 [1] : vector<512x128xf32> to vector<512xf32>
    %broadcast_in_dim3A_373 = vector.shape_cast %reduce_sum3A_372 : vector<512xf32> to vector<512x1xf32>
    %mul3A_374 = arith.constant 5.000000e-01 : f32
    %mul3A_375 = vector.broadcast %mul3A_374 : f32 to vector<512x1xf32>
    %mul3A_376 = arith.mulf %mul3A_375, %dot_general3A_352 : vector<512x1xf32>
    %add3A_377 = arith.constant 1.000000e-10 : f32
    %add3A_378 = vector.broadcast %add3A_377 : f32 to vector<512x1xf32>
    %add3A_379 = arith.addf %broadcast_in_dim3A_373, %add3A_378 : vector<512x1xf32>
    %log3A_380 = math.log %add3A_379 : vector<512x1xf32>
    %neg3A_381 = arith.constant 0.000000e+00 : f32
    %neg3A_382 = vector.broadcast %neg3A_381 : f32 to vector<512x1xf32>
    %neg3A_383 = arith.subf %neg3A_382, %log3A_380 : vector<512x1xf32>
    %mul3A_384 = arith.constant 5.000000e-01 : f32
    %mul3A_385 = vector.broadcast %mul3A_384 : f32 to vector<512x1xf32>
    %mul3A_386 = arith.mulf %mul3A_385, %neg3A_383 : vector<512x1xf32>
    %add3A_387 = arith.addf %mul3A_376, %mul3A_386 : vector<512x1xf32>
    %reshape3A_388 = vector.shape_cast %add3A_387 : vector<512x1xf32> to vector<1x512xf32>
    %swap3A_389 = arith.constant 0 : index
    %swap3A_390 = arith.constant 3072 : index
    %swap3A_391 = vector.load %arg12[%swap3A_389, %swap3A_390] : memref<1x4096xf32, #tpu.memory_space<vmem>>, vector<1x512xf32>
    tpu.vector_store %arg12[%swap3A_389, %swap3A_390], %reshape3A_388 {strides = array<i32>} : memref<1x4096xf32, #tpu.memory_space<vmem>>, vector<1x512xf32>,
    %get3A_392 = arith.constant 3584 : index
    %get3A_393 = arith.constant 0 : index
    %get3A_394 = vector.load %arg0[%get3A_392, %get3A_393] : memref<4096x128xf32, #tpu.memory_space<vmem>>, vector<512x128xf32>
    %dot_general3A_395 = arith.constant dense<0.000000e+00> : vector<512x1xf32>
    %dot_general3A_396 = tpu.matmul %get3A_394, %get3A_97, %dot_general3A_395 {dimension_numbers = #tpu.dot_dimension_numbers<[1], [0], [0], [1], [0, 0, 1, 1], [], []>, transpose_lhs_hint = false} : vector<512x128xf32>, vector<128x1xf32>, vector<512x1xf32> -> vector<512x1xf32>
    %dot_general3A_397 = arith.constant dense<0.000000e+00> : vector<512x64xf32>
    %dot_general3A_398 = tpu.matmul %get3A_394, %get3A_94, %dot_general3A_397 {dimension_numbers = #tpu.dot_dimension_numbers<[1], [1], [0], [0], [0, 0, 1, 0], [], []>, transpose_lhs_hint = false} : vector<512x128xf32>, vector<64x128xf32>, vector<512x64xf32> -> vector<512x64xf32>
    %reduce_max3A_399 = arith.constant dense<0xFF800000> : vector<512xf32>
    %reduce_max3A_400 = vector.multi_reduction <maximumf>, %dot_general3A_398, %reduce_max3A_399 [1] : vector<512x64xf32> to vector<512xf32>
    %max3A_401 = arith.constant 0xFF800000 : f32
    %max3A_402 = vector.broadcast %max3A_401 : f32 to vector<512xf32>
    %max3A_403 = arith.maximumf %max3A_402, %reduce_max3A_400 : vector<512xf32>
    %broadcast_in_dim3A_404 = vector.shape_cast %max3A_403 : vector<512xf32> to vector<512x1xf32>
    %sub3A_405 = vector.broadcast %broadcast_in_dim3A_404 : vector<512x1xf32> to vector<512x64xf32>
    %sub3A_406 = arith.subf %dot_general3A_398, %sub3A_405 : vector<512x64xf32>
    %exp3A_407 = math.exp %sub3A_406 : vector<512x64xf32>
    %reduce_sum3A_408 = arith.constant dense<0.000000e+00> : vector<512xf32>
    %reduce_sum3A_409 = vector.multi_reduction <add>, %exp3A_407, %reduce_sum3A_408 [1] : vector<512x64xf32> to vector<512xf32>
    %broadcast_in_dim3A_410 = vector.shape_cast %reduce_sum3A_409 : vector<512xf32> to vector<512x1xf32>
    %div3A_411 = vector.broadcast %broadcast_in_dim3A_410 : vector<512x1xf32> to vector<512x64xf32>
    %div3A_412 = arith.divf %exp3A_407, %div3A_411 : vector<512x64xf32>
    %dot_general3A_413 = arith.constant dense<0.000000e+00> : vector<512x128xf32>
    %dot_general3A_414 = tpu.matmul %div3A_412, %get3A_94, %dot_general3A_413 {dimension_numbers = #tpu.dot_dimension_numbers<[1], [0], [0], [1], [0, 0, 1, 1], [], []>, transpose_lhs_hint = false} : vector<512x64xf32>, vector<64x128xf32>, vector<512x128xf32> -> vector<512x128xf32>
    %reduce_sum3A_415 = arith.constant dense<0.000000e+00> : vector<512xf32>
    %reduce_sum3A_416 = vector.multi_reduction <add>, %dot_general3A_414, %reduce_sum3A_415 [1] : vector<512x128xf32> to vector<512xf32>
    %broadcast_in_dim3A_417 = vector.shape_cast %reduce_sum3A_416 : vector<512xf32> to vector<512x1xf32>
    %mul3A_418 = arith.constant 5.000000e-01 : f32
    %mul3A_419 = vector.broadcast %mul3A_418 : f32 to vector<512x1xf32>
    %mul3A_420 = arith.mulf %mul3A_419, %dot_general3A_396 : vector<512x1xf32>
    %add3A_421 = arith.constant 1.000000e-10 : f32
    %add3A_422 = vector.broadcast %add3A_421 : f32 to vector<512x1xf32>
    %add3A_423 = arith.addf %broadcast_in_dim3A_417, %add3A_422 : vector<512x1xf32>
    %log3A_424 = math.log %add3A_423 : vector<512x1xf32>
    %neg3A_425 = arith.constant 0.000000e+00 : f32
    %neg3A_426 = vector.broadcast %neg3A_425 : f32 to vector<512x1xf32>
    %neg3A_427 = arith.subf %neg3A_426, %log3A_424 : vector<512x1xf32>
    %mul3A_428 = arith.constant 5.000000e-01 : f32
    %mul3A_429 = vector.broadcast %mul3A_428 : f32 to vector<512x1xf32>
    %mul3A_430 = arith.mulf %mul3A_429, %neg3A_427 : vector<512x1xf32>
    %add3A_431 = arith.addf %mul3A_420, %mul3A_430 : vector<512x1xf32>
    %reshape3A_432 = vector.shape_cast %add3A_431 : vector<512x1xf32> to vector<1x512xf32>
    %swap3A_433 = arith.constant 0 : index
    %swap3A_434 = arith.constant 3584 : index
    %swap3A_435 = vector.load %arg12[%swap3A_433, %swap3A_434] : memref<1x4096xf32, #tpu.memory_space<vmem>>, vector<1x512xf32>
    tpu.vector_store %arg12[%swap3A_433, %swap3A_434], %reshape3A_432 {strides = array<i32>} : memref<1x4096xf32, #tpu.memory_space<vmem>>, vector<1x512xf32>,
    %get3A_436 = arith.constant 0 : index
    %get3A_437 = arith.constant 0 : index
    %get3A_438 = vector.load %arg12[%get3A_436, %get3A_437] : memref<1x4096xf32, #tpu.memory_space<vmem>>, vector<1x4096xf32>
    %get3A_439 = arith.constant 0 : index
    %get3A_440 = arith.constant 0 : index
    %get3A_441 = memref.load %arg4[%get3A_439, %get3A_440] : memref<1x11xf32, #tpu.memory_space<smem>>
    %mul3A_442 = vector.broadcast %get3A_441 : f32 to vector<1x4096xf32>
    %mul3A_443 = arith.mulf %get3A_438, %mul3A_442 : vector<1x4096xf32>
    %swap3A_444 = arith.constant 0 : index
    %swap3A_445 = arith.constant 0 : index
    %swap3A_446 = vector.load %arg14[%swap3A_444, %swap3A_445] : memref<1x4096xf32, #tpu.memory_space<vmem>>, vector<1x4096xf32>
    tpu.vector_store %arg14[%swap3A_444, %swap3A_445], %mul3A_443 {strides = array<i32>} : memref<1x4096xf32, #tpu.memory_space<vmem>>, vector<1x4096xf32>,
    %dma_wait3A = arith.constant 0 : i32
    %dma_wait3A_447 = tpu.memref_slice %arg15[%dma_wait3A] : memref<8x!tpu.dma_semaphore, #tpu.memory_space<semaphore_mem>> -> memref<1x!tpu.dma_semaphore, #tpu.memory_space<semaphore_mem>>
    %dma_wait3A_448 = tpu.memref_squeeze %dma_wait3A_447 : memref<1x!tpu.dma_semaphore, #tpu.memory_space<semaphore_mem>> -> memref<!tpu.dma_semaphore, #tpu.memory_space<semaphore_mem>>
    %dma_wait3A_449 = arith.constant 0 : i32
    %dma_wait3A_450 = arith.constant 0 : i32
    %dma_wait3A_451 = tpu.memref_slice %arg7[%dma_wait3A_449, %dma_wait3A_450] : memref<896x4096xf32, #tpu.memory_space<vmem>> -> memref<448x4096xf32, #tpu.memory_space<vmem>>
    %dma_wait3A_452 = arith.constant 0 : i32
    %dma_wait3A_453 = arith.constant 0 : i32
    %dma_wait3A_454 = tpu.memref_slice %arg2[%dma_wait3A_452, %dma_wait3A_453] : memref<4096x4096xf32, #tpu.memory_space<any>> -> memref<448x4096xf32, #tpu.memory_space<any>>
    tpu.wait_dma2 semaphore(%dma_wait3A_448 : memref<!tpu.dma_semaphore, #tpu.memory_space<semaphore_mem>>) src(%dma_wait3A_454 : memref<448x4096xf32, #tpu.memory_space<any>>) dst(%dma_wait3A_451 : memref<448x4096xf32, #tpu.memory_space<vmem>>)
    %get3A_455 = arith.constant 0 : index
    %get3A_456 = arith.constant 0 : index
    %get3A_457 = vector.load %arg14[%get3A_455, %get3A_456] : memref<1x4096xf32, #tpu.memory_space<vmem>>, vector<1x4096xf32>
    %get3A_458 = arith.constant 0 : index
    %get3A_459 = arith.constant 0 : index
    %get3A_460 = vector.load %arg7[%get3A_458, %get3A_459] : memref<896x4096xf32, #tpu.memory_space<vmem>>, vector<448x4096xf32>
    %dot_general3A_461 = arith.constant dense<0.000000e+00> : vector<1x448xf32>
    %dot_general3A_462 = tpu.matmul %get3A_457, %get3A_460, %dot_general3A_461 {dimension_numbers = #tpu.dot_dimension_numbers<[1], [1], [0], [0], [0, 0, 1, 0], [], []>, transpose_lhs_hint = false} : vector<1x4096xf32>, vector<448x4096xf32>, vector<1x448xf32> -> vector<1x448xf32>
    %swap3A_463 = arith.constant 0 : index
    %swap3A_464 = arith.constant 0 : index
    %swap3A_465 = vector.load %arg13[%swap3A_463, %swap3A_464] : memref<1x4096xf32, #tpu.memory_space<vmem>>, vector<1x448xf32>
    tpu.vector_store %arg13[%swap3A_463, %swap3A_464], %dot_general3A_462 {strides = array<i32>} : memref<1x4096xf32, #tpu.memory_space<vmem>>, vector<1x448xf32>,
    %dma_wait3A_466 = arith.constant 1 : i32
    %dma_wait3A_467 = tpu.memref_slice %arg15[%dma_wait3A_466] : memref<8x!tpu.dma_semaphore, #tpu.memory_space<semaphore_mem>> -> memref<1x!tpu.dma_semaphore, #tpu.memory_space<semaphore_mem>>
    %dma_wait3A_468 = tpu.memref_squeeze %dma_wait3A_467 : memref<1x!tpu.dma_semaphore, #tpu.memory_space<semaphore_mem>> -> memref<!tpu.dma_semaphore, #tpu.memory_space<semaphore_mem>>
    %dma_wait3A_469 = arith.constant 0 : i32
    %dma_wait3A_470 = arith.constant 0 : i32
    %dma_wait3A_471 = tpu.memref_slice %arg8[%dma_wait3A_469, %dma_wait3A_470] : memref<896x4096xf32, #tpu.memory_space<vmem>> -> memref<448x4096xf32, #tpu.memory_space<vmem>>
    %dma_wait3A_472 = arith.constant 896 : i32
    %dma_wait3A_473 = arith.constant 0 : i32
    %dma_wait3A_474 = tpu.memref_slice %arg2[%dma_wait3A_472, %dma_wait3A_473] : memref<4096x4096xf32, #tpu.memory_space<any>> -> memref<448x4096xf32, #tpu.memory_space<any>>
    tpu.wait_dma2 semaphore(%dma_wait3A_468 : memref<!tpu.dma_semaphore, #tpu.memory_space<semaphore_mem>>) src(%dma_wait3A_474 : memref<448x4096xf32, #tpu.memory_space<any>>) dst(%dma_wait3A_471 : memref<448x4096xf32, #tpu.memory_space<vmem>>)
    %get3A_475 = arith.constant 0 : index
    %get3A_476 = arith.constant 0 : index
    %get3A_477 = vector.load %arg14[%get3A_475, %get3A_476] : memref<1x4096xf32, #tpu.memory_space<vmem>>, vector<1x4096xf32>
    %get3A_478 = arith.constant 0 : index
    %get3A_479 = arith.constant 0 : index
    %get3A_480 = vector.load %arg8[%get3A_478, %get3A_479] : memref<896x4096xf32, #tpu.memory_space<vmem>>, vector<448x4096xf32>
    %dot_general3A_481 = arith.constant dense<0.000000e+00> : vector<1x448xf32>
    %dot_general3A_482 = tpu.matmul %get3A_477, %get3A_480, %dot_general3A_481 {dimension_numbers = #tpu.dot_dimension_numbers<[1], [1], [0], [0], [0, 0, 1, 0], [], []>, transpose_lhs_hint = false} : vector<1x4096xf32>, vector<448x4096xf32>, vector<1x448xf32> -> vector<1x448xf32>
    %swap3A_483 = arith.constant 0 : index
    %swap3A_484 = arith.constant 896 : index
    %swap3A_485 = vector.load %arg13[%swap3A_483, %swap3A_484] : memref<1x4096xf32, #tpu.memory_space<vmem>>, vector<1x448xf32>
    tpu.vector_store %arg13[%swap3A_483, %swap3A_484], %dot_general3A_482 {strides = array<i32>} : memref<1x4096xf32, #tpu.memory_space<vmem>>, vector<1x448xf32>,
    %dma_wait3A_486 = arith.constant 2 : i32
    %dma_wait3A_487 = tpu.memref_slice %arg15[%dma_wait3A_486] : memref<8x!tpu.dma_semaphore, #tpu.memory_space<semaphore_mem>> -> memref<1x!tpu.dma_semaphore, #tpu.memory_space<semaphore_mem>>
    %dma_wait3A_488 = tpu.memref_squeeze %dma_wait3A_487 : memref<1x!tpu.dma_semaphore, #tpu.memory_space<semaphore_mem>> -> memref<!tpu.dma_semaphore, #tpu.memory_space<semaphore_mem>>
    %dma_wait3A_489 = arith.constant 0 : i32
    %dma_wait3A_490 = arith.constant 0 : i32
    %dma_wait3A_491 = tpu.memref_slice %arg9[%dma_wait3A_489, %dma_wait3A_490] : memref<896x4096xf32, #tpu.memory_space<vmem>> -> memref<448x4096xf32, #tpu.memory_space<vmem>>
    %dma_wait3A_492 = arith.constant 1792 : i32
    %dma_wait3A_493 = arith.constant 0 : i32
    %dma_wait3A_494 = tpu.memref_slice %arg2[%dma_wait3A_492, %dma_wait3A_493] : memref<4096x4096xf32, #tpu.memory_space<any>> -> memref<448x4096xf32, #tpu.memory_space<any>>
    tpu.wait_dma2 semaphore(%dma_wait3A_488 : memref<!tpu.dma_semaphore, #tpu.memory_space<semaphore_mem>>) src(%dma_wait3A_494 : memref<448x4096xf32, #tpu.memory_space<any>>) dst(%dma_wait3A_491 : memref<448x4096xf32, #tpu.memory_space<vmem>>)
    %get3A_495 = arith.constant 0 : index
    %get3A_496 = arith.constant 0 : index
    %get3A_497 = vector.load %arg14[%get3A_495, %get3A_496] : memref<1x4096xf32, #tpu.memory_space<vmem>>, vector<1x4096xf32>
    %get3A_498 = arith.constant 0 : index
    %get3A_499 = arith.constant 0 : index
    %get3A_500 = vector.load %arg9[%get3A_498, %get3A_499] : memref<896x4096xf32, #tpu.memory_space<vmem>>, vector<448x4096xf32>
    %dot_general3A_501 = arith.constant dense<0.000000e+00> : vector<1x448xf32>
    %dot_general3A_502 = tpu.matmul %get3A_497, %get3A_500, %dot_general3A_501 {dimension_numbers = #tpu.dot_dimension_numbers<[1], [1], [0], [0], [0, 0, 1, 0], [], []>, transpose_lhs_hint = false} : vector<1x4096xf32>, vector<448x4096xf32>, vector<1x448xf32> -> vector<1x448xf32>
    %swap3A_503 = arith.constant 0 : index
    %swap3A_504 = arith.constant 1792 : index
    %swap3A_505 = vector.load %arg13[%swap3A_503, %swap3A_504] : memref<1x4096xf32, #tpu.memory_space<vmem>>, vector<1x448xf32>
    tpu.vector_store %arg13[%swap3A_503, %swap3A_504], %dot_general3A_502 {strides = array<i32>} : memref<1x4096xf32, #tpu.memory_space<vmem>>, vector<1x448xf32>,
    %dma_wait3A_506 = arith.constant 3 : i32
    %dma_wait3A_507 = tpu.memref_slice %arg15[%dma_wait3A_506] : memref<8x!tpu.dma_semaphore, #tpu.memory_space<semaphore_mem>> -> memref<1x!tpu.dma_semaphore, #tpu.memory_space<semaphore_mem>>
    %dma_wait3A_508 = tpu.memref_squeeze %dma_wait3A_507 : memref<1x!tpu.dma_semaphore, #tpu.memory_space<semaphore_mem>> -> memref<!tpu.dma_semaphore, #tpu.memory_space<semaphore_mem>>
    %dma_wait3A_509 = arith.constant 0 : i32
    %dma_wait3A_510 = arith.constant 0 : i32
    %dma_wait3A_511 = tpu.memref_slice %arg10[%dma_wait3A_509, %dma_wait3A_510] : memref<896x4096xf32, #tpu.memory_space<vmem>> -> memref<448x4096xf32, #tpu.memory_space<vmem>>
    %dma_wait3A_512 = arith.constant 2688 : i32
    %dma_wait3A_513 = arith.constant 0 : i32
    %dma_wait3A_514 = tpu.memref_slice %arg2[%dma_wait3A_512, %dma_wait3A_513] : memref<4096x4096xf32, #tpu.memory_space<any>> -> memref<448x4096xf32, #tpu.memory_space<any>>
    tpu.wait_dma2 semaphore(%dma_wait3A_508 : memref<!tpu.dma_semaphore, #tpu.memory_space<semaphore_mem>>) src(%dma_wait3A_514 : memref<448x4096xf32, #tpu.memory_space<any>>) dst(%dma_wait3A_511 : memref<448x4096xf32, #tpu.memory_space<vmem>>)
    %get3A_515 = arith.constant 0 : index
    %get3A_516 = arith.constant 0 : index
    %get3A_517 = vector.load %arg14[%get3A_515, %get3A_516] : memref<1x4096xf32, #tpu.memory_space<vmem>>, vector<1x4096xf32>
    %get3A_518 = arith.constant 0 : index
    %get3A_519 = arith.constant 0 : index
    %get3A_520 = vector.load %arg10[%get3A_518, %get3A_519] : memref<896x4096xf32, #tpu.memory_space<vmem>>, vector<448x4096xf32>
    %dot_general3A_521 = arith.constant dense<0.000000e+00> : vector<1x448xf32>
    %dot_general3A_522 = tpu.matmul %get3A_517, %get3A_520, %dot_general3A_521 {dimension_numbers = #tpu.dot_dimension_numbers<[1], [1], [0], [0], [0, 0, 1, 0], [], []>, transpose_lhs_hint = false} : vector<1x4096xf32>, vector<448x4096xf32>, vector<1x448xf32> -> vector<1x448xf32>
    %swap3A_523 = arith.constant 0 : index
    %swap3A_524 = arith.constant 2688 : index
    %swap3A_525 = vector.load %arg13[%swap3A_523, %swap3A_524] : memref<1x4096xf32, #tpu.memory_space<vmem>>, vector<1x448xf32>
    tpu.vector_store %arg13[%swap3A_523, %swap3A_524], %dot_general3A_522 {strides = array<i32>} : memref<1x4096xf32, #tpu.memory_space<vmem>>, vector<1x448xf32>,
    %dma_wait3A_526 = arith.constant 4 : i32
    %dma_wait3A_527 = tpu.memref_slice %arg15[%dma_wait3A_526] : memref<8x!tpu.dma_semaphore, #tpu.memory_space<semaphore_mem>> -> memref<1x!tpu.dma_semaphore, #tpu.memory_space<semaphore_mem>>
    %dma_wait3A_528 = tpu.memref_squeeze %dma_wait3A_527 : memref<1x!tpu.dma_semaphore, #tpu.memory_space<semaphore_mem>> -> memref<!tpu.dma_semaphore, #tpu.memory_space<semaphore_mem>>
    %dma_wait3A_529 = arith.constant 448 : i32
    %dma_wait3A_530 = arith.constant 0 : i32
    %dma_wait3A_531 = tpu.memref_slice %arg7[%dma_wait3A_529, %dma_wait3A_530] : memref<896x4096xf32, #tpu.memory_space<vmem>> -> memref<448x4096xf32, #tpu.memory_space<vmem>>
    %dma_wait3A_532 = arith.constant 448 : i32
    %dma_wait3A_533 = arith.constant 0 : i32
    %dma_wait3A_534 = tpu.memref_slice %arg2[%dma_wait3A_532, %dma_wait3A_533] : memref<4096x4096xf32, #tpu.memory_space<any>> -> memref<448x4096xf32, #tpu.memory_space<any>>
    tpu.wait_dma2 semaphore(%dma_wait3A_528 : memref<!tpu.dma_semaphore, #tpu.memory_space<semaphore_mem>>) src(%dma_wait3A_534 : memref<448x4096xf32, #tpu.memory_space<any>>) dst(%dma_wait3A_531 : memref<448x4096xf32, #tpu.memory_space<vmem>>)
    %get3A_535 = arith.constant 0 : index
    %get3A_536 = arith.constant 0 : index
    %get3A_537 = vector.load %arg14[%get3A_535, %get3A_536] : memref<1x4096xf32, #tpu.memory_space<vmem>>, vector<1x4096xf32>
    %get3A_538 = arith.constant 448 : index
    %get3A_539 = arith.constant 0 : index
    %get3A_540 = vector.load %arg7[%get3A_538, %get3A_539] : memref<896x4096xf32, #tpu.memory_space<vmem>>, vector<448x4096xf32>
    %dot_general3A_541 = arith.constant dense<0.000000e+00> : vector<1x448xf32>
    %dot_general3A_542 = tpu.matmul %get3A_537, %get3A_540, %dot_general3A_541 {dimension_numbers = #tpu.dot_dimension_numbers<[1], [1], [0], [0], [0, 0, 1, 0], [], []>, transpose_lhs_hint = false} : vector<1x4096xf32>, vector<448x4096xf32>, vector<1x448xf32> -> vector<1x448xf32>
    %swap3A_543 = arith.constant 0 : index
    %swap3A_544 = arith.constant 448 : index
    %swap3A_545 = vector.load %arg13[%swap3A_543, %swap3A_544] : memref<1x4096xf32, #tpu.memory_space<vmem>>, vector<1x448xf32>
    tpu.vector_store %arg13[%swap3A_543, %swap3A_544], %dot_general3A_542 {strides = array<i32>} : memref<1x4096xf32, #tpu.memory_space<vmem>>, vector<1x448xf32>,
    %dma_wait3A_546 = arith.constant 5 : i32
    %dma_wait3A_547 = tpu.memref_slice %arg15[%dma_wait3A_546] : memref<8x!tpu.dma_semaphore, #tpu.memory_space<semaphore_mem>> -> memref<1x!tpu.dma_semaphore, #tpu.memory_space<semaphore_mem>>
    %dma_wait3A_548 = tpu.memref_squeeze %dma_wait3A_547 : memref<1x!tpu.dma_semaphore, #tpu.memory_space<semaphore_mem>> -> memref<!tpu.dma_semaphore, #tpu.memory_space<semaphore_mem>>
    %dma_wait3A_549 = arith.constant 448 : i32
    %dma_wait3A_550 = arith.constant 0 : i32
    %dma_wait3A_551 = tpu.memref_slice %arg8[%dma_wait3A_549, %dma_wait3A_550] : memref<896x4096xf32, #tpu.memory_space<vmem>> -> memref<448x4096xf32, #tpu.memory_space<vmem>>
    %dma_wait3A_552 = arith.constant 1344 : i32
    %dma_wait3A_553 = arith.constant 0 : i32
    %dma_wait3A_554 = tpu.memref_slice %arg2[%dma_wait3A_552, %dma_wait3A_553] : memref<4096x4096xf32, #tpu.memory_space<any>> -> memref<448x4096xf32, #tpu.memory_space<any>>
    tpu.wait_dma2 semaphore(%dma_wait3A_548 : memref<!tpu.dma_semaphore, #tpu.memory_space<semaphore_mem>>) src(%dma_wait3A_554 : memref<448x4096xf32, #tpu.memory_space<any>>) dst(%dma_wait3A_551 : memref<448x4096xf32, #tpu.memory_space<vmem>>)
    %get3A_555 = arith.constant 0 : index
    %get3A_556 = arith.constant 0 : index
    %get3A_557 = vector.load %arg14[%get3A_555, %get3A_556] : memref<1x4096xf32, #tpu.memory_space<vmem>>, vector<1x4096xf32>
    %get3A_558 = arith.constant 448 : index
    %get3A_559 = arith.constant 0 : index
    %get3A_560 = vector.load %arg8[%get3A_558, %get3A_559] : memref<896x4096xf32, #tpu.memory_space<vmem>>, vector<448x4096xf32>
    %dot_general3A_561 = arith.constant dense<0.000000e+00> : vector<1x448xf32>
    %dot_general3A_562 = tpu.matmul %get3A_557, %get3A_560, %dot_general3A_561 {dimension_numbers = #tpu.dot_dimension_numbers<[1], [1], [0], [0], [0, 0, 1, 0], [], []>, transpose_lhs_hint = false} : vector<1x4096xf32>, vector<448x4096xf32>, vector<1x448xf32> -> vector<1x448xf32>
    %swap3A_563 = arith.constant 0 : index
    %swap3A_564 = arith.constant 1344 : index
    %swap3A_565 = vector.load %arg13[%swap3A_563, %swap3A_564] : memref<1x4096xf32, #tpu.memory_space<vmem>>, vector<1x448xf32>
    tpu.vector_store %arg13[%swap3A_563, %swap3A_564], %dot_general3A_562 {strides = array<i32>} : memref<1x4096xf32, #tpu.memory_space<vmem>>, vector<1x448xf32>,
    %dma_wait3A_566 = arith.constant 6 : i32
    %dma_wait3A_567 = tpu.memref_slice %arg15[%dma_wait3A_566] : memref<8x!tpu.dma_semaphore, #tpu.memory_space<semaphore_mem>> -> memref<1x!tpu.dma_semaphore, #tpu.memory_space<semaphore_mem>>
    %dma_wait3A_568 = tpu.memref_squeeze %dma_wait3A_567 : memref<1x!tpu.dma_semaphore, #tpu.memory_space<semaphore_mem>> -> memref<!tpu.dma_semaphore, #tpu.memory_space<semaphore_mem>>
    %dma_wait3A_569 = arith.constant 448 : i32
    %dma_wait3A_570 = arith.constant 0 : i32
    %dma_wait3A_571 = tpu.memref_slice %arg9[%dma_wait3A_569, %dma_wait3A_570] : memref<896x4096xf32, #tpu.memory_space<vmem>> -> memref<448x4096xf32, #tpu.memory_space<vmem>>
    %dma_wait3A_572 = arith.constant 2240 : i32
    %dma_wait3A_573 = arith.constant 0 : i32
    %dma_wait3A_574 = tpu.memref_slice %arg2[%dma_wait3A_572, %dma_wait3A_573] : memref<4096x4096xf32, #tpu.memory_space<any>> -> memref<448x4096xf32, #tpu.memory_space<any>>
    tpu.wait_dma2 semaphore(%dma_wait3A_568 : memref<!tpu.dma_semaphore, #tpu.memory_space<semaphore_mem>>) src(%dma_wait3A_574 : memref<448x4096xf32, #tpu.memory_space<any>>) dst(%dma_wait3A_571 : memref<448x4096xf32, #tpu.memory_space<vmem>>)
    %get3A_575 = arith.constant 0 : index
    %get3A_576 = arith.constant 0 : index
    %get3A_577 = vector.load %arg14[%get3A_575, %get3A_576] : memref<1x4096xf32, #tpu.memory_space<vmem>>, vector<1x4096xf32>
    %get3A_578 = arith.constant 448 : index
    %get3A_579 = arith.constant 0 : index
    %get3A_580 = vector.load %arg9[%get3A_578, %get3A_579] : memref<896x4096xf32, #tpu.memory_space<vmem>>, vector<448x4096xf32>
    %dot_general3A_581 = arith.constant dense<0.000000e+00> : vector<1x448xf32>
    %dot_general3A_582 = tpu.matmul %get3A_577, %get3A_580, %dot_general3A_581 {dimension_numbers = #tpu.dot_dimension_numbers<[1], [1], [0], [0], [0, 0, 1, 0], [], []>, transpose_lhs_hint = false} : vector<1x4096xf32>, vector<448x4096xf32>, vector<1x448xf32> -> vector<1x448xf32>
    %swap3A_583 = arith.constant 0 : index
    %swap3A_584 = arith.constant 2240 : index
    %swap3A_585 = vector.load %arg13[%swap3A_583, %swap3A_584] : memref<1x4096xf32, #tpu.memory_space<vmem>>, vector<1x448xf32>
    tpu.vector_store %arg13[%swap3A_583, %swap3A_584], %dot_general3A_582 {strides = array<i32>} : memref<1x4096xf32, #tpu.memory_space<vmem>>, vector<1x448xf32>,
    %dma_wait3A_586 = arith.constant 7 : i32
    %dma_wait3A_587 = tpu.memref_slice %arg15[%dma_wait3A_586] : memref<8x!tpu.dma_semaphore, #tpu.memory_space<semaphore_mem>> -> memref<1x!tpu.dma_semaphore, #tpu.memory_space<semaphore_mem>>
    %dma_wait3A_588 = tpu.memref_squeeze %dma_wait3A_587 : memref<1x!tpu.dma_semaphore, #tpu.memory_space<semaphore_mem>> -> memref<!tpu.dma_semaphore, #tpu.memory_space<semaphore_mem>>
    %dma_wait3A_589 = arith.constant 448 : i32
    %dma_wait3A_590 = arith.constant 0 : i32
    %dma_wait3A_591 = tpu.memref_slice %arg10[%dma_wait3A_589, %dma_wait3A_590] : memref<896x4096xf32, #tpu.memory_space<vmem>> -> memref<448x4096xf32, #tpu.memory_space<vmem>>
    %dma_wait3A_592 = arith.constant 3136 : i32
    %dma_wait3A_593 = arith.constant 0 : i32
    %dma_wait3A_594 = tpu.memref_slice %arg2[%dma_wait3A_592, %dma_wait3A_593] : memref<4096x4096xf32, #tpu.memory_space<any>> -> memref<448x4096xf32, #tpu.memory_space<any>>
    tpu.wait_dma2 semaphore(%dma_wait3A_588 : memref<!tpu.dma_semaphore, #tpu.memory_space<semaphore_mem>>) src(%dma_wait3A_594 : memref<448x4096xf32, #tpu.memory_space<any>>) dst(%dma_wait3A_591 : memref<448x4096xf32, #tpu.memory_space<vmem>>)
    %get3A_595 = arith.constant 0 : index
    %get3A_596 = arith.constant 0 : index
    %get3A_597 = vector.load %arg14[%get3A_595, %get3A_596] : memref<1x4096xf32, #tpu.memory_space<vmem>>, vector<1x4096xf32>
    %get3A_598 = arith.constant 448 : index
    %get3A_599 = arith.constant 0 : index
    %get3A_600 = vector.load %arg10[%get3A_598, %get3A_599] : memref<896x4096xf32, #tpu.memory_space<vmem>>, vector<448x4096xf32>
    %dot_general3A_601 = arith.constant dense<0.000000e+00> : vector<1x448xf32>
    %dot_general3A_602 = tpu.matmul %get3A_597, %get3A_600, %dot_general3A_601 {dimension_numbers = #tpu.dot_dimension_numbers<[1], [1], [0], [0], [0, 0, 1, 0], [], []>, transpose_lhs_hint = false} : vector<1x4096xf32>, vector<448x4096xf32>, vector<1x448xf32> -> vector<1x448xf32>
    %swap3A_603 = arith.constant 0 : index
    %swap3A_604 = arith.constant 3136 : index
    %swap3A_605 = vector.load %arg13[%swap3A_603, %swap3A_604] : memref<1x4096xf32, #tpu.memory_space<vmem>>, vector<1x448xf32>
    tpu.vector_store %arg13[%swap3A_603, %swap3A_604], %dot_general3A_602 {strides = array<i32>} : memref<1x4096xf32, #tpu.memory_space<vmem>>, vector<1x448xf32>,
    %dma_wait3A_606 = arith.constant 0 : i32
    %dma_wait3A_607 = arith.constant 0 : i32
    %dma_wait3A_608 = tpu.memref_slice %arg16[%dma_wait3A_607] : memref<2x!tpu.dma_semaphore, #tpu.memory_space<semaphore_mem>> -> memref<1x!tpu.dma_semaphore, #tpu.memory_space<semaphore_mem>>
    %dma_wait3A_609 = tpu.memref_squeeze %dma_wait3A_608 : memref<1x!tpu.dma_semaphore, #tpu.memory_space<semaphore_mem>> -> memref<!tpu.dma_semaphore, #tpu.memory_space<semaphore_mem>>
    %dma_wait3A_610 = arith.constant 0 : i32
    %dma_wait3A_611 = arith.constant 0 : i32
    %dma_wait3A_612 = tpu.memref_slice %arg11[%dma_wait3A_606, %dma_wait3A_610, %dma_wait3A_611] : memref<2x64x4096xf32, #tpu.memory_space<vmem>> -> memref<1x64x4096xf32, #tpu.memory_space<vmem>>
    %dma_wait3A_613 = tpu.memref_squeeze %dma_wait3A_612 : memref<1x64x4096xf32, #tpu.memory_space<vmem>> -> memref<64x4096xf32, #tpu.memory_space<vmem>>
    %dma_wait3A_614 = arith.constant 3584 : i32
    %dma_wait3A_615 = arith.constant 0 : i32
    %dma_wait3A_616 = tpu.memref_slice %arg2[%dma_wait3A_614, %dma_wait3A_615] : memref<4096x4096xf32, #tpu.memory_space<any>> -> memref<64x4096xf32, #tpu.memory_space<any>>
    tpu.wait_dma2 semaphore(%dma_wait3A_609 : memref<!tpu.dma_semaphore, #tpu.memory_space<semaphore_mem>>) src(%dma_wait3A_616 : memref<64x4096xf32, #tpu.memory_space<any>>) dst(%dma_wait3A_613 : memref<64x4096xf32, #tpu.memory_space<vmem>>)
    %get3A_617 = arith.constant 0 : index
    %get3A_618 = arith.constant 0 : index
    %get3A_619 = vector.load %arg14[%get3A_617, %get3A_618] : memref<1x4096xf32, #tpu.memory_space<vmem>>, vector<1x4096xf32>
    %get3A_620 = arith.constant 0 : index
    %get3A_621 = arith.constant 0 : index
    %get3A_622 = arith.constant 0 : index
    %get3A_623 = vector.load %arg11[%get3A_620, %get3A_621, %get3A_622] : memref<2x64x4096xf32, #tpu.memory_space<vmem>>, vector<1x64x4096xf32>
    %get3A_624 = vector.shape_cast %get3A_623 : vector<1x64x4096xf32> to vector<64x4096xf32>
    %dot_general3A_625 = arith.constant dense<0.000000e+00> : vector<1x64xf32>
    %dot_general3A_626 = tpu.matmul %get3A_619, %get3A_624, %dot_general3A_625 {dimension_numbers = #tpu.dot_dimension_numbers<[1], [1], [0], [0], [0, 0, 1, 0], [], []>, transpose_lhs_hint = false} : vector<1x4096xf32>, vector<64x4096xf32>, vector<1x64xf32> -> vector<1x64xf32>
    %swap3A_627 = arith.constant 0 : index
    %swap3A_628 = arith.constant 3584 : index
    %swap3A_629 = vector.load %arg13[%swap3A_627, %swap3A_628] : memref<1x4096xf32, #tpu.memory_space<vmem>>, vector<1x64xf32>
    tpu.vector_store %arg13[%swap3A_627, %swap3A_628], %dot_general3A_626 {strides = array<i32>} : memref<1x4096xf32, #tpu.memory_space<vmem>>, vector<1x64xf32>,
    %dma_start3A_630 = arith.constant 0 : i32
    %dma_start3A_631 = arith.constant 0 : i32
    %dma_start3A_632 = tpu.memref_slice %arg16[%dma_start3A_631] : memref<2x!tpu.dma_semaphore, #tpu.memory_space<semaphore_mem>> -> memref<1x!tpu.dma_semaphore, #tpu.memory_space<semaphore_mem>>
    %dma_start3A_633 = tpu.memref_squeeze %dma_start3A_632 : memref<1x!tpu.dma_semaphore, #tpu.memory_space<semaphore_mem>> -> memref<!tpu.dma_semaphore, #tpu.memory_space<semaphore_mem>>
    %dma_start3A_634 = arith.constant 0 : i32
    %dma_start3A_635 = arith.constant 0 : i32
    %dma_start3A_636 = tpu.memref_slice %arg11[%dma_start3A_630, %dma_start3A_634, %dma_start3A_635] : memref<2x64x4096xf32, #tpu.memory_space<vmem>> -> memref<1x64x4096xf32, #tpu.memory_space<vmem>>
    %dma_start3A_637 = tpu.memref_squeeze %dma_start3A_636 : memref<1x64x4096xf32, #tpu.memory_space<vmem>> -> memref<64x4096xf32, #tpu.memory_space<vmem>>
    %dma_start3A_638 = arith.constant 3712 : i32
    %dma_start3A_639 = arith.constant 0 : i32
    %dma_start3A_640 = tpu.memref_slice %arg2[%dma_start3A_638, %dma_start3A_639] : memref<4096x4096xf32, #tpu.memory_space<any>> -> memref<64x4096xf32, #tpu.memory_space<any>>
    tpu.enqueue_dma source(%dma_start3A_640 : memref<64x4096xf32, #tpu.memory_space<any>>) target(%dma_start3A_637 : memref<64x4096xf32, #tpu.memory_space<vmem>>) target_semaphore(%dma_start3A_633 : memref<!tpu.dma_semaphore, #tpu.memory_space<semaphore_mem>>)
    %dma_wait3A_641 = arith.constant 1 : i32
    %dma_wait3A_642 = arith.constant 1 : i32
    %dma_wait3A_643 = tpu.memref_slice %arg16[%dma_wait3A_642] : memref<2x!tpu.dma_semaphore, #tpu.memory_space<semaphore_mem>> -> memref<1x!tpu.dma_semaphore, #tpu.memory_space<semaphore_mem>>
    %dma_wait3A_644 = tpu.memref_squeeze %dma_wait3A_643 : memref<1x!tpu.dma_semaphore, #tpu.memory_space<semaphore_mem>> -> memref<!tpu.dma_semaphore, #tpu.memory_space<semaphore_mem>>
    %dma_wait3A_645 = arith.constant 0 : i32
    %dma_wait3A_646 = arith.constant 0 : i32
    %dma_wait3A_647 = tpu.memref_slice %arg11[%dma_wait3A_641, %dma_wait3A_645, %dma_wait3A_646] : memref<2x64x4096xf32, #tpu.memory_space<vmem>> -> memref<1x64x4096xf32, #tpu.memory_space<vmem>>
    %dma_wait3A_648 = tpu.memref_squeeze %dma_wait3A_647 : memref<1x64x4096xf32, #tpu.memory_space<vmem>> -> memref<64x4096xf32, #tpu.memory_space<vmem>>
    %dma_wait3A_649 = arith.constant 3648 : i32
    %dma_wait3A_650 = arith.constant 0 : i32
    %dma_wait3A_651 = tpu.memref_slice %arg2[%dma_wait3A_649, %dma_wait3A_650] : memref<4096x4096xf32, #tpu.memory_space<any>> -> memref<64x4096xf32, #tpu.memory_space<any>>
    tpu.wait_dma2 semaphore(%dma_wait3A_644 : memref<!tpu.dma_semaphore, #tpu.memory_space<semaphore_mem>>) src(%dma_wait3A_651 : memref<64x4096xf32, #tpu.memory_space<any>>) dst(%dma_wait3A_648 : memref<64x4096xf32, #tpu.memory_space<vmem>>)
    %get3A_652 = arith.constant 0 : index
    %get3A_653 = arith.constant 0 : index
    %get3A_654 = vector.load %arg14[%get3A_652, %get3A_653] : memref<1x4096xf32, #tpu.memory_space<vmem>>, vector<1x4096xf32>
    %get3A_655 = arith.constant 1 : index
    %get3A_656 = arith.constant 0 : index
    %get3A_657 = arith.constant 0 : index
    %get3A_658 = vector.load %arg11[%get3A_655, %get3A_656, %get3A_657] : memref<2x64x4096xf32, #tpu.memory_space<vmem>>, vector<1x64x4096xf32>
    %get3A_659 = vector.shape_cast %get3A_658 : vector<1x64x4096xf32> to vector<64x4096xf32>
    %dot_general3A_660 = arith.constant dense<0.000000e+00> : vector<1x64xf32>
    %dot_general3A_661 = tpu.matmul %get3A_654, %get3A_659, %dot_general3A_660 {dimension_numbers = #tpu.dot_dimension_numbers<[1], [1], [0], [0], [0, 0, 1, 0], [], []>, transpose_lhs_hint = false} : vector<1x4096xf32>, vector<64x4096xf32>, vector<1x64xf32> -> vector<1x64xf32>
    %swap3A_662 = arith.constant 0 : index
    %swap3A_663 = arith.constant 3648 : index
    %swap3A_664 = vector.load %arg13[%swap3A_662, %swap3A_663] : memref<1x4096xf32, #tpu.memory_space<vmem>>, vector<1x64xf32>
    tpu.vector_store %arg13[%swap3A_662, %swap3A_663], %dot_general3A_661 {strides = array<i32>} : memref<1x4096xf32, #tpu.memory_space<vmem>>, vector<1x64xf32>,
    %dma_start3A_665 = arith.constant 1 : i32
    %dma_start3A_666 = arith.constant 1 : i32
    %dma_start3A_667 = tpu.memref_slice %arg16[%dma_start3A_666] : memref<2x!tpu.dma_semaphore, #tpu.memory_space<semaphore_mem>> -> memref<1x!tpu.dma_semaphore, #tpu.memory_space<semaphore_mem>>
    %dma_start3A_668 = tpu.memref_squeeze %dma_start3A_667 : memref<1x!tpu.dma_semaphore, #tpu.memory_space<semaphore_mem>> -> memref<!tpu.dma_semaphore, #tpu.memory_space<semaphore_mem>>
    %dma_start3A_669 = arith.constant 0 : i32
    %dma_start3A_670 = arith.constant 0 : i32
    %dma_start3A_671 = tpu.memref_slice %arg11[%dma_start3A_665, %dma_start3A_669, %dma_start3A_670] : memref<2x64x4096xf32, #tpu.memory_space<vmem>> -> memref<1x64x4096xf32, #tpu.memory_space<vmem>>
    %dma_start3A_672 = tpu.memref_squeeze %dma_start3A_671 : memref<1x64x4096xf32, #tpu.memory_space<vmem>> -> memref<64x4096xf32, #tpu.memory_space<vmem>>
    %dma_start3A_673 = arith.constant 3776 : i32
    %dma_start3A_674 = arith.constant 0 : i32
    %dma_start3A_675 = tpu.memref_slice %arg2[%dma_start3A_673, %dma_start3A_674] : memref<4096x4096xf32, #tpu.memory_space<any>> -> memref<64x4096xf32, #tpu.memory_space<any>>
    tpu.enqueue_dma source(%dma_start3A_675 : memref<64x4096xf32, #tpu.memory_space<any>>) target(%dma_start3A_672 : memref<64x4096xf32, #tpu.memory_space<vmem>>) target_semaphore(%dma_start3A_668 : memref<!tpu.dma_semaphore, #tpu.memory_space<semaphore_mem>>)
    %dma_wait3A_676 = arith.constant 0 : i32
    %dma_wait3A_677 = arith.constant 0 : i32
    %dma_wait3A_678 = tpu.memref_slice %arg16[%dma_wait3A_677] : memref<2x!tpu.dma_semaphore, #tpu.memory_space<semaphore_mem>> -> memref<1x!tpu.dma_semaphore, #tpu.memory_space<semaphore_mem>>
    %dma_wait3A_679 = tpu.memref_squeeze %dma_wait3A_678 : memref<1x!tpu.dma_semaphore, #tpu.memory_space<semaphore_mem>> -> memref<!tpu.dma_semaphore, #tpu.memory_space<semaphore_mem>>
    %dma_wait3A_680 = arith.constant 0 : i32
    %dma_wait3A_681 = arith.constant 0 : i32
    %dma_wait3A_682 = tpu.memref_slice %arg11[%dma_wait3A_676, %dma_wait3A_680, %dma_wait3A_681] : memref<2x64x4096xf32, #tpu.memory_space<vmem>> -> memref<1x64x4096xf32, #tpu.memory_space<vmem>>
    %dma_wait3A_683 = tpu.memref_squeeze %dma_wait3A_682 : memref<1x64x4096xf32, #tpu.memory_space<vmem>> -> memref<64x4096xf32, #tpu.memory_space<vmem>>
    %dma_wait3A_684 = arith.constant 3712 : i32
    %dma_wait3A_685 = arith.constant 0 : i32
    %dma_wait3A_686 = tpu.memref_slice %arg2[%dma_wait3A_684, %dma_wait3A_685] : memref<4096x4096xf32, #tpu.memory_space<any>> -> memref<64x4096xf32, #tpu.memory_space<any>>
    tpu.wait_dma2 semaphore(%dma_wait3A_679 : memref<!tpu.dma_semaphore, #tpu.memory_space<semaphore_mem>>) src(%dma_wait3A_686 : memref<64x4096xf32, #tpu.memory_space<any>>) dst(%dma_wait3A_683 : memref<64x4096xf32, #tpu.memory_space<vmem>>)
    %get3A_687 = arith.constant 0 : index
    %get3A_688 = arith.constant 0 : index
    %get3A_689 = vector.load %arg14[%get3A_687, %get3A_688] : memref<1x4096xf32, #tpu.memory_space<vmem>>, vector<1x4096xf32>
    %get3A_690 = arith.constant 0 : index
    %get3A_691 = arith.constant 0 : index
    %get3A_692 = arith.constant 0 : index
    %get3A_693 = vector.load %arg11[%get3A_690, %get3A_691, %get3A_692] : memref<2x64x4096xf32, #tpu.memory_space<vmem>>, vector<1x64x4096xf32>
    %get3A_694 = vector.shape_cast %get3A_693 : vector<1x64x4096xf32> to vector<64x4096xf32>
    %dot_general3A_695 = arith.constant dense<0.000000e+00> : vector<1x64xf32>
    %dot_general3A_696 = tpu.matmul %get3A_689, %get3A_694, %dot_general3A_695 {dimension_numbers = #tpu.dot_dimension_numbers<[1], [1], [0], [0], [0, 0, 1, 0], [], []>, transpose_lhs_hint = false} : vector<1x4096xf32>, vector<64x4096xf32>, vector<1x64xf32> -> vector<1x64xf32>
    %swap3A_697 = arith.constant 0 : index
    %swap3A_698 = arith.constant 3712 : index
    %swap3A_699 = vector.load %arg13[%swap3A_697, %swap3A_698] : memref<1x4096xf32, #tpu.memory_space<vmem>>, vector<1x64xf32>
    tpu.vector_store %arg13[%swap3A_697, %swap3A_698], %dot_general3A_696 {strides = array<i32>} : memref<1x4096xf32, #tpu.memory_space<vmem>>, vector<1x64xf32>,
    %dma_start3A_700 = arith.constant 0 : i32
    %dma_start3A_701 = arith.constant 0 : i32
    %dma_start3A_702 = tpu.memref_slice %arg16[%dma_start3A_701] : memref<2x!tpu.dma_semaphore, #tpu.memory_space<semaphore_mem>> -> memref<1x!tpu.dma_semaphore, #tpu.memory_space<semaphore_mem>>
    %dma_start3A_703 = tpu.memref_squeeze %dma_start3A_702 : memref<1x!tpu.dma_semaphore, #tpu.memory_space<semaphore_mem>> -> memref<!tpu.dma_semaphore, #tpu.memory_space<semaphore_mem>>
    %dma_start3A_704 = arith.constant 0 : i32
    %dma_start3A_705 = arith.constant 0 : i32
    %dma_start3A_706 = tpu.memref_slice %arg11[%dma_start3A_700, %dma_start3A_704, %dma_start3A_705] : memref<2x64x4096xf32, #tpu.memory_space<vmem>> -> memref<1x64x4096xf32, #tpu.memory_space<vmem>>
    %dma_start3A_707 = tpu.memref_squeeze %dma_start3A_706 : memref<1x64x4096xf32, #tpu.memory_space<vmem>> -> memref<64x4096xf32, #tpu.memory_space<vmem>>
    %dma_start3A_708 = arith.constant 3840 : i32
    %dma_start3A_709 = arith.constant 0 : i32
    %dma_start3A_710 = tpu.memref_slice %arg2[%dma_start3A_708, %dma_start3A_709] : memref<4096x4096xf32, #tpu.memory_space<any>> -> memref<64x4096xf32, #tpu.memory_space<any>>
    tpu.enqueue_dma source(%dma_start3A_710 : memref<64x4096xf32, #tpu.memory_space<any>>) target(%dma_start3A_707 : memref<64x4096xf32, #tpu.memory_space<vmem>>) target_semaphore(%dma_start3A_703 : memref<!tpu.dma_semaphore, #tpu.memory_space<semaphore_mem>>)
    %dma_wait3A_711 = arith.constant 1 : i32
    %dma_wait3A_712 = arith.constant 1 : i32
    %dma_wait3A_713 = tpu.memref_slice %arg16[%dma_wait3A_712] : memref<2x!tpu.dma_semaphore, #tpu.memory_space<semaphore_mem>> -> memref<1x!tpu.dma_semaphore, #tpu.memory_space<semaphore_mem>>
    %dma_wait3A_714 = tpu.memref_squeeze %dma_wait3A_713 : memref<1x!tpu.dma_semaphore, #tpu.memory_space<semaphore_mem>> -> memref<!tpu.dma_semaphore, #tpu.memory_space<semaphore_mem>>
    %dma_wait3A_715 = arith.constant 0 : i32
    %dma_wait3A_716 = arith.constant 0 : i32
    %dma_wait3A_717 = tpu.memref_slice %arg11[%dma_wait3A_711, %dma_wait3A_715, %dma_wait3A_716] : memref<2x64x4096xf32, #tpu.memory_space<vmem>> -> memref<1x64x4096xf32, #tpu.memory_space<vmem>>
    %dma_wait3A_718 = tpu.memref_squeeze %dma_wait3A_717 : memref<1x64x4096xf32, #tpu.memory_space<vmem>> -> memref<64x4096xf32, #tpu.memory_space<vmem>>
    %dma_wait3A_719 = arith.constant 3776 : i32
    %dma_wait3A_720 = arith.constant 0 : i32
    %dma_wait3A_721 = tpu.memref_slice %arg2[%dma_wait3A_719, %dma_wait3A_720] : memref<4096x4096xf32, #tpu.memory_space<any>> -> memref<64x4096xf32, #tpu.memory_space<any>>
    tpu.wait_dma2 semaphore(%dma_wait3A_714 : memref<!tpu.dma_semaphore, #tpu.memory_space<semaphore_mem>>) src(%dma_wait3A_721 : memref<64x4096xf32, #tpu.memory_space<any>>) dst(%dma_wait3A_718 : memref<64x4096xf32, #tpu.memory_space<vmem>>)
    %get3A_722 = arith.constant 0 : index
    %get3A_723 = arith.constant 0 : index
    %get3A_724 = vector.load %arg14[%get3A_722, %get3A_723] : memref<1x4096xf32, #tpu.memory_space<vmem>>, vector<1x4096xf32>
    %get3A_725 = arith.constant 1 : index
    %get3A_726 = arith.constant 0 : index
    %get3A_727 = arith.constant 0 : index
    %get3A_728 = vector.load %arg11[%get3A_725, %get3A_726, %get3A_727] : memref<2x64x4096xf32, #tpu.memory_space<vmem>>, vector<1x64x4096xf32>
    %get3A_729 = vector.shape_cast %get3A_728 : vector<1x64x4096xf32> to vector<64x4096xf32>
    %dot_general3A_730 = arith.constant dense<0.000000e+00> : vector<1x64xf32>
    %dot_general3A_731 = tpu.matmul %get3A_724, %get3A_729, %dot_general3A_730 {dimension_numbers = #tpu.dot_dimension_numbers<[1], [1], [0], [0], [0, 0, 1, 0], [], []>, transpose_lhs_hint = false} : vector<1x4096xf32>, vector<64x4096xf32>, vector<1x64xf32> -> vector<1x64xf32>
    %swap3A_732 = arith.constant 0 : index
    %swap3A_733 = arith.constant 3776 : index
    %swap3A_734 = vector.load %arg13[%swap3A_732, %swap3A_733] : memref<1x4096xf32, #tpu.memory_space<vmem>>, vector<1x64xf32>
    tpu.vector_store %arg13[%swap3A_732, %swap3A_733], %dot_general3A_731 {strides = array<i32>} : memref<1x4096xf32, #tpu.memory_space<vmem>>, vector<1x64xf32>,
    %dma_start3A_735 = arith.constant 1 : i32
    %dma_start3A_736 = arith.constant 1 : i32
    %dma_start3A_737 = tpu.memref_slice %arg16[%dma_start3A_736] : memref<2x!tpu.dma_semaphore, #tpu.memory_space<semaphore_mem>> -> memref<1x!tpu.dma_semaphore, #tpu.memory_space<semaphore_mem>>
    %dma_start3A_738 = tpu.memref_squeeze %dma_start3A_737 : memref<1x!tpu.dma_semaphore, #tpu.memory_space<semaphore_mem>> -> memref<!tpu.dma_semaphore, #tpu.memory_space<semaphore_mem>>
    %dma_start3A_739 = arith.constant 0 : i32
    %dma_start3A_740 = arith.constant 0 : i32
    %dma_start3A_741 = tpu.memref_slice %arg11[%dma_start3A_735, %dma_start3A_739, %dma_start3A_740] : memref<2x64x4096xf32, #tpu.memory_space<vmem>> -> memref<1x64x4096xf32, #tpu.memory_space<vmem>>
    %dma_start3A_742 = tpu.memref_squeeze %dma_start3A_741 : memref<1x64x4096xf32, #tpu.memory_space<vmem>> -> memref<64x4096xf32, #tpu.memory_space<vmem>>
    %dma_start3A_743 = arith.constant 3904 : i32
    %dma_start3A_744 = arith.constant 0 : i32
    %dma_start3A_745 = tpu.memref_slice %arg2[%dma_start3A_743, %dma_start3A_744] : memref<4096x4096xf32, #tpu.memory_space<any>> -> memref<64x4096xf32, #tpu.memory_space<any>>
    tpu.enqueue_dma source(%dma_start3A_745 : memref<64x4096xf32, #tpu.memory_space<any>>) target(%dma_start3A_742 : memref<64x4096xf32, #tpu.memory_space<vmem>>) target_semaphore(%dma_start3A_738 : memref<!tpu.dma_semaphore, #tpu.memory_space<semaphore_mem>>)
    %dma_wait3A_746 = arith.constant 0 : i32
    %dma_wait3A_747 = arith.constant 0 : i32
    %dma_wait3A_748 = tpu.memref_slice %arg16[%dma_wait3A_747] : memref<2x!tpu.dma_semaphore, #tpu.memory_space<semaphore_mem>> -> memref<1x!tpu.dma_semaphore, #tpu.memory_space<semaphore_mem>>
    %dma_wait3A_749 = tpu.memref_squeeze %dma_wait3A_748 : memref<1x!tpu.dma_semaphore, #tpu.memory_space<semaphore_mem>> -> memref<!tpu.dma_semaphore, #tpu.memory_space<semaphore_mem>>
    %dma_wait3A_750 = arith.constant 0 : i32
    %dma_wait3A_751 = arith.constant 0 : i32
    %dma_wait3A_752 = tpu.memref_slice %arg11[%dma_wait3A_746, %dma_wait3A_750, %dma_wait3A_751] : memref<2x64x4096xf32, #tpu.memory_space<vmem>> -> memref<1x64x4096xf32, #tpu.memory_space<vmem>>
    %dma_wait3A_753 = tpu.memref_squeeze %dma_wait3A_752 : memref<1x64x4096xf32, #tpu.memory_space<vmem>> -> memref<64x4096xf32, #tpu.memory_space<vmem>>
    %dma_wait3A_754 = arith.constant 3840 : i32
    %dma_wait3A_755 = arith.constant 0 : i32
    %dma_wait3A_756 = tpu.memref_slice %arg2[%dma_wait3A_754, %dma_wait3A_755] : memref<4096x4096xf32, #tpu.memory_space<any>> -> memref<64x4096xf32, #tpu.memory_space<any>>
    tpu.wait_dma2 semaphore(%dma_wait3A_749 : memref<!tpu.dma_semaphore, #tpu.memory_space<semaphore_mem>>) src(%dma_wait3A_756 : memref<64x4096xf32, #tpu.memory_space<any>>) dst(%dma_wait3A_753 : memref<64x4096xf32, #tpu.memory_space<vmem>>)
    %get3A_757 = arith.constant 0 : index
    %get3A_758 = arith.constant 0 : index
    %get3A_759 = vector.load %arg14[%get3A_757, %get3A_758] : memref<1x4096xf32, #tpu.memory_space<vmem>>, vector<1x4096xf32>
    %get3A_760 = arith.constant 0 : index
    %get3A_761 = arith.constant 0 : index
    %get3A_762 = arith.constant 0 : index
    %get3A_763 = vector.load %arg11[%get3A_760, %get3A_761, %get3A_762] : memref<2x64x4096xf32, #tpu.memory_space<vmem>>, vector<1x64x4096xf32>
    %get3A_764 = vector.shape_cast %get3A_763 : vector<1x64x4096xf32> to vector<64x4096xf32>
    %dot_general3A_765 = arith.constant dense<0.000000e+00> : vector<1x64xf32>
    %dot_general3A_766 = tpu.matmul %get3A_759, %get3A_764, %dot_general3A_765 {dimension_numbers = #tpu.dot_dimension_numbers<[1], [1], [0], [0], [0, 0, 1, 0], [], []>, transpose_lhs_hint = false} : vector<1x4096xf32>, vector<64x4096xf32>, vector<1x64xf32> -> vector<1x64xf32>
    %swap3A_767 = arith.constant 0 : index
    %swap3A_768 = arith.constant 3840 : index
    %swap3A_769 = vector.load %arg13[%swap3A_767, %swap3A_768] : memref<1x4096xf32, #tpu.memory_space<vmem>>, vector<1x64xf32>
    tpu.vector_store %arg13[%swap3A_767, %swap3A_768], %dot_general3A_766 {strides = array<i32>} : memref<1x4096xf32, #tpu.memory_space<vmem>>, vector<1x64xf32>,
    %dma_start3A_770 = arith.constant 0 : i32
    %dma_start3A_771 = arith.constant 0 : i32
    %dma_start3A_772 = tpu.memref_slice %arg16[%dma_start3A_771] : memref<2x!tpu.dma_semaphore, #tpu.memory_space<semaphore_mem>> -> memref<1x!tpu.dma_semaphore, #tpu.memory_space<semaphore_mem>>
    %dma_start3A_773 = tpu.memref_squeeze %dma_start3A_772 : memref<1x!tpu.dma_semaphore, #tpu.memory_space<semaphore_mem>> -> memref<!tpu.dma_semaphore, #tpu.memory_space<semaphore_mem>>
    %dma_start3A_774 = arith.constant 0 : i32
    %dma_start3A_775 = arith.constant 0 : i32
    %dma_start3A_776 = tpu.memref_slice %arg11[%dma_start3A_770, %dma_start3A_774, %dma_start3A_775] : memref<2x64x4096xf32, #tpu.memory_space<vmem>> -> memref<1x64x4096xf32, #tpu.memory_space<vmem>>
    %dma_start3A_777 = tpu.memref_squeeze %dma_start3A_776 : memref<1x64x4096xf32, #tpu.memory_space<vmem>> -> memref<64x4096xf32, #tpu.memory_space<vmem>>
    %dma_start3A_778 = arith.constant 3968 : i32
    %dma_start3A_779 = arith.constant 0 : i32
    %dma_start3A_780 = tpu.memref_slice %arg2[%dma_start3A_778, %dma_start3A_779] : memref<4096x4096xf32, #tpu.memory_space<any>> -> memref<64x4096xf32, #tpu.memory_space<any>>
    tpu.enqueue_dma source(%dma_start3A_780 : memref<64x4096xf32, #tpu.memory_space<any>>) target(%dma_start3A_777 : memref<64x4096xf32, #tpu.memory_space<vmem>>) target_semaphore(%dma_start3A_773 : memref<!tpu.dma_semaphore, #tpu.memory_space<semaphore_mem>>)
    %dma_wait3A_781 = arith.constant 1 : i32
    %dma_wait3A_782 = arith.constant 1 : i32
    %dma_wait3A_783 = tpu.memref_slice %arg16[%dma_wait3A_782] : memref<2x!tpu.dma_semaphore, #tpu.memory_space<semaphore_mem>> -> memref<1x!tpu.dma_semaphore, #tpu.memory_space<semaphore_mem>>
    %dma_wait3A_784 = tpu.memref_squeeze %dma_wait3A_783 : memref<1x!tpu.dma_semaphore, #tpu.memory_space<semaphore_mem>> -> memref<!tpu.dma_semaphore, #tpu.memory_space<semaphore_mem>>
    %dma_wait3A_785 = arith.constant 0 : i32
    %dma_wait3A_786 = arith.constant 0 : i32
    %dma_wait3A_787 = tpu.memref_slice %arg11[%dma_wait3A_781, %dma_wait3A_785, %dma_wait3A_786] : memref<2x64x4096xf32, #tpu.memory_space<vmem>> -> memref<1x64x4096xf32, #tpu.memory_space<vmem>>
    %dma_wait3A_788 = tpu.memref_squeeze %dma_wait3A_787 : memref<1x64x4096xf32, #tpu.memory_space<vmem>> -> memref<64x4096xf32, #tpu.memory_space<vmem>>
    %dma_wait3A_789 = arith.constant 3904 : i32
    %dma_wait3A_790 = arith.constant 0 : i32
    %dma_wait3A_791 = tpu.memref_slice %arg2[%dma_wait3A_789, %dma_wait3A_790] : memref<4096x4096xf32, #tpu.memory_space<any>> -> memref<64x4096xf32, #tpu.memory_space<any>>
    tpu.wait_dma2 semaphore(%dma_wait3A_784 : memref<!tpu.dma_semaphore, #tpu.memory_space<semaphore_mem>>) src(%dma_wait3A_791 : memref<64x4096xf32, #tpu.memory_space<any>>) dst(%dma_wait3A_788 : memref<64x4096xf32, #tpu.memory_space<vmem>>)
    %get3A_792 = arith.constant 0 : index
    %get3A_793 = arith.constant 0 : index
    %get3A_794 = vector.load %arg14[%get3A_792, %get3A_793] : memref<1x4096xf32, #tpu.memory_space<vmem>>, vector<1x4096xf32>
    %get3A_795 = arith.constant 1 : index
    %get3A_796 = arith.constant 0 : index
    %get3A_797 = arith.constant 0 : index
    %get3A_798 = vector.load %arg11[%get3A_795, %get3A_796, %get3A_797] : memref<2x64x4096xf32, #tpu.memory_space<vmem>>, vector<1x64x4096xf32>
    %get3A_799 = vector.shape_cast %get3A_798 : vector<1x64x4096xf32> to vector<64x4096xf32>
    %dot_general3A_800 = arith.constant dense<0.000000e+00> : vector<1x64xf32>
    %dot_general3A_801 = tpu.matmul %get3A_794, %get3A_799, %dot_general3A_800 {dimension_numbers = #tpu.dot_dimension_numbers<[1], [1], [0], [0], [0, 0, 1, 0], [], []>, transpose_lhs_hint = false} : vector<1x4096xf32>, vector<64x4096xf32>, vector<1x64xf32> -> vector<1x64xf32>
    %swap3A_802 = arith.constant 0 : index
    %swap3A_803 = arith.constant 3904 : index
    %swap3A_804 = vector.load %arg13[%swap3A_802, %swap3A_803] : memref<1x4096xf32, #tpu.memory_space<vmem>>, vector<1x64xf32>
    tpu.vector_store %arg13[%swap3A_802, %swap3A_803], %dot_general3A_801 {strides = array<i32>} : memref<1x4096xf32, #tpu.memory_space<vmem>>, vector<1x64xf32>,
    %dma_start3A_805 = arith.constant 1 : i32
    %dma_start3A_806 = arith.constant 1 : i32
    %dma_start3A_807 = tpu.memref_slice %arg16[%dma_start3A_806] : memref<2x!tpu.dma_semaphore, #tpu.memory_space<semaphore_mem>> -> memref<1x!tpu.dma_semaphore, #tpu.memory_space<semaphore_mem>>
    %dma_start3A_808 = tpu.memref_squeeze %dma_start3A_807 : memref<1x!tpu.dma_semaphore, #tpu.memory_space<semaphore_mem>> -> memref<!tpu.dma_semaphore, #tpu.memory_space<semaphore_mem>>
    %dma_start3A_809 = arith.constant 0 : i32
    %dma_start3A_810 = arith.constant 0 : i32
    %dma_start3A_811 = tpu.memref_slice %arg11[%dma_start3A_805, %dma_start3A_809, %dma_start3A_810] : memref<2x64x4096xf32, #tpu.memory_space<vmem>> -> memref<1x64x4096xf32, #tpu.memory_space<vmem>>
    %dma_start3A_812 = tpu.memref_squeeze %dma_start3A_811 : memref<1x64x4096xf32, #tpu.memory_space<vmem>> -> memref<64x4096xf32, #tpu.memory_space<vmem>>
    %dma_start3A_813 = arith.constant 4032 : i32
    %dma_start3A_814 = arith.constant 0 : i32
    %dma_start3A_815 = tpu.memref_slice %arg2[%dma_start3A_813, %dma_start3A_814] : memref<4096x4096xf32, #tpu.memory_space<any>> -> memref<64x4096xf32, #tpu.memory_space<any>>
    tpu.enqueue_dma source(%dma_start3A_815 : memref<64x4096xf32, #tpu.memory_space<any>>) target(%dma_start3A_812 : memref<64x4096xf32, #tpu.memory_space<vmem>>) target_semaphore(%dma_start3A_808 : memref<!tpu.dma_semaphore, #tpu.memory_space<semaphore_mem>>)
    %dma_wait3A_816 = arith.constant 0 : i32
    %dma_wait3A_817 = arith.constant 0 : i32
    %dma_wait3A_818 = tpu.memref_slice %arg16[%dma_wait3A_817] : memref<2x!tpu.dma_semaphore, #tpu.memory_space<semaphore_mem>> -> memref<1x!tpu.dma_semaphore, #tpu.memory_space<semaphore_mem>>
    %dma_wait3A_819 = tpu.memref_squeeze %dma_wait3A_818 : memref<1x!tpu.dma_semaphore, #tpu.memory_space<semaphore_mem>> -> memref<!tpu.dma_semaphore, #tpu.memory_space<semaphore_mem>>
    %dma_wait3A_820 = arith.constant 0 : i32
    %dma_wait3A_821 = arith.constant 0 : i32
    %dma_wait3A_822 = tpu.memref_slice %arg11[%dma_wait3A_816, %dma_wait3A_820, %dma_wait3A_821] : memref<2x64x4096xf32, #tpu.memory_space<vmem>> -> memref<1x64x4096xf32, #tpu.memory_space<vmem>>
    %dma_wait3A_823 = tpu.memref_squeeze %dma_wait3A_822 : memref<1x64x4096xf32, #tpu.memory_space<vmem>> -> memref<64x4096xf32, #tpu.memory_space<vmem>>
    %dma_wait3A_824 = arith.constant 3968 : i32
    %dma_wait3A_825 = arith.constant 0 : i32
    %dma_wait3A_826 = tpu.memref_slice %arg2[%dma_wait3A_824, %dma_wait3A_825] : memref<4096x4096xf32, #tpu.memory_space<any>> -> memref<64x4096xf32, #tpu.memory_space<any>>
    tpu.wait_dma2 semaphore(%dma_wait3A_819 : memref<!tpu.dma_semaphore, #tpu.memory_space<semaphore_mem>>) src(%dma_wait3A_826 : memref<64x4096xf32, #tpu.memory_space<any>>) dst(%dma_wait3A_823 : memref<64x4096xf32, #tpu.memory_space<vmem>>)
    %get3A_827 = arith.constant 0 : index
    %get3A_828 = arith.constant 0 : index
    %get3A_829 = vector.load %arg14[%get3A_827, %get3A_828] : memref<1x4096xf32, #tpu.memory_space<vmem>>, vector<1x4096xf32>
    %get3A_830 = arith.constant 0 : index
    %get3A_831 = arith.constant 0 : index
    %get3A_832 = arith.constant 0 : index
    %get3A_833 = vector.load %arg11[%get3A_830, %get3A_831, %get3A_832] : memref<2x64x4096xf32, #tpu.memory_space<vmem>>, vector<1x64x4096xf32>
    %get3A_834 = vector.shape_cast %get3A_833 : vector<1x64x4096xf32> to vector<64x4096xf32>
    %dot_general3A_835 = arith.constant dense<0.000000e+00> : vector<1x64xf32>
    %dot_general3A_836 = tpu.matmul %get3A_829, %get3A_834, %dot_general3A_835 {dimension_numbers = #tpu.dot_dimension_numbers<[1], [1], [0], [0], [0, 0, 1, 0], [], []>, transpose_lhs_hint = false} : vector<1x4096xf32>, vector<64x4096xf32>, vector<1x64xf32> -> vector<1x64xf32>
    %swap3A_837 = arith.constant 0 : index
    %swap3A_838 = arith.constant 3968 : index
    %swap3A_839 = vector.load %arg13[%swap3A_837, %swap3A_838] : memref<1x4096xf32, #tpu.memory_space<vmem>>, vector<1x64xf32>
    tpu.vector_store %arg13[%swap3A_837, %swap3A_838], %dot_general3A_836 {strides = array<i32>} : memref<1x4096xf32, #tpu.memory_space<vmem>>, vector<1x64xf32>,
    %dma_start3A_840 = arith.constant 0 : i32
    %dma_start3A_841 = arith.constant 0 : i32
    %dma_start3A_842 = tpu.memref_slice %arg16[%dma_start3A_841] : memref<2x!tpu.dma_semaphore, #tpu.memory_space<semaphore_mem>> -> memref<1x!tpu.dma_semaphore, #tpu.memory_space<semaphore_mem>>
    %dma_start3A_843 = tpu.memref_squeeze %dma_start3A_842 : memref<1x!tpu.dma_semaphore, #tpu.memory_space<semaphore_mem>> -> memref<!tpu.dma_semaphore, #tpu.memory_space<semaphore_mem>>
    %dma_start3A_844 = arith.constant 0 : i32
    %dma_start3A_845 = arith.constant 0 : i32
    %dma_start3A_846 = tpu.memref_slice %arg11[%dma_start3A_840, %dma_start3A_844, %dma_start3A_845] : memref<2x64x4096xf32, #tpu.memory_space<vmem>> -> memref<1x64x4096xf32, #tpu.memory_space<vmem>>
    %dma_start3A_847 = tpu.memref_squeeze %dma_start3A_846 : memref<1x64x4096xf32, #tpu.memory_space<vmem>> -> memref<64x4096xf32, #tpu.memory_space<vmem>>
    %dma_start3A_848 = arith.constant 3584 : i32
    %dma_start3A_849 = arith.constant 0 : i32
    %dma_start3A_850 = tpu.memref_slice %arg2[%dma_start3A_848, %dma_start3A_849] : memref<4096x4096xf32, #tpu.memory_space<any>> -> memref<64x4096xf32, #tpu.memory_space<any>>
    tpu.enqueue_dma source(%dma_start3A_850 : memref<64x4096xf32, #tpu.memory_space<any>>) target(%dma_start3A_847 : memref<64x4096xf32, #tpu.memory_space<vmem>>) target_semaphore(%dma_start3A_843 : memref<!tpu.dma_semaphore, #tpu.memory_space<semaphore_mem>>)
    %dma_wait3A_851 = arith.constant 1 : i32
    %dma_wait3A_852 = arith.constant 1 : i32
    %dma_wait3A_853 = tpu.memref_slice %arg16[%dma_wait3A_852] : memref<2x!tpu.dma_semaphore, #tpu.memory_space<semaphore_mem>> -> memref<1x!tpu.dma_semaphore, #tpu.memory_space<semaphore_mem>>
    %dma_wait3A_854 = tpu.memref_squeeze %dma_wait3A_853 : memref<1x!tpu.dma_semaphore, #tpu.memory_space<semaphore_mem>> -> memref<!tpu.dma_semaphore, #tpu.memory_space<semaphore_mem>>
    %dma_wait3A_855 = arith.constant 0 : i32
    %dma_wait3A_856 = arith.constant 0 : i32
    %dma_wait3A_857 = tpu.memref_slice %arg11[%dma_wait3A_851, %dma_wait3A_855, %dma_wait3A_856] : memref<2x64x4096xf32, #tpu.memory_space<vmem>> -> memref<1x64x4096xf32, #tpu.memory_space<vmem>>
    %dma_wait3A_858 = tpu.memref_squeeze %dma_wait3A_857 : memref<1x64x4096xf32, #tpu.memory_space<vmem>> -> memref<64x4096xf32, #tpu.memory_space<vmem>>
    %dma_wait3A_859 = arith.constant 4032 : i32
    %dma_wait3A_860 = arith.constant 0 : i32
    %dma_wait3A_861 = tpu.memref_slice %arg2[%dma_wait3A_859, %dma_wait3A_860] : memref<4096x4096xf32, #tpu.memory_space<any>> -> memref<64x4096xf32, #tpu.memory_space<any>>
    tpu.wait_dma2 semaphore(%dma_wait3A_854 : memref<!tpu.dma_semaphore, #tpu.memory_space<semaphore_mem>>) src(%dma_wait3A_861 : memref<64x4096xf32, #tpu.memory_space<any>>) dst(%dma_wait3A_858 : memref<64x4096xf32, #tpu.memory_space<vmem>>)
    %get3A_862 = arith.constant 0 : index
    %get3A_863 = arith.constant 0 : index
    %get3A_864 = vector.load %arg14[%get3A_862, %get3A_863] : memref<1x4096xf32, #tpu.memory_space<vmem>>, vector<1x4096xf32>
    %get3A_865 = arith.constant 1 : index
    %get3A_866 = arith.constant 0 : index
    %get3A_867 = arith.constant 0 : index
    %get3A_868 = vector.load %arg11[%get3A_865, %get3A_866, %get3A_867] : memref<2x64x4096xf32, #tpu.memory_space<vmem>>, vector<1x64x4096xf32>
    %get3A_869 = vector.shape_cast %get3A_868 : vector<1x64x4096xf32> to vector<64x4096xf32>
    %dot_general3A_870 = arith.constant dense<0.000000e+00> : vector<1x64xf32>
    %dot_general3A_871 = tpu.matmul %get3A_864, %get3A_869, %dot_general3A_870 {dimension_numbers = #tpu.dot_dimension_numbers<[1], [1], [0], [0], [0, 0, 1, 0], [], []>, transpose_lhs_hint = false} : vector<1x4096xf32>, vector<64x4096xf32>, vector<1x64xf32> -> vector<1x64xf32>
    %swap3A_872 = arith.constant 0 : index
    %swap3A_873 = arith.constant 4032 : index
    %swap3A_874 = vector.load %arg13[%swap3A_872, %swap3A_873] : memref<1x4096xf32, #tpu.memory_space<vmem>>, vector<1x64xf32>
    tpu.vector_store %arg13[%swap3A_872, %swap3A_873], %dot_general3A_871 {strides = array<i32>} : memref<1x4096xf32, #tpu.memory_space<vmem>>, vector<1x64xf32>,
    %dma_start3A_875 = arith.constant 1 : i32
    %dma_start3A_876 = arith.constant 1 : i32
    %dma_start3A_877 = tpu.memref_slice %arg16[%dma_start3A_876] : memref<2x!tpu.dma_semaphore, #tpu.memory_space<semaphore_mem>> -> memref<1x!tpu.dma_semaphore, #tpu.memory_space<semaphore_mem>>
    %dma_start3A_878 = tpu.memref_squeeze %dma_start3A_877 : memref<1x!tpu.dma_semaphore, #tpu.memory_space<semaphore_mem>> -> memref<!tpu.dma_semaphore, #tpu.memory_space<semaphore_mem>>
    %dma_start3A_879 = arith.constant 0 : i32
    %dma_start3A_880 = arith.constant 0 : i32
    %dma_start3A_881 = tpu.memref_slice %arg11[%dma_start3A_875, %dma_start3A_879, %dma_start3A_880] : memref<2x64x4096xf32, #tpu.memory_space<vmem>> -> memref<1x64x4096xf32, #tpu.memory_space<vmem>>
    %dma_start3A_882 = tpu.memref_squeeze %dma_start3A_881 : memref<1x64x4096xf32, #tpu.memory_space<vmem>> -> memref<64x4096xf32, #tpu.memory_space<vmem>>
    %dma_start3A_883 = arith.constant 3648 : i32
    %dma_start3A_884 = arith.constant 0 : i32
    %dma_start3A_885 = tpu.memref_slice %arg2[%dma_start3A_883, %dma_start3A_884] : memref<4096x4096xf32, #tpu.memory_space<any>> -> memref<64x4096xf32, #tpu.memory_space<any>>
    tpu.enqueue_dma source(%dma_start3A_885 : memref<64x4096xf32, #tpu.memory_space<any>>) target(%dma_start3A_882 : memref<64x4096xf32, #tpu.memory_space<vmem>>) target_semaphore(%dma_start3A_878 : memref<!tpu.dma_semaphore, #tpu.memory_space<semaphore_mem>>)
    %get3A_886 = arith.constant 0 : index
    %get3A_887 = arith.constant 1 : index
    %get3A_888 = memref.load %arg4[%get3A_886, %get3A_887] : memref<1x11xf32, #tpu.memory_space<smem>>
    %get3A_889 = arith.constant 0 : index
    %get3A_890 = arith.constant 2 : index
    %get3A_891 = memref.load %arg4[%get3A_889, %get3A_890] : memref<1x11xf32, #tpu.memory_space<smem>>
    %get3A_892 = arith.constant 0 : index
    %get3A_893 = arith.constant 3 : index
    %get3A_894 = memref.load %arg4[%get3A_892, %get3A_893] : memref<1x11xf32, #tpu.memory_space<smem>>
    %get3A_895 = arith.constant 0 : index
    %get3A_896 = arith.constant 4 : index
    %get3A_897 = memref.load %arg4[%get3A_895, %get3A_896] : memref<1x11xf32, #tpu.memory_space<smem>>
    %get3A_898 = arith.constant 0 : index
    %get3A_899 = arith.constant 5 : index
    %get3A_900 = memref.load %arg4[%get3A_898, %get3A_899] : memref<1x11xf32, #tpu.memory_space<smem>>
    %get3A_901 = arith.constant 0 : index
    %get3A_902 = arith.constant 6 : index
    %get3A_903 = memref.load %arg4[%get3A_901, %get3A_902] : memref<1x11xf32, #tpu.memory_space<smem>>
    %get3A_904 = arith.constant 0 : index
    %get3A_905 = arith.constant 7 : index
    %get3A_906 = memref.load %arg4[%get3A_904, %get3A_905] : memref<1x11xf32, #tpu.memory_space<smem>>
    %get3A_907 = arith.constant 0 : index
    %get3A_908 = arith.constant 8 : index
    %get3A_909 = memref.load %arg4[%get3A_907, %get3A_908] : memref<1x11xf32, #tpu.memory_space<smem>>
    %get3A_910 = arith.constant 0 : index
    %get3A_911 = arith.constant 9 : index
    %get3A_912 = memref.load %arg4[%get3A_910, %get3A_911] : memref<1x11xf32, #tpu.memory_space<smem>>
    %get3A_913 = arith.constant 0 : index
    %get3A_914 = arith.constant 10 : index
    %get3A_915 = memref.load %arg4[%get3A_913, %get3A_914] : memref<1x11xf32, #tpu.memory_space<smem>>
    %get3A_916 = arith.constant 0 : index
    %get3A_917 = arith.constant 0 : index
    %get3A_918 = vector.load %arg12[%get3A_916, %get3A_917] : memref<1x4096xf32, #tpu.memory_space<vmem>>, vector<1x4096xf32>
    %get3A_919 = arith.constant 0 : index
    %get3A_920 = arith.constant 0 : index
    %get3A_921 = vector.load %arg13[%get3A_919, %get3A_920] : memref<1x4096xf32, #tpu.memory_space<vmem>>, vector<1x4096xf32>
    %add3A_922 = vector.broadcast %get3A_888 : f32 to vector<1x4096xf32>
    %add3A_923 = arith.addf %get3A_921, %add3A_922 : vector<1x4096xf32>
    %mul3A_924 = vector.broadcast %get3A_891 : f32 to vector<1x4096xf32>
    %mul3A_925 = arith.mulf %add3A_923, %mul3A_924 : vector<1x4096xf32>
    %mul3A_926 = vector.broadcast %get3A_894 : f32 to vector<1x4096xf32>
    %mul3A_927 = arith.mulf %get3A_918, %mul3A_926 : vector<1x4096xf32>
    %add3A_928 = arith.addf %mul3A_925, %mul3A_927 : vector<1x4096xf32>
    %add3A_929 = vector.broadcast %get3A_897 : f32 to vector<1x4096xf32>
    %add3A_930 = arith.addf %add3A_928, %add3A_929 : vector<1x4096xf32>
    %logistic3A = arith.negf %add3A_930 : vector<1x4096xf32>
    %logistic3A_931 = math.exp %logistic3A : vector<1x4096xf32>
    %logistic3A_932 = arith.constant 1.000000e+00 : f32
    %logistic3A_933 = vector.broadcast %logistic3A_932 : f32 to vector<1x4096xf32>
    %logistic3A_934 = arith.addf %logistic3A_933, %logistic3A_931 : vector<1x4096xf32>
    %logistic3A_935 = arith.divf %logistic3A_933, %logistic3A_934 : vector<1x4096xf32>
    %mul3A_936 = vector.broadcast %get3A_900 : f32 to vector<1x4096xf32>
    %mul3A_937 = arith.mulf %add3A_923, %mul3A_936 : vector<1x4096xf32>
    %mul3A_938 = vector.broadcast %get3A_903 : f32 to vector<1x4096xf32>
    %mul3A_939 = arith.mulf %get3A_918, %mul3A_938 : vector<1x4096xf32>
    %add3A_940 = arith.addf %mul3A_937, %mul3A_939 : vector<1x4096xf32>
    %add3A_941 = vector.broadcast %get3A_906 : f32 to vector<1x4096xf32>
    %add3A_942 = arith.addf %add3A_940, %add3A_941 : vector<1x4096xf32>
    %logistic3A_943 = arith.negf %add3A_942 : vector<1x4096xf32>
    %logistic3A_944 = math.exp %logistic3A_943 : vector<1x4096xf32>
    %logistic3A_945 = arith.constant 1.000000e+00 : f32
    %logistic3A_946 = vector.broadcast %logistic3A_945 : f32 to vector<1x4096xf32>
    %logistic3A_947 = arith.addf %logistic3A_946, %logistic3A_944 : vector<1x4096xf32>
    %logistic3A_948 = arith.divf %logistic3A_946, %logistic3A_947 : vector<1x4096xf32>
    %mul3A_949 = vector.broadcast %get3A_909 : f32 to vector<1x4096xf32>
    %mul3A_950 = arith.mulf %add3A_923, %mul3A_949 : vector<1x4096xf32>
    %mul3A_951 = arith.mulf %logistic3A_948, %get3A_918 : vector<1x4096xf32>
    %mul3A_952 = vector.broadcast %get3A_912 : f32 to vector<1x4096xf32>
    %mul3A_953 = arith.mulf %mul3A_951, %mul3A_952 : vector<1x4096xf32>
    %add3A_954 = arith.addf %mul3A_950, %mul3A_953 : vector<1x4096xf32>
    %add3A_955 = vector.broadcast %get3A_915 : f32 to vector<1x4096xf32>
    %add3A_956 = arith.addf %add3A_954, %add3A_955 : vector<1x4096xf32>
    %tanh3A = math.tanh %add3A_956 : vector<1x4096xf32>
    %sub3A_957 = arith.constant 1.000000e+00 : f32
    %sub3A_958 = vector.broadcast %sub3A_957 : f32 to vector<1x4096xf32>
    %sub3A_959 = arith.subf %sub3A_958, %logistic3A_935 : vector<1x4096xf32>
    %mul3A_960 = arith.mulf %sub3A_959, %get3A_918 : vector<1x4096xf32>
    %mul3A_961 = arith.mulf %logistic3A_935, %tanh3A : vector<1x4096xf32>
    %add3A_962 = arith.addf %mul3A_960, %mul3A_961 : vector<1x4096xf32>
    %swap3A_963 = arith.constant 0 : index
    %swap3A_964 = arith.constant 0 : index
    %swap3A_965 = vector.load %arg12[%swap3A_963, %swap3A_964] : memref<1x4096xf32, #tpu.memory_space<vmem>>, vector<1x4096xf32>
    tpu.vector_store %arg12[%swap3A_963, %swap3A_964], %add3A_962 {strides = array<i32>} : memref<1x4096xf32, #tpu.memory_space<vmem>>, vector<1x4096xf32>,
    %get3A_966 = arith.constant 0 : index
    %get3A_967 = arith.constant 0 : index
    %get3A_968 = memref.load %arg4[%get3A_966, %get3A_967] : memref<1x11xf32, #tpu.memory_space<smem>>
    %mul3A_969 = vector.broadcast %get3A_968 : f32 to vector<1x4096xf32>
    %mul3A_970 = arith.mulf %add3A_962, %mul3A_969 : vector<1x4096xf32>
    %swap3A_971 = arith.constant 0 : index
    %swap3A_972 = arith.constant 0 : index
    %swap3A_973 = vector.load %arg14[%swap3A_971, %swap3A_972] : memref<1x4096xf32, #tpu.memory_space<vmem>>, vector<1x4096xf32>
    tpu.vector_store %arg14[%swap3A_971, %swap3A_972], %mul3A_970 {strides = array<i32>} : memref<1x4096xf32, #tpu.memory_space<vmem>>, vector<1x4096xf32>,
    %get3A_974 = arith.constant 0 : index
    %get3A_975 = arith.constant 0 : index
    %get3A_976 = vector.load %arg14[%get3A_974, %get3A_975] : memref<1x4096xf32, #tpu.memory_space<vmem>>, vector<1x4096xf32>
    %get3A_977 = arith.constant 0 : index
    %get3A_978 = arith.constant 0 : index
    %get3A_979 = vector.load %arg7[%get3A_977, %get3A_978] : memref<896x4096xf32, #tpu.memory_space<vmem>>, vector<896x4096xf32>
    %dot_general3A_980 = arith.constant dense<0.000000e+00> : vector<1x896xf32>
    %dot_general3A_981 = tpu.matmul %get3A_976, %get3A_979, %dot_general3A_980 {dimension_numbers = #tpu.dot_dimension_numbers<[1], [1], [0], [0], [0, 0, 1, 0], [], []>, transpose_lhs_hint = false} : vector<1x4096xf32>, vector<896x4096xf32>, vector<1x896xf32> -> vector<1x896xf32>
    %swap3A_982 = arith.constant 0 : index
    %swap3A_983 = arith.constant 0 : index
    %swap3A_984 = vector.load %arg13[%swap3A_982, %swap3A_983] : memref<1x4096xf32, #tpu.memory_space<vmem>>, vector<1x896xf32>
    tpu.vector_store %arg13[%swap3A_982, %swap3A_983], %dot_general3A_981 {strides = array<i32>} : memref<1x4096xf32, #tpu.memory_space<vmem>>, vector<1x896xf32>,
    %get3A_985 = arith.constant 0 : index
    %get3A_986 = arith.constant 0 : index
    %get3A_987 = vector.load %arg14[%get3A_985, %get3A_986] : memref<1x4096xf32, #tpu.memory_space<vmem>>, vector<1x4096xf32>
    %get3A_988 = arith.constant 0 : index
    %get3A_989 = arith.constant 0 : index
    %get3A_990 = vector.load %arg8[%get3A_988, %get3A_989] : memref<896x4096xf32, #tpu.memory_space<vmem>>, vector<896x4096xf32>
    %dot_general3A_991 = arith.constant dense<0.000000e+00> : vector<1x896xf32>
    %dot_general3A_992 = tpu.matmul %get3A_987, %get3A_990, %dot_general3A_991 {dimension_numbers = #tpu.dot_dimension_numbers<[1], [1], [0], [0], [0, 0, 1, 0], [], []>, transpose_lhs_hint = false} : vector<1x4096xf32>, vector<896x4096xf32>, vector<1x896xf32> -> vector<1x896xf32>
    %swap3A_993 = arith.constant 0 : index
    %swap3A_994 = arith.constant 896 : index
    %swap3A_995 = vector.load %arg13[%swap3A_993, %swap3A_994] : memref<1x4096xf32, #tpu.memory_space<vmem>>, vector<1x896xf32>
    tpu.vector_store %arg13[%swap3A_993, %swap3A_994], %dot_general3A_992 {strides = array<i32>} : memref<1x4096xf32, #tpu.memory_space<vmem>>, vector<1x896xf32>,
    %get3A_996 = arith.constant 0 : index
    %get3A_997 = arith.constant 0 : index
    %get3A_998 = vector.load %arg14[%get3A_996, %get3A_997] : memref<1x4096xf32, #tpu.memory_space<vmem>>, vector<1x4096xf32>
    %get3A_999 = arith.constant 0 : index
    %get3A_1000 = arith.constant 0 : index
    %get3A_1001 = vector.load %arg9[%get3A_999, %get3A_1000] : memref<896x4096xf32, #tpu.memory_space<vmem>>, vector<896x4096xf32>
    %dot_general3A_1002 = arith.constant dense<0.000000e+00> : vector<1x896xf32>
    %dot_general3A_1003 = tpu.matmul %get3A_998, %get3A_1001, %dot_general3A_1002 {dimension_numbers = #tpu.dot_dimension_numbers<[1], [1], [0], [0], [0, 0, 1, 0], [], []>, transpose_lhs_hint = false} : vector<1x4096xf32>, vector<896x4096xf32>, vector<1x896xf32> -> vector<1x896xf32>
    %swap3A_1004 = arith.constant 0 : index
    %swap3A_1005 = arith.constant 1792 : index
    %swap3A_1006 = vector.load %arg13[%swap3A_1004, %swap3A_1005] : memref<1x4096xf32, #tpu.memory_space<vmem>>, vector<1x896xf32>
    tpu.vector_store %arg13[%swap3A_1004, %swap3A_1005], %dot_general3A_1003 {strides = array<i32>} : memref<1x4096xf32, #tpu.memory_space<vmem>>, vector<1x896xf32>,
    %get3A_1007 = arith.constant 0 : index
    %get3A_1008 = arith.constant 0 : index
    %get3A_1009 = vector.load %arg14[%get3A_1007, %get3A_1008] : memref<1x4096xf32, #tpu.memory_space<vmem>>, vector<1x4096xf32>
    %get3A_1010 = arith.constant 0 : index
    %get3A_1011 = arith.constant 0 : index
    %get3A_1012 = vector.load %arg10[%get3A_1010, %get3A_1011] : memref<896x4096xf32, #tpu.memory_space<vmem>>, vector<896x4096xf32>
    %dot_general3A_1013 = arith.constant dense<0.000000e+00> : vector<1x896xf32>
    %dot_general3A_1014 = tpu.matmul %get3A_1009, %get3A_1012, %dot_general3A_1013 {dimension_numbers = #tpu.dot_dimension_numbers<[1], [1], [0], [0], [0, 0, 1, 0], [], []>, transpose_lhs_hint = false} : vector<1x4096xf32>, vector<896x4096xf32>, vector<1x896xf32> -> vector<1x896xf32>
    %swap3A_1015 = arith.constant 0 : index
    %swap3A_1016 = arith.constant 2688 : index
    %swap3A_1017 = vector.load %arg13[%swap3A_1015, %swap3A_1016] : memref<1x4096xf32, #tpu.memory_space<vmem>>, vector<1x896xf32>
    tpu.vector_store %arg13[%swap3A_1015, %swap3A_1016], %dot_general3A_1014 {strides = array<i32>} : memref<1x4096xf32, #tpu.memory_space<vmem>>, vector<1x896xf32>,
    %dma_wait3A_1018 = arith.constant 0 : i32
    %dma_wait3A_1019 = arith.constant 0 : i32
    %dma_wait3A_1020 = tpu.memref_slice %arg16[%dma_wait3A_1019] : memref<2x!tpu.dma_semaphore, #tpu.memory_space<semaphore_mem>> -> memref<1x!tpu.dma_semaphore, #tpu.memory_space<semaphore_mem>>
    %dma_wait3A_1021 = tpu.memref_squeeze %dma_wait3A_1020 : memref<1x!tpu.dma_semaphore, #tpu.memory_space<semaphore_mem>> -> memref<!tpu.dma_semaphore, #tpu.memory_space<semaphore_mem>>
    %dma_wait3A_1022 = arith.constant 0 : i32
    %dma_wait3A_1023 = arith.constant 0 : i32
    %dma_wait3A_1024 = tpu.memref_slice %arg11[%dma_wait3A_1018, %dma_wait3A_1022, %dma_wait3A_1023] : memref<2x64x4096xf32, #tpu.memory_space<vmem>> -> memref<1x64x4096xf32, #tpu.memory_space<vmem>>
    %dma_wait3A_1025 = tpu.memref_squeeze %dma_wait3A_1024 : memref<1x64x4096xf32, #tpu.memory_space<vmem>> -> memref<64x4096xf32, #tpu.memory_space<vmem>>
    %dma_wait3A_1026 = arith.constant 3584 : i32
    %dma_wait3A_1027 = arith.constant 0 : i32
    %dma_wait3A_1028 = tpu.memref_slice %arg2[%dma_wait3A_1026, %dma_wait3A_1027] : memref<4096x4096xf32, #tpu.memory_space<any>> -> memref<64x4096xf32, #tpu.memory_space<any>>
    tpu.wait_dma2 semaphore(%dma_wait3A_1021 : memref<!tpu.dma_semaphore, #tpu.memory_space<semaphore_mem>>) src(%dma_wait3A_1028 : memref<64x4096xf32, #tpu.memory_space<any>>) dst(%dma_wait3A_1025 : memref<64x4096xf32, #tpu.memory_space<vmem>>)
    %get3A_1029 = arith.constant 0 : index
    %get3A_1030 = arith.constant 0 : index
    %get3A_1031 = vector.load %arg14[%get3A_1029, %get3A_1030] : memref<1x4096xf32, #tpu.memory_space<vmem>>, vector<1x4096xf32>
    %get3A_1032 = arith.constant 0 : index
    %get3A_1033 = arith.constant 0 : index
    %get3A_1034 = arith.constant 0 : index
    %get3A_1035 = vector.load %arg11[%get3A_1032, %get3A_1033, %get3A_1034] : memref<2x64x4096xf32, #tpu.memory_space<vmem>>, vector<1x64x4096xf32>
    %get3A_1036 = vector.shape_cast %get3A_1035 : vector<1x64x4096xf32> to vector<64x4096xf32>
    %dot_general3A_1037 = arith.constant dense<0.000000e+00> : vector<1x64xf32>
    %dot_general3A_1038 = tpu.matmul %get3A_1031, %get3A_1036, %dot_general3A_1037 {dimension_numbers = #tpu.dot_dimension_numbers<[1], [1], [0], [0], [0, 0, 1, 0], [], []>, transpose_lhs_hint = false} : vector<1x4096xf32>, vector<64x4096xf32>, vector<1x64xf32> -> vector<1x64xf32>
    %swap3A_1039 = arith.constant 0 : index
    %swap3A_1040 = arith.constant 3584 : index
    %swap3A_1041 = vector.load %arg13[%swap3A_1039, %swap3A_1040] : memref<1x4096xf32, #tpu.memory_space<vmem>>, vector<1x64xf32>
    tpu.vector_store %arg13[%swap3A_1039, %swap3A_1040], %dot_general3A_1038 {strides = array<i32>} : memref<1x4096xf32, #tpu.memory_space<vmem>>, vector<1x64xf32>,
    %dma_start3A_1042 = arith.constant 0 : i32
    %dma_start3A_1043 = arith.constant 0 : i32
    %dma_start3A_1044 = tpu.memref_slice %arg16[%dma_start3A_1043] : memref<2x!tpu.dma_semaphore, #tpu.memory_space<semaphore_mem>> -> memref<1x!tpu.dma_semaphore, #tpu.memory_space<semaphore_mem>>
    %dma_start3A_1045 = tpu.memref_squeeze %dma_start3A_1044 : memref<1x!tpu.dma_semaphore, #tpu.memory_space<semaphore_mem>> -> memref<!tpu.dma_semaphore, #tpu.memory_space<semaphore_mem>>
    %dma_start3A_1046 = arith.constant 0 : i32
    %dma_start3A_1047 = arith.constant 0 : i32
    %dma_start3A_1048 = tpu.memref_slice %arg11[%dma_start3A_1042, %dma_start3A_1046, %dma_start3A_1047] : memref<2x64x4096xf32, #tpu.memory_space<vmem>> -> memref<1x64x4096xf32, #tpu.memory_space<vmem>>
    %dma_start3A_1049 = tpu.memref_squeeze %dma_start3A_1048 : memref<1x64x4096xf32, #tpu.memory_space<vmem>> -> memref<64x4096xf32, #tpu.memory_space<vmem>>
    %dma_start3A_1050 = arith.constant 3712 : i32
    %dma_start3A_1051 = arith.constant 0 : i32
    %dma_start3A_1052 = tpu.memref_slice %arg2[%dma_start3A_1050, %dma_start3A_1051] : memref<4096x4096xf32, #tpu.memory_space<any>> -> memref<64x4096xf32, #tpu.memory_space<any>>
    tpu.enqueue_dma source(%dma_start3A_1052 : memref<64x4096xf32, #tpu.memory_space<any>>) target(%dma_start3A_1049 : memref<64x4096xf32, #tpu.memory_space<vmem>>) target_semaphore(%dma_start3A_1045 : memref<!tpu.dma_semaphore, #tpu.memory_space<semaphore_mem>>)
    %dma_wait3A_1053 = arith.constant 1 : i32
    %dma_wait3A_1054 = arith.constant 1 : i32
    %dma_wait3A_1055 = tpu.memref_slice %arg16[%dma_wait3A_1054] : memref<2x!tpu.dma_semaphore, #tpu.memory_space<semaphore_mem>> -> memref<1x!tpu.dma_semaphore, #tpu.memory_space<semaphore_mem>>
    %dma_wait3A_1056 = tpu.memref_squeeze %dma_wait3A_1055 : memref<1x!tpu.dma_semaphore, #tpu.memory_space<semaphore_mem>> -> memref<!tpu.dma_semaphore, #tpu.memory_space<semaphore_mem>>
    %dma_wait3A_1057 = arith.constant 0 : i32
    %dma_wait3A_1058 = arith.constant 0 : i32
    %dma_wait3A_1059 = tpu.memref_slice %arg11[%dma_wait3A_1053, %dma_wait3A_1057, %dma_wait3A_1058] : memref<2x64x4096xf32, #tpu.memory_space<vmem>> -> memref<1x64x4096xf32, #tpu.memory_space<vmem>>
    %dma_wait3A_1060 = tpu.memref_squeeze %dma_wait3A_1059 : memref<1x64x4096xf32, #tpu.memory_space<vmem>> -> memref<64x4096xf32, #tpu.memory_space<vmem>>
    %dma_wait3A_1061 = arith.constant 3648 : i32
    %dma_wait3A_1062 = arith.constant 0 : i32
    %dma_wait3A_1063 = tpu.memref_slice %arg2[%dma_wait3A_1061, %dma_wait3A_1062] : memref<4096x4096xf32, #tpu.memory_space<any>> -> memref<64x4096xf32, #tpu.memory_space<any>>
    tpu.wait_dma2 semaphore(%dma_wait3A_1056 : memref<!tpu.dma_semaphore, #tpu.memory_space<semaphore_mem>>) src(%dma_wait3A_1063 : memref<64x4096xf32, #tpu.memory_space<any>>) dst(%dma_wait3A_1060 : memref<64x4096xf32, #tpu.memory_space<vmem>>)
    %get3A_1064 = arith.constant 0 : index
    %get3A_1065 = arith.constant 0 : index
    %get3A_1066 = vector.load %arg14[%get3A_1064, %get3A_1065] : memref<1x4096xf32, #tpu.memory_space<vmem>>, vector<1x4096xf32>
    %get3A_1067 = arith.constant 1 : index
    %get3A_1068 = arith.constant 0 : index
    %get3A_1069 = arith.constant 0 : index
    %get3A_1070 = vector.load %arg11[%get3A_1067, %get3A_1068, %get3A_1069] : memref<2x64x4096xf32, #tpu.memory_space<vmem>>, vector<1x64x4096xf32>
    %get3A_1071 = vector.shape_cast %get3A_1070 : vector<1x64x4096xf32> to vector<64x4096xf32>
    %dot_general3A_1072 = arith.constant dense<0.000000e+00> : vector<1x64xf32>
    %dot_general3A_1073 = tpu.matmul %get3A_1066, %get3A_1071, %dot_general3A_1072 {dimension_numbers = #tpu.dot_dimension_numbers<[1], [1], [0], [0], [0, 0, 1, 0], [], []>, transpose_lhs_hint = false} : vector<1x4096xf32>, vector<64x4096xf32>, vector<1x64xf32> -> vector<1x64xf32>
    %swap3A_1074 = arith.constant 0 : index
    %swap3A_1075 = arith.constant 3648 : index
    %swap3A_1076 = vector.load %arg13[%swap3A_1074, %swap3A_1075] : memref<1x4096xf32, #tpu.memory_space<vmem>>, vector<1x64xf32>
    tpu.vector_store %arg13[%swap3A_1074, %swap3A_1075], %dot_general3A_1073 {strides = array<i32>} : memref<1x4096xf32, #tpu.memory_space<vmem>>, vector<1x64xf32>,
    %dma_start3A_1077 = arith.constant 1 : i32
    %dma_start3A_1078 = arith.constant 1 : i32
    %dma_start3A_1079 = tpu.memref_slice %arg16[%dma_start3A_1078] : memref<2x!tpu.dma_semaphore, #tpu.memory_space<semaphore_mem>> -> memref<1x!tpu.dma_semaphore, #tpu.memory_space<semaphore_mem>>
    %dma_start3A_1080 = tpu.memref_squeeze %dma_start3A_1079 : memref<1x!tpu.dma_semaphore, #tpu.memory_space<semaphore_mem>> -> memref<!tpu.dma_semaphore, #tpu.memory_space<semaphore_mem>>
    %dma_start3A_1081 = arith.constant 0 : i32
    %dma_start3A_1082 = arith.constant 0 : i32
    %dma_start3A_1083 = tpu.memref_slice %arg11[%dma_start3A_1077, %dma_start3A_1081, %dma_start3A_1082] : memref<2x64x4096xf32, #tpu.memory_space<vmem>> -> memref<1x64x4096xf32, #tpu.memory_space<vmem>>
    %dma_start3A_1084 = tpu.memref_squeeze %dma_start3A_1083 : memref<1x64x4096xf32, #tpu.memory_space<vmem>> -> memref<64x4096xf32, #tpu.memory_space<vmem>>
    %dma_start3A_1085 = arith.constant 3776 : i32
    %dma_start3A_1086 = arith.constant 0 : i32
    %dma_start3A_1087 = tpu.memref_slice %arg2[%dma_start3A_1085, %dma_start3A_1086] : memref<4096x4096xf32, #tpu.memory_space<any>> -> memref<64x4096xf32, #tpu.memory_space<any>>
    tpu.enqueue_dma source(%dma_start3A_1087 : memref<64x4096xf32, #tpu.memory_space<any>>) target(%dma_start3A_1084 : memref<64x4096xf32, #tpu.memory_space<vmem>>) target_semaphore(%dma_start3A_1080 : memref<!tpu.dma_semaphore, #tpu.memory_space<semaphore_mem>>)
    %dma_wait3A_1088 = arith.constant 0 : i32
    %dma_wait3A_1089 = arith.constant 0 : i32
    %dma_wait3A_1090 = tpu.memref_slice %arg16[%dma_wait3A_1089] : memref<2x!tpu.dma_semaphore, #tpu.memory_space<semaphore_mem>> -> memref<1x!tpu.dma_semaphore, #tpu.memory_space<semaphore_mem>>
    %dma_wait3A_1091 = tpu.memref_squeeze %dma_wait3A_1090 : memref<1x!tpu.dma_semaphore, #tpu.memory_space<semaphore_mem>> -> memref<!tpu.dma_semaphore, #tpu.memory_space<semaphore_mem>>
    %dma_wait3A_1092 = arith.constant 0 : i32
    %dma_wait3A_1093 = arith.constant 0 : i32
    %dma_wait3A_1094 = tpu.memref_slice %arg11[%dma_wait3A_1088, %dma_wait3A_1092, %dma_wait3A_1093] : memref<2x64x4096xf32, #tpu.memory_space<vmem>> -> memref<1x64x4096xf32, #tpu.memory_space<vmem>>
    %dma_wait3A_1095 = tpu.memref_squeeze %dma_wait3A_1094 : memref<1x64x4096xf32, #tpu.memory_space<vmem>> -> memref<64x4096xf32, #tpu.memory_space<vmem>>
    %dma_wait3A_1096 = arith.constant 3712 : i32
    %dma_wait3A_1097 = arith.constant 0 : i32
    %dma_wait3A_1098 = tpu.memref_slice %arg2[%dma_wait3A_1096, %dma_wait3A_1097] : memref<4096x4096xf32, #tpu.memory_space<any>> -> memref<64x4096xf32, #tpu.memory_space<any>>
    tpu.wait_dma2 semaphore(%dma_wait3A_1091 : memref<!tpu.dma_semaphore, #tpu.memory_space<semaphore_mem>>) src(%dma_wait3A_1098 : memref<64x4096xf32, #tpu.memory_space<any>>) dst(%dma_wait3A_1095 : memref<64x4096xf32, #tpu.memory_space<vmem>>)
    %get3A_1099 = arith.constant 0 : index
    %get3A_1100 = arith.constant 0 : index
    %get3A_1101 = vector.load %arg14[%get3A_1099, %get3A_1100] : memref<1x4096xf32, #tpu.memory_space<vmem>>, vector<1x4096xf32>
    %get3A_1102 = arith.constant 0 : index
    %get3A_1103 = arith.constant 0 : index
    %get3A_1104 = arith.constant 0 : index
    %get3A_1105 = vector.load %arg11[%get3A_1102, %get3A_1103, %get3A_1104] : memref<2x64x4096xf32, #tpu.memory_space<vmem>>, vector<1x64x4096xf32>
    %get3A_1106 = vector.shape_cast %get3A_1105 : vector<1x64x4096xf32> to vector<64x4096xf32>
    %dot_general3A_1107 = arith.constant dense<0.000000e+00> : vector<1x64xf32>
    %dot_general3A_1108 = tpu.matmul %get3A_1101, %get3A_1106, %dot_general3A_1107 {dimension_numbers = #tpu.dot_dimension_numbers<[1], [1], [0], [0], [0, 0, 1, 0], [], []>, transpose_lhs_hint = false} : vector<1x4096xf32>, vector<64x4096xf32>, vector<1x64xf32> -> vector<1x64xf32>
    %swap3A_1109 = arith.constant 0 : index
    %swap3A_1110 = arith.constant 3712 : index
    %swap3A_1111 = vector.load %arg13[%swap3A_1109, %swap3A_1110] : memref<1x4096xf32, #tpu.memory_space<vmem>>, vector<1x64xf32>
    tpu.vector_store %arg13[%swap3A_1109, %swap3A_1110], %dot_general3A_1108 {strides = array<i32>} : memref<1x4096xf32, #tpu.memory_space<vmem>>, vector<1x64xf32>,
    %dma_start3A_1112 = arith.constant 0 : i32
    %dma_start3A_1113 = arith.constant 0 : i32
    %dma_start3A_1114 = tpu.memref_slice %arg16[%dma_start3A_1113] : memref<2x!tpu.dma_semaphore, #tpu.memory_space<semaphore_mem>> -> memref<1x!tpu.dma_semaphore, #tpu.memory_space<semaphore_mem>>
    %dma_start3A_1115 = tpu.memref_squeeze %dma_start3A_1114 : memref<1x!tpu.dma_semaphore, #tpu.memory_space<semaphore_mem>> -> memref<!tpu.dma_semaphore, #tpu.memory_space<semaphore_mem>>
    %dma_start3A_1116 = arith.constant 0 : i32
    %dma_start3A_1117 = arith.constant 0 : i32
    %dma_start3A_1118 = tpu.memref_slice %arg11[%dma_start3A_1112, %dma_start3A_1116, %dma_start3A_1117] : memref<2x64x4096xf32, #tpu.memory_space<vmem>> -> memref<1x64x4096xf32, #tpu.memory_space<vmem>>
    %dma_start3A_1119 = tpu.memref_squeeze %dma_start3A_1118 : memref<1x64x4096xf32, #tpu.memory_space<vmem>> -> memref<64x4096xf32, #tpu.memory_space<vmem>>
    %dma_start3A_1120 = arith.constant 3840 : i32
    %dma_start3A_1121 = arith.constant 0 : i32
    %dma_start3A_1122 = tpu.memref_slice %arg2[%dma_start3A_1120, %dma_start3A_1121] : memref<4096x4096xf32, #tpu.memory_space<any>> -> memref<64x4096xf32, #tpu.memory_space<any>>
    tpu.enqueue_dma source(%dma_start3A_1122 : memref<64x4096xf32, #tpu.memory_space<any>>) target(%dma_start3A_1119 : memref<64x4096xf32, #tpu.memory_space<vmem>>) target_semaphore(%dma_start3A_1115 : memref<!tpu.dma_semaphore, #tpu.memory_space<semaphore_mem>>)
    %dma_wait3A_1123 = arith.constant 1 : i32
    %dma_wait3A_1124 = arith.constant 1 : i32
    %dma_wait3A_1125 = tpu.memref_slice %arg16[%dma_wait3A_1124] : memref<2x!tpu.dma_semaphore, #tpu.memory_space<semaphore_mem>> -> memref<1x!tpu.dma_semaphore, #tpu.memory_space<semaphore_mem>>
    %dma_wait3A_1126 = tpu.memref_squeeze %dma_wait3A_1125 : memref<1x!tpu.dma_semaphore, #tpu.memory_space<semaphore_mem>> -> memref<!tpu.dma_semaphore, #tpu.memory_space<semaphore_mem>>
    %dma_wait3A_1127 = arith.constant 0 : i32
    %dma_wait3A_1128 = arith.constant 0 : i32
    %dma_wait3A_1129 = tpu.memref_slice %arg11[%dma_wait3A_1123, %dma_wait3A_1127, %dma_wait3A_1128] : memref<2x64x4096xf32, #tpu.memory_space<vmem>> -> memref<1x64x4096xf32, #tpu.memory_space<vmem>>
    %dma_wait3A_1130 = tpu.memref_squeeze %dma_wait3A_1129 : memref<1x64x4096xf32, #tpu.memory_space<vmem>> -> memref<64x4096xf32, #tpu.memory_space<vmem>>
    %dma_wait3A_1131 = arith.constant 3776 : i32
    %dma_wait3A_1132 = arith.constant 0 : i32
    %dma_wait3A_1133 = tpu.memref_slice %arg2[%dma_wait3A_1131, %dma_wait3A_1132] : memref<4096x4096xf32, #tpu.memory_space<any>> -> memref<64x4096xf32, #tpu.memory_space<any>>
    tpu.wait_dma2 semaphore(%dma_wait3A_1126 : memref<!tpu.dma_semaphore, #tpu.memory_space<semaphore_mem>>) src(%dma_wait3A_1133 : memref<64x4096xf32, #tpu.memory_space<any>>) dst(%dma_wait3A_1130 : memref<64x4096xf32, #tpu.memory_space<vmem>>)
    %get3A_1134 = arith.constant 0 : index
    %get3A_1135 = arith.constant 0 : index
    %get3A_1136 = vector.load %arg14[%get3A_1134, %get3A_1135] : memref<1x4096xf32, #tpu.memory_space<vmem>>, vector<1x4096xf32>
    %get3A_1137 = arith.constant 1 : index
    %get3A_1138 = arith.constant 0 : index
    %get3A_1139 = arith.constant 0 : index
    %get3A_1140 = vector.load %arg11[%get3A_1137, %get3A_1138, %get3A_1139] : memref<2x64x4096xf32, #tpu.memory_space<vmem>>, vector<1x64x4096xf32>
    %get3A_1141 = vector.shape_cast %get3A_1140 : vector<1x64x4096xf32> to vector<64x4096xf32>
    %dot_general3A_1142 = arith.constant dense<0.000000e+00> : vector<1x64xf32>
    %dot_general3A_1143 = tpu.matmul %get3A_1136, %get3A_1141, %dot_general3A_1142 {dimension_numbers = #tpu.dot_dimension_numbers<[1], [1], [0], [0], [0, 0, 1, 0], [], []>, transpose_lhs_hint = false} : vector<1x4096xf32>, vector<64x4096xf32>, vector<1x64xf32> -> vector<1x64xf32>
    %swap3A_1144 = arith.constant 0 : index
    %swap3A_1145 = arith.constant 3776 : index
    %swap3A_1146 = vector.load %arg13[%swap3A_1144, %swap3A_1145] : memref<1x4096xf32, #tpu.memory_space<vmem>>, vector<1x64xf32>
    tpu.vector_store %arg13[%swap3A_1144, %swap3A_1145], %dot_general3A_1143 {strides = array<i32>} : memref<1x4096xf32, #tpu.memory_space<vmem>>, vector<1x64xf32>,
    %dma_start3A_1147 = arith.constant 1 : i32
    %dma_start3A_1148 = arith.constant 1 : i32
    %dma_start3A_1149 = tpu.memref_slice %arg16[%dma_start3A_1148] : memref<2x!tpu.dma_semaphore, #tpu.memory_space<semaphore_mem>> -> memref<1x!tpu.dma_semaphore, #tpu.memory_space<semaphore_mem>>
    %dma_start3A_1150 = tpu.memref_squeeze %dma_start3A_1149 : memref<1x!tpu.dma_semaphore, #tpu.memory_space<semaphore_mem>> -> memref<!tpu.dma_semaphore, #tpu.memory_space<semaphore_mem>>
    %dma_start3A_1151 = arith.constant 0 : i32
    %dma_start3A_1152 = arith.constant 0 : i32
    %dma_start3A_1153 = tpu.memref_slice %arg11[%dma_start3A_1147, %dma_start3A_1151, %dma_start3A_1152] : memref<2x64x4096xf32, #tpu.memory_space<vmem>> -> memref<1x64x4096xf32, #tpu.memory_space<vmem>>
    %dma_start3A_1154 = tpu.memref_squeeze %dma_start3A_1153 : memref<1x64x4096xf32, #tpu.memory_space<vmem>> -> memref<64x4096xf32, #tpu.memory_space<vmem>>
    %dma_start3A_1155 = arith.constant 3904 : i32
    %dma_start3A_1156 = arith.constant 0 : i32
    %dma_start3A_1157 = tpu.memref_slice %arg2[%dma_start3A_1155, %dma_start3A_1156] : memref<4096x4096xf32, #tpu.memory_space<any>> -> memref<64x4096xf32, #tpu.memory_space<any>>
    tpu.enqueue_dma source(%dma_start3A_1157 : memref<64x4096xf32, #tpu.memory_space<any>>) target(%dma_start3A_1154 : memref<64x4096xf32, #tpu.memory_space<vmem>>) target_semaphore(%dma_start3A_1150 : memref<!tpu.dma_semaphore, #tpu.memory_space<semaphore_mem>>)
    %dma_wait3A_1158 = arith.constant 0 : i32
    %dma_wait3A_1159 = arith.constant 0 : i32
    %dma_wait3A_1160 = tpu.memref_slice %arg16[%dma_wait3A_1159] : memref<2x!tpu.dma_semaphore, #tpu.memory_space<semaphore_mem>> -> memref<1x!tpu.dma_semaphore, #tpu.memory_space<semaphore_mem>>
    %dma_wait3A_1161 = tpu.memref_squeeze %dma_wait3A_1160 : memref<1x!tpu.dma_semaphore, #tpu.memory_space<semaphore_mem>> -> memref<!tpu.dma_semaphore, #tpu.memory_space<semaphore_mem>>
    %dma_wait3A_1162 = arith.constant 0 : i32
    %dma_wait3A_1163 = arith.constant 0 : i32
    %dma_wait3A_1164 = tpu.memref_slice %arg11[%dma_wait3A_1158, %dma_wait3A_1162, %dma_wait3A_1163] : memref<2x64x4096xf32, #tpu.memory_space<vmem>> -> memref<1x64x4096xf32, #tpu.memory_space<vmem>>
    %dma_wait3A_1165 = tpu.memref_squeeze %dma_wait3A_1164 : memref<1x64x4096xf32, #tpu.memory_space<vmem>> -> memref<64x4096xf32, #tpu.memory_space<vmem>>
    %dma_wait3A_1166 = arith.constant 3840 : i32
    %dma_wait3A_1167 = arith.constant 0 : i32
    %dma_wait3A_1168 = tpu.memref_slice %arg2[%dma_wait3A_1166, %dma_wait3A_1167] : memref<4096x4096xf32, #tpu.memory_space<any>> -> memref<64x4096xf32, #tpu.memory_space<any>>
    tpu.wait_dma2 semaphore(%dma_wait3A_1161 : memref<!tpu.dma_semaphore, #tpu.memory_space<semaphore_mem>>) src(%dma_wait3A_1168 : memref<64x4096xf32, #tpu.memory_space<any>>) dst(%dma_wait3A_1165 : memref<64x4096xf32, #tpu.memory_space<vmem>>)
    %get3A_1169 = arith.constant 0 : index
    %get3A_1170 = arith.constant 0 : index
    %get3A_1171 = vector.load %arg14[%get3A_1169, %get3A_1170] : memref<1x4096xf32, #tpu.memory_space<vmem>>, vector<1x4096xf32>
    %get3A_1172 = arith.constant 0 : index
    %get3A_1173 = arith.constant 0 : index
    %get3A_1174 = arith.constant 0 : index
    %get3A_1175 = vector.load %arg11[%get3A_1172, %get3A_1173, %get3A_1174] : memref<2x64x4096xf32, #tpu.memory_space<vmem>>, vector<1x64x4096xf32>
    %get3A_1176 = vector.shape_cast %get3A_1175 : vector<1x64x4096xf32> to vector<64x4096xf32>
    %dot_general3A_1177 = arith.constant dense<0.000000e+00> : vector<1x64xf32>
    %dot_general3A_1178 = tpu.matmul %get3A_1171, %get3A_1176, %dot_general3A_1177 {dimension_numbers = #tpu.dot_dimension_numbers<[1], [1], [0], [0], [0, 0, 1, 0], [], []>, transpose_lhs_hint = false} : vector<1x4096xf32>, vector<64x4096xf32>, vector<1x64xf32> -> vector<1x64xf32>
    %swap3A_1179 = arith.constant 0 : index
    %swap3A_1180 = arith.constant 3840 : index
    %swap3A_1181 = vector.load %arg13[%swap3A_1179, %swap3A_1180] : memref<1x4096xf32, #tpu.memory_space<vmem>>, vector<1x64xf32>
    tpu.vector_store %arg13[%swap3A_1179, %swap3A_1180], %dot_general3A_1178 {strides = array<i32>} : memref<1x4096xf32, #tpu.memory_space<vmem>>, vector<1x64xf32>,
    %dma_start3A_1182 = arith.constant 0 : i32
    %dma_start3A_1183 = arith.constant 0 : i32
    %dma_start3A_1184 = tpu.memref_slice %arg16[%dma_start3A_1183] : memref<2x!tpu.dma_semaphore, #tpu.memory_space<semaphore_mem>> -> memref<1x!tpu.dma_semaphore, #tpu.memory_space<semaphore_mem>>
    %dma_start3A_1185 = tpu.memref_squeeze %dma_start3A_1184 : memref<1x!tpu.dma_semaphore, #tpu.memory_space<semaphore_mem>> -> memref<!tpu.dma_semaphore, #tpu.memory_space<semaphore_mem>>
    %dma_start3A_1186 = arith.constant 0 : i32
    %dma_start3A_1187 = arith.constant 0 : i32
    %dma_start3A_1188 = tpu.memref_slice %arg11[%dma_start3A_1182, %dma_start3A_1186, %dma_start3A_1187] : memref<2x64x4096xf32, #tpu.memory_space<vmem>> -> memref<1x64x4096xf32, #tpu.memory_space<vmem>>
    %dma_start3A_1189 = tpu.memref_squeeze %dma_start3A_1188 : memref<1x64x4096xf32, #tpu.memory_space<vmem>> -> memref<64x4096xf32, #tpu.memory_space<vmem>>
    %dma_start3A_1190 = arith.constant 3968 : i32
    %dma_start3A_1191 = arith.constant 0 : i32
    %dma_start3A_1192 = tpu.memref_slice %arg2[%dma_start3A_1190, %dma_start3A_1191] : memref<4096x4096xf32, #tpu.memory_space<any>> -> memref<64x4096xf32, #tpu.memory_space<any>>
    tpu.enqueue_dma source(%dma_start3A_1192 : memref<64x4096xf32, #tpu.memory_space<any>>) target(%dma_start3A_1189 : memref<64x4096xf32, #tpu.memory_space<vmem>>) target_semaphore(%dma_start3A_1185 : memref<!tpu.dma_semaphore, #tpu.memory_space<semaphore_mem>>)
    %dma_wait3A_1193 = arith.constant 1 : i32
    %dma_wait3A_1194 = arith.constant 1 : i32
    %dma_wait3A_1195 = tpu.memref_slice %arg16[%dma_wait3A_1194] : memref<2x!tpu.dma_semaphore, #tpu.memory_space<semaphore_mem>> -> memref<1x!tpu.dma_semaphore, #tpu.memory_space<semaphore_mem>>
    %dma_wait3A_1196 = tpu.memref_squeeze %dma_wait3A_1195 : memref<1x!tpu.dma_semaphore, #tpu.memory_space<semaphore_mem>> -> memref<!tpu.dma_semaphore, #tpu.memory_space<semaphore_mem>>
    %dma_wait3A_1197 = arith.constant 0 : i32
    %dma_wait3A_1198 = arith.constant 0 : i32
    %dma_wait3A_1199 = tpu.memref_slice %arg11[%dma_wait3A_1193, %dma_wait3A_1197, %dma_wait3A_1198] : memref<2x64x4096xf32, #tpu.memory_space<vmem>> -> memref<1x64x4096xf32, #tpu.memory_space<vmem>>
    %dma_wait3A_1200 = tpu.memref_squeeze %dma_wait3A_1199 : memref<1x64x4096xf32, #tpu.memory_space<vmem>> -> memref<64x4096xf32, #tpu.memory_space<vmem>>
    %dma_wait3A_1201 = arith.constant 3904 : i32
    %dma_wait3A_1202 = arith.constant 0 : i32
    %dma_wait3A_1203 = tpu.memref_slice %arg2[%dma_wait3A_1201, %dma_wait3A_1202] : memref<4096x4096xf32, #tpu.memory_space<any>> -> memref<64x4096xf32, #tpu.memory_space<any>>
    tpu.wait_dma2 semaphore(%dma_wait3A_1196 : memref<!tpu.dma_semaphore, #tpu.memory_space<semaphore_mem>>) src(%dma_wait3A_1203 : memref<64x4096xf32, #tpu.memory_space<any>>) dst(%dma_wait3A_1200 : memref<64x4096xf32, #tpu.memory_space<vmem>>)
    %get3A_1204 = arith.constant 0 : index
    %get3A_1205 = arith.constant 0 : index
    %get3A_1206 = vector.load %arg14[%get3A_1204, %get3A_1205] : memref<1x4096xf32, #tpu.memory_space<vmem>>, vector<1x4096xf32>
    %get3A_1207 = arith.constant 1 : index
    %get3A_1208 = arith.constant 0 : index
    %get3A_1209 = arith.constant 0 : index
    %get3A_1210 = vector.load %arg11[%get3A_1207, %get3A_1208, %get3A_1209] : memref<2x64x4096xf32, #tpu.memory_space<vmem>>, vector<1x64x4096xf32>
    %get3A_1211 = vector.shape_cast %get3A_1210 : vector<1x64x4096xf32> to vector<64x4096xf32>
    %dot_general3A_1212 = arith.constant dense<0.000000e+00> : vector<1x64xf32>
    %dot_general3A_1213 = tpu.matmul %get3A_1206, %get3A_1211, %dot_general3A_1212 {dimension_numbers = #tpu.dot_dimension_numbers<[1], [1], [0], [0], [0, 0, 1, 0], [], []>, transpose_lhs_hint = false} : vector<1x4096xf32>, vector<64x4096xf32>, vector<1x64xf32> -> vector<1x64xf32>
    %swap3A_1214 = arith.constant 0 : index
    %swap3A_1215 = arith.constant 3904 : index
    %swap3A_1216 = vector.load %arg13[%swap3A_1214, %swap3A_1215] : memref<1x4096xf32, #tpu.memory_space<vmem>>, vector<1x64xf32>
    tpu.vector_store %arg13[%swap3A_1214, %swap3A_1215], %dot_general3A_1213 {strides = array<i32>} : memref<1x4096xf32, #tpu.memory_space<vmem>>, vector<1x64xf32>,
    %dma_start3A_1217 = arith.constant 1 : i32
    %dma_start3A_1218 = arith.constant 1 : i32
    %dma_start3A_1219 = tpu.memref_slice %arg16[%dma_start3A_1218] : memref<2x!tpu.dma_semaphore, #tpu.memory_space<semaphore_mem>> -> memref<1x!tpu.dma_semaphore, #tpu.memory_space<semaphore_mem>>
    %dma_start3A_1220 = tpu.memref_squeeze %dma_start3A_1219 : memref<1x!tpu.dma_semaphore, #tpu.memory_space<semaphore_mem>> -> memref<!tpu.dma_semaphore, #tpu.memory_space<semaphore_mem>>
    %dma_start3A_1221 = arith.constant 0 : i32
    %dma_start3A_1222 = arith.constant 0 : i32
    %dma_start3A_1223 = tpu.memref_slice %arg11[%dma_start3A_1217, %dma_start3A_1221, %dma_start3A_1222] : memref<2x64x4096xf32, #tpu.memory_space<vmem>> -> memref<1x64x4096xf32, #tpu.memory_space<vmem>>
    %dma_start3A_1224 = tpu.memref_squeeze %dma_start3A_1223 : memref<1x64x4096xf32, #tpu.memory_space<vmem>> -> memref<64x4096xf32, #tpu.memory_space<vmem>>
    %dma_start3A_1225 = arith.constant 4032 : i32
    %dma_start3A_1226 = arith.constant 0 : i32
    %dma_start3A_1227 = tpu.memref_slice %arg2[%dma_start3A_1225, %dma_start3A_1226] : memref<4096x4096xf32, #tpu.memory_space<any>> -> memref<64x4096xf32, #tpu.memory_space<any>>
    tpu.enqueue_dma source(%dma_start3A_1227 : memref<64x4096xf32, #tpu.memory_space<any>>) target(%dma_start3A_1224 : memref<64x4096xf32, #tpu.memory_space<vmem>>) target_semaphore(%dma_start3A_1220 : memref<!tpu.dma_semaphore, #tpu.memory_space<semaphore_mem>>)
    %dma_wait3A_1228 = arith.constant 0 : i32
    %dma_wait3A_1229 = arith.constant 0 : i32
    %dma_wait3A_1230 = tpu.memref_slice %arg16[%dma_wait3A_1229] : memref<2x!tpu.dma_semaphore, #tpu.memory_space<semaphore_mem>> -> memref<1x!tpu.dma_semaphore, #tpu.memory_space<semaphore_mem>>
    %dma_wait3A_1231 = tpu.memref_squeeze %dma_wait3A_1230 : memref<1x!tpu.dma_semaphore, #tpu.memory_space<semaphore_mem>> -> memref<!tpu.dma_semaphore, #tpu.memory_space<semaphore_mem>>
    %dma_wait3A_1232 = arith.constant 0 : i32
    %dma_wait3A_1233 = arith.constant 0 : i32
    %dma_wait3A_1234 = tpu.memref_slice %arg11[%dma_wait3A_1228, %dma_wait3A_1232, %dma_wait3A_1233] : memref<2x64x4096xf32, #tpu.memory_space<vmem>> -> memref<1x64x4096xf32, #tpu.memory_space<vmem>>
    %dma_wait3A_1235 = tpu.memref_squeeze %dma_wait3A_1234 : memref<1x64x4096xf32, #tpu.memory_space<vmem>> -> memref<64x4096xf32, #tpu.memory_space<vmem>>
    %dma_wait3A_1236 = arith.constant 3968 : i32
    %dma_wait3A_1237 = arith.constant 0 : i32
    %dma_wait3A_1238 = tpu.memref_slice %arg2[%dma_wait3A_1236, %dma_wait3A_1237] : memref<4096x4096xf32, #tpu.memory_space<any>> -> memref<64x4096xf32, #tpu.memory_space<any>>
    tpu.wait_dma2 semaphore(%dma_wait3A_1231 : memref<!tpu.dma_semaphore, #tpu.memory_space<semaphore_mem>>) src(%dma_wait3A_1238 : memref<64x4096xf32, #tpu.memory_space<any>>) dst(%dma_wait3A_1235 : memref<64x4096xf32, #tpu.memory_space<vmem>>)
    %get3A_1239 = arith.constant 0 : index
    %get3A_1240 = arith.constant 0 : index
    %get3A_1241 = vector.load %arg14[%get3A_1239, %get3A_1240] : memref<1x4096xf32, #tpu.memory_space<vmem>>, vector<1x4096xf32>
    %get3A_1242 = arith.constant 0 : index
    %get3A_1243 = arith.constant 0 : index
    %get3A_1244 = arith.constant 0 : index
    %get3A_1245 = vector.load %arg11[%get3A_1242, %get3A_1243, %get3A_1244] : memref<2x64x4096xf32, #tpu.memory_space<vmem>>, vector<1x64x4096xf32>
    %get3A_1246 = vector.shape_cast %get3A_1245 : vector<1x64x4096xf32> to vector<64x4096xf32>
    %dot_general3A_1247 = arith.constant dense<0.000000e+00> : vector<1x64xf32>
    %dot_general3A_1248 = tpu.matmul %get3A_1241, %get3A_1246, %dot_general3A_1247 {dimension_numbers = #tpu.dot_dimension_numbers<[1], [1], [0], [0], [0, 0, 1, 0], [], []>, transpose_lhs_hint = false} : vector<1x4096xf32>, vector<64x4096xf32>, vector<1x64xf32> -> vector<1x64xf32>
    %swap3A_1249 = arith.constant 0 : index
    %swap3A_1250 = arith.constant 3968 : index
    %swap3A_1251 = vector.load %arg13[%swap3A_1249, %swap3A_1250] : memref<1x4096xf32, #tpu.memory_space<vmem>>, vector<1x64xf32>
    tpu.vector_store %arg13[%swap3A_1249, %swap3A_1250], %dot_general3A_1248 {strides = array<i32>} : memref<1x4096xf32, #tpu.memory_space<vmem>>, vector<1x64xf32>,
    %dma_start3A_1252 = arith.constant 0 : i32
    %dma_start3A_1253 = arith.constant 0 : i32
    %dma_start3A_1254 = tpu.memref_slice %arg16[%dma_start3A_1253] : memref<2x!tpu.dma_semaphore, #tpu.memory_space<semaphore_mem>> -> memref<1x!tpu.dma_semaphore, #tpu.memory_space<semaphore_mem>>
    %dma_start3A_1255 = tpu.memref_squeeze %dma_start3A_1254 : memref<1x!tpu.dma_semaphore, #tpu.memory_space<semaphore_mem>> -> memref<!tpu.dma_semaphore, #tpu.memory_space<semaphore_mem>>
    %dma_start3A_1256 = arith.constant 0 : i32
    %dma_start3A_1257 = arith.constant 0 : i32
    %dma_start3A_1258 = tpu.memref_slice %arg11[%dma_start3A_1252, %dma_start3A_1256, %dma_start3A_1257] : memref<2x64x4096xf32, #tpu.memory_space<vmem>> -> memref<1x64x4096xf32, #tpu.memory_space<vmem>>
    %dma_start3A_1259 = tpu.memref_squeeze %dma_start3A_1258 : memref<1x64x4096xf32, #tpu.memory_space<vmem>> -> memref<64x4096xf32, #tpu.memory_space<vmem>>
    %dma_start3A_1260 = arith.constant 3584 : i32
    %dma_start3A_1261 = arith.constant 0 : i32
    %dma_start3A_1262 = tpu.memref_slice %arg2[%dma_start3A_1260, %dma_start3A_1261] : memref<4096x4096xf32, #tpu.memory_space<any>> -> memref<64x4096xf32, #tpu.memory_space<any>>
    tpu.enqueue_dma source(%dma_start3A_1262 : memref<64x4096xf32, #tpu.memory_space<any>>) target(%dma_start3A_1259 : memref<64x4096xf32, #tpu.memory_space<vmem>>) target_semaphore(%dma_start3A_1255 : memref<!tpu.dma_semaphore, #tpu.memory_space<semaphore_mem>>)
    %dma_wait3A_1263 = arith.constant 1 : i32
    %dma_wait3A_1264 = arith.constant 1 : i32
    %dma_wait3A_1265 = tpu.memref_slice %arg16[%dma_wait3A_1264] : memref<2x!tpu.dma_semaphore, #tpu.memory_space<semaphore_mem>> -> memref<1x!tpu.dma_semaphore, #tpu.memory_space<semaphore_mem>>
    %dma_wait3A_1266 = tpu.memref_squeeze %dma_wait3A_1265 : memref<1x!tpu.dma_semaphore, #tpu.memory_space<semaphore_mem>> -> memref<!tpu.dma_semaphore, #tpu.memory_space<semaphore_mem>>
    %dma_wait3A_1267 = arith.constant 0 : i32
    %dma_wait3A_1268 = arith.constant 0 : i32
    %dma_wait3A_1269 = tpu.memref_slice %arg11[%dma_wait3A_1263, %dma_wait3A_1267, %dma_wait3A_1268] : memref<2x64x4096xf32, #tpu.memory_space<vmem>> -> memref<1x64x4096xf32, #tpu.memory_space<vmem>>
    %dma_wait3A_1270 = tpu.memref_squeeze %dma_wait3A_1269 : memref<1x64x4096xf32, #tpu.memory_space<vmem>> -> memref<64x4096xf32, #tpu.memory_space<vmem>>
    %dma_wait3A_1271 = arith.constant 4032 : i32
    %dma_wait3A_1272 = arith.constant 0 : i32
    %dma_wait3A_1273 = tpu.memref_slice %arg2[%dma_wait3A_1271, %dma_wait3A_1272] : memref<4096x4096xf32, #tpu.memory_space<any>> -> memref<64x4096xf32, #tpu.memory_space<any>>
    tpu.wait_dma2 semaphore(%dma_wait3A_1266 : memref<!tpu.dma_semaphore, #tpu.memory_space<semaphore_mem>>) src(%dma_wait3A_1273 : memref<64x4096xf32, #tpu.memory_space<any>>) dst(%dma_wait3A_1270 : memref<64x4096xf32, #tpu.memory_space<vmem>>)
    %get3A_1274 = arith.constant 0 : index
    %get3A_1275 = arith.constant 0 : index
    %get3A_1276 = vector.load %arg14[%get3A_1274, %get3A_1275] : memref<1x4096xf32, #tpu.memory_space<vmem>>, vector<1x4096xf32>
    %get3A_1277 = arith.constant 1 : index
    %get3A_1278 = arith.constant 0 : index
    %get3A_1279 = arith.constant 0 : index
    %get3A_1280 = vector.load %arg11[%get3A_1277, %get3A_1278, %get3A_1279] : memref<2x64x4096xf32, #tpu.memory_space<vmem>>, vector<1x64x4096xf32>
    %get3A_1281 = vector.shape_cast %get3A_1280 : vector<1x64x4096xf32> to vector<64x4096xf32>
    %dot_general3A_1282 = arith.constant dense<0.000000e+00> : vector<1x64xf32>
    %dot_general3A_1283 = tpu.matmul %get3A_1276, %get3A_1281, %dot_general3A_1282 {dimension_numbers = #tpu.dot_dimension_numbers<[1], [1], [0], [0], [0, 0, 1, 0], [], []>, transpose_lhs_hint = false} : vector<1x4096xf32>, vector<64x4096xf32>, vector<1x64xf32> -> vector<1x64xf32>
    %swap3A_1284 = arith.constant 0 : index
    %swap3A_1285 = arith.constant 4032 : index
    %swap3A_1286 = vector.load %arg13[%swap3A_1284, %swap3A_1285] : memref<1x4096xf32, #tpu.memory_space<vmem>>, vector<1x64xf32>
    tpu.vector_store %arg13[%swap3A_1284, %swap3A_1285], %dot_general3A_1283 {strides = array<i32>} : memref<1x4096xf32, #tpu.memory_space<vmem>>, vector<1x64xf32>,
    %dma_start3A_1287 = arith.constant 1 : i32
    %dma_start3A_1288 = arith.constant 1 : i32
    %dma_start3A_1289 = tpu.memref_slice %arg16[%dma_start3A_1288] : memref<2x!tpu.dma_semaphore, #tpu.memory_space<semaphore_mem>> -> memref<1x!tpu.dma_semaphore, #tpu.memory_space<semaphore_mem>>
    %dma_start3A_1290 = tpu.memref_squeeze %dma_start3A_1289 : memref<1x!tpu.dma_semaphore, #tpu.memory_space<semaphore_mem>> -> memref<!tpu.dma_semaphore, #tpu.memory_space<semaphore_mem>>
    %dma_start3A_1291 = arith.constant 0 : i32
    %dma_start3A_1292 = arith.constant 0 : i32
    %dma_start3A_1293 = tpu.memref_slice %arg11[%dma_start3A_1287, %dma_start3A_1291, %dma_start3A_1292] : memref<2x64x4096xf32, #tpu.memory_space<vmem>> -> memref<1x64x4096xf32, #tpu.memory_space<vmem>>
    %dma_start3A_1294 = tpu.memref_squeeze %dma_start3A_1293 : memref<1x64x4096xf32, #tpu.memory_space<vmem>> -> memref<64x4096xf32, #tpu.memory_space<vmem>>
    %dma_start3A_1295 = arith.constant 3648 : i32
    %dma_start3A_1296 = arith.constant 0 : i32
    %dma_start3A_1297 = tpu.memref_slice %arg2[%dma_start3A_1295, %dma_start3A_1296] : memref<4096x4096xf32, #tpu.memory_space<any>> -> memref<64x4096xf32, #tpu.memory_space<any>>
    tpu.enqueue_dma source(%dma_start3A_1297 : memref<64x4096xf32, #tpu.memory_space<any>>) target(%dma_start3A_1294 : memref<64x4096xf32, #tpu.memory_space<vmem>>) target_semaphore(%dma_start3A_1290 : memref<!tpu.dma_semaphore, #tpu.memory_space<semaphore_mem>>)
    %get3A_1298 = arith.constant 0 : index
    %get3A_1299 = arith.constant 1 : index
    %get3A_1300 = memref.load %arg4[%get3A_1298, %get3A_1299] : memref<1x11xf32, #tpu.memory_space<smem>>
    %get3A_1301 = arith.constant 0 : index
    %get3A_1302 = arith.constant 2 : index
    %get3A_1303 = memref.load %arg4[%get3A_1301, %get3A_1302] : memref<1x11xf32, #tpu.memory_space<smem>>
    %get3A_1304 = arith.constant 0 : index
    %get3A_1305 = arith.constant 3 : index
    %get3A_1306 = memref.load %arg4[%get3A_1304, %get3A_1305] : memref<1x11xf32, #tpu.memory_space<smem>>
    %get3A_1307 = arith.constant 0 : index
    %get3A_1308 = arith.constant 4 : index
    %get3A_1309 = memref.load %arg4[%get3A_1307, %get3A_1308] : memref<1x11xf32, #tpu.memory_space<smem>>
    %get3A_1310 = arith.constant 0 : index
    %get3A_1311 = arith.constant 5 : index
    %get3A_1312 = memref.load %arg4[%get3A_1310, %get3A_1311] : memref<1x11xf32, #tpu.memory_space<smem>>
    %get3A_1313 = arith.constant 0 : index
    %get3A_1314 = arith.constant 6 : index
    %get3A_1315 = memref.load %arg4[%get3A_1313, %get3A_1314] : memref<1x11xf32, #tpu.memory_space<smem>>
    %get3A_1316 = arith.constant 0 : index
    %get3A_1317 = arith.constant 7 : index
    %get3A_1318 = memref.load %arg4[%get3A_1316, %get3A_1317] : memref<1x11xf32, #tpu.memory_space<smem>>
    %get3A_1319 = arith.constant 0 : index
    %get3A_1320 = arith.constant 8 : index
    %get3A_1321 = memref.load %arg4[%get3A_1319, %get3A_1320] : memref<1x11xf32, #tpu.memory_space<smem>>
    %get3A_1322 = arith.constant 0 : index
    %get3A_1323 = arith.constant 9 : index
    %get3A_1324 = memref.load %arg4[%get3A_1322, %get3A_1323] : memref<1x11xf32, #tpu.memory_space<smem>>
    %get3A_1325 = arith.constant 0 : index
    %get3A_1326 = arith.constant 10 : index
    %get3A_1327 = memref.load %arg4[%get3A_1325, %get3A_1326] : memref<1x11xf32, #tpu.memory_space<smem>>
    %get3A_1328 = arith.constant 0 : index
    %get3A_1329 = arith.constant 0 : index
    %get3A_1330 = vector.load %arg12[%get3A_1328, %get3A_1329] : memref<1x4096xf32, #tpu.memory_space<vmem>>, vector<1x4096xf32>
    %get3A_1331 = arith.constant 0 : index
    %get3A_1332 = arith.constant 0 : index
    %get3A_1333 = vector.load %arg13[%get3A_1331, %get3A_1332] : memref<1x4096xf32, #tpu.memory_space<vmem>>, vector<1x4096xf32>
    %add3A_1334 = vector.broadcast %get3A_1300 : f32 to vector<1x4096xf32>
    %add3A_1335 = arith.addf %get3A_1333, %add3A_1334 : vector<1x4096xf32>
    %mul3A_1336 = vector.broadcast %get3A_1303 : f32 to vector<1x4096xf32>
    %mul3A_1337 = arith.mulf %add3A_1335, %mul3A_1336 : vector<1x4096xf32>
    %mul3A_1338 = vector.broadcast %get3A_1306 : f32 to vector<1x4096xf32>
    %mul3A_1339 = arith.mulf %get3A_1330, %mul3A_1338 : vector<1x4096xf32>
    %add3A_1340 = arith.addf %mul3A_1337, %mul3A_1339 : vector<1x4096xf32>
    %add3A_1341 = vector.broadcast %get3A_1309 : f32 to vector<1x4096xf32>
    %add3A_1342 = arith.addf %add3A_1340, %add3A_1341 : vector<1x4096xf32>
    %logistic3A_1343 = arith.negf %add3A_1342 : vector<1x4096xf32>
    %logistic3A_1344 = math.exp %logistic3A_1343 : vector<1x4096xf32>
    %logistic3A_1345 = arith.constant 1.000000e+00 : f32
    %logistic3A_1346 = vector.broadcast %logistic3A_1345 : f32 to vector<1x4096xf32>
    %logistic3A_1347 = arith.addf %logistic3A_1346, %logistic3A_1344 : vector<1x4096xf32>
    %logistic3A_1348 = arith.divf %logistic3A_1346, %logistic3A_1347 : vector<1x4096xf32>
    %mul3A_1349 = vector.broadcast %get3A_1312 : f32 to vector<1x4096xf32>
    %mul3A_1350 = arith.mulf %add3A_1335, %mul3A_1349 : vector<1x4096xf32>
    %mul3A_1351 = vector.broadcast %get3A_1315 : f32 to vector<1x4096xf32>
    %mul3A_1352 = arith.mulf %get3A_1330, %mul3A_1351 : vector<1x4096xf32>
    %add3A_1353 = arith.addf %mul3A_1350, %mul3A_1352 : vector<1x4096xf32>
    %add3A_1354 = vector.broadcast %get3A_1318 : f32 to vector<1x4096xf32>
    %add3A_1355 = arith.addf %add3A_1353, %add3A_1354 : vector<1x4096xf32>
    %logistic3A_1356 = arith.negf %add3A_1355 : vector<1x4096xf32>
    %logistic3A_1357 = math.exp %logistic3A_1356 : vector<1x4096xf32>
    %logistic3A_1358 = arith.constant 1.000000e+00 : f32
    %logistic3A_1359 = vector.broadcast %logistic3A_1358 : f32 to vector<1x4096xf32>
    %logistic3A_1360 = arith.addf %logistic3A_1359, %logistic3A_1357 : vector<1x4096xf32>
    %logistic3A_1361 = arith.divf %logistic3A_1359, %logistic3A_1360 : vector<1x4096xf32>
    %mul3A_1362 = vector.broadcast %get3A_1321 : f32 to vector<1x4096xf32>
    %mul3A_1363 = arith.mulf %add3A_1335, %mul3A_1362 : vector<1x4096xf32>
    %mul3A_1364 = arith.mulf %logistic3A_1361, %get3A_1330 : vector<1x4096xf32>
    %mul3A_1365 = vector.broadcast %get3A_1324 : f32 to vector<1x4096xf32>
    %mul3A_1366 = arith.mulf %mul3A_1364, %mul3A_1365 : vector<1x4096xf32>
    %add3A_1367 = arith.addf %mul3A_1363, %mul3A_1366 : vector<1x4096xf32>
    %add3A_1368 = vector.broadcast %get3A_1327 : f32 to vector<1x4096xf32>
    %add3A_1369 = arith.addf %add3A_1367, %add3A_1368 : vector<1x4096xf32>
    %tanh3A_1370 = math.tanh %add3A_1369 : vector<1x4096xf32>
    %sub3A_1371 = arith.constant 1.000000e+00 : f32
    %sub3A_1372 = vector.broadcast %sub3A_1371 : f32 to vector<1x4096xf32>
    %sub3A_1373 = arith.subf %sub3A_1372, %logistic3A_1348 : vector<1x4096xf32>
    %mul3A_1374 = arith.mulf %sub3A_1373, %get3A_1330 : vector<1x4096xf32>
    %mul3A_1375 = arith.mulf %logistic3A_1348, %tanh3A_1370 : vector<1x4096xf32>
    %add3A_1376 = arith.addf %mul3A_1374, %mul3A_1375 : vector<1x4096xf32>
    %swap3A_1377 = arith.constant 0 : index
    %swap3A_1378 = arith.constant 0 : index
    %swap3A_1379 = vector.load %arg12[%swap3A_1377, %swap3A_1378] : memref<1x4096xf32, #tpu.memory_space<vmem>>, vector<1x4096xf32>
    tpu.vector_store %arg12[%swap3A_1377, %swap3A_1378], %add3A_1376 {strides = array<i32>} : memref<1x4096xf32, #tpu.memory_space<vmem>>, vector<1x4096xf32>,
    %get3A_1380 = arith.constant 0 : index
    %get3A_1381 = arith.constant 0 : index
    %get3A_1382 = memref.load %arg4[%get3A_1380, %get3A_1381] : memref<1x11xf32, #tpu.memory_space<smem>>
    %mul3A_1383 = vector.broadcast %get3A_1382 : f32 to vector<1x4096xf32>
    %mul3A_1384 = arith.mulf %add3A_1376, %mul3A_1383 : vector<1x4096xf32>
    %swap3A_1385 = arith.constant 0 : index
    %swap3A_1386 = arith.constant 0 : index
    %swap3A_1387 = vector.load %arg14[%swap3A_1385, %swap3A_1386] : memref<1x4096xf32, #tpu.memory_space<vmem>>, vector<1x4096xf32>
    tpu.vector_store %arg14[%swap3A_1385, %swap3A_1386], %mul3A_1384 {strides = array<i32>} : memref<1x4096xf32, #tpu.memory_space<vmem>>, vector<1x4096xf32>,
    %get3A_1388 = arith.constant 0 : index
    %get3A_1389 = arith.constant 0 : index
    %get3A_1390 = vector.load %arg14[%get3A_1388, %get3A_1389] : memref<1x4096xf32, #tpu.memory_space<vmem>>, vector<1x4096xf32>
    %get3A_1391 = arith.constant 0 : index
    %get3A_1392 = arith.constant 0 : index
    %get3A_1393 = vector.load %arg7[%get3A_1391, %get3A_1392] : memref<896x4096xf32, #tpu.memory_space<vmem>>, vector<896x4096xf32>
    %dot_general3A_1394 = arith.constant dense<0.000000e+00> : vector<1x896xf32>
    %dot_general3A_1395 = tpu.matmul %get3A_1390, %get3A_1393, %dot_general3A_1394 {dimension_numbers = #tpu.dot_dimension_numbers<[1], [1], [0], [0], [0, 0, 1, 0], [], []>, transpose_lhs_hint = false} : vector<1x4096xf32>, vector<896x4096xf32>, vector<1x896xf32> -> vector<1x896xf32>
    %swap3A_1396 = arith.constant 0 : index
    %swap3A_1397 = arith.constant 0 : index
    %swap3A_1398 = vector.load %arg13[%swap3A_1396, %swap3A_1397] : memref<1x4096xf32, #tpu.memory_space<vmem>>, vector<1x896xf32>
    tpu.vector_store %arg13[%swap3A_1396, %swap3A_1397], %dot_general3A_1395 {strides = array<i32>} : memref<1x4096xf32, #tpu.memory_space<vmem>>, vector<1x896xf32>,
    %get3A_1399 = arith.constant 0 : index
    %get3A_1400 = arith.constant 0 : index
    %get3A_1401 = vector.load %arg14[%get3A_1399, %get3A_1400] : memref<1x4096xf32, #tpu.memory_space<vmem>>, vector<1x4096xf32>
    %get3A_1402 = arith.constant 0 : index
    %get3A_1403 = arith.constant 0 : index
    %get3A_1404 = vector.load %arg8[%get3A_1402, %get3A_1403] : memref<896x4096xf32, #tpu.memory_space<vmem>>, vector<896x4096xf32>
    %dot_general3A_1405 = arith.constant dense<0.000000e+00> : vector<1x896xf32>
    %dot_general3A_1406 = tpu.matmul %get3A_1401, %get3A_1404, %dot_general3A_1405 {dimension_numbers = #tpu.dot_dimension_numbers<[1], [1], [0], [0], [0, 0, 1, 0], [], []>, transpose_lhs_hint = false} : vector<1x4096xf32>, vector<896x4096xf32>, vector<1x896xf32> -> vector<1x896xf32>
    %swap3A_1407 = arith.constant 0 : index
    %swap3A_1408 = arith.constant 896 : index
    %swap3A_1409 = vector.load %arg13[%swap3A_1407, %swap3A_1408] : memref<1x4096xf32, #tpu.memory_space<vmem>>, vector<1x896xf32>
    tpu.vector_store %arg13[%swap3A_1407, %swap3A_1408], %dot_general3A_1406 {strides = array<i32>} : memref<1x4096xf32, #tpu.memory_space<vmem>>, vector<1x896xf32>,
    %get3A_1410 = arith.constant 0 : index
    %get3A_1411 = arith.constant 0 : index
    %get3A_1412 = vector.load %arg14[%get3A_1410, %get3A_1411] : memref<1x4096xf32, #tpu.memory_space<vmem>>, vector<1x4096xf32>
    %get3A_1413 = arith.constant 0 : index
    %get3A_1414 = arith.constant 0 : index
    %get3A_1415 = vector.load %arg9[%get3A_1413, %get3A_1414] : memref<896x4096xf32, #tpu.memory_space<vmem>>, vector<896x4096xf32>
    %dot_general3A_1416 = arith.constant dense<0.000000e+00> : vector<1x896xf32>
    %dot_general3A_1417 = tpu.matmul %get3A_1412, %get3A_1415, %dot_general3A_1416 {dimension_numbers = #tpu.dot_dimension_numbers<[1], [1], [0], [0], [0, 0, 1, 0], [], []>, transpose_lhs_hint = false} : vector<1x4096xf32>, vector<896x4096xf32>, vector<1x896xf32> -> vector<1x896xf32>
    %swap3A_1418 = arith.constant 0 : index
    %swap3A_1419 = arith.constant 1792 : index
    %swap3A_1420 = vector.load %arg13[%swap3A_1418, %swap3A_1419] : memref<1x4096xf32, #tpu.memory_space<vmem>>, vector<1x896xf32>
    tpu.vector_store %arg13[%swap3A_1418, %swap3A_1419], %dot_general3A_1417 {strides = array<i32>} : memref<1x4096xf32, #tpu.memory_space<vmem>>, vector<1x896xf32>,
    %get3A_1421 = arith.constant 0 : index
    %get3A_1422 = arith.constant 0 : index
    %get3A_1423 = vector.load %arg14[%get3A_1421, %get3A_1422] : memref<1x4096xf32, #tpu.memory_space<vmem>>, vector<1x4096xf32>
    %get3A_1424 = arith.constant 0 : index
    %get3A_1425 = arith.constant 0 : index
    %get3A_1426 = vector.load %arg10[%get3A_1424, %get3A_1425] : memref<896x4096xf32, #tpu.memory_space<vmem>>, vector<896x4096xf32>
    %dot_general3A_1427 = arith.constant dense<0.000000e+00> : vector<1x896xf32>
    %dot_general3A_1428 = tpu.matmul %get3A_1423, %get3A_1426, %dot_general3A_1427 {dimension_numbers = #tpu.dot_dimension_numbers<[1], [1], [0], [0], [0, 0, 1, 0], [], []>, transpose_lhs_hint = false} : vector<1x4096xf32>, vector<896x4096xf32>, vector<1x896xf32> -> vector<1x896xf32>
    %swap3A_1429 = arith.constant 0 : index
    %swap3A_1430 = arith.constant 2688 : index
    %swap3A_1431 = vector.load %arg13[%swap3A_1429, %swap3A_1430] : memref<1x4096xf32, #tpu.memory_space<vmem>>, vector<1x896xf32>
    tpu.vector_store %arg13[%swap3A_1429, %swap3A_1430], %dot_general3A_1428 {strides = array<i32>} : memref<1x4096xf32, #tpu.memory_space<vmem>>, vector<1x896xf32>,
    %dma_wait3A_1432 = arith.constant 0 : i32
    %dma_wait3A_1433 = arith.constant 0 : i32
    %dma_wait3A_1434 = tpu.memref_slice %arg16[%dma_wait3A_1433] : memref<2x!tpu.dma_semaphore, #tpu.memory_space<semaphore_mem>> -> memref<1x!tpu.dma_semaphore, #tpu.memory_space<semaphore_mem>>
    %dma_wait3A_1435 = tpu.memref_squeeze %dma_wait3A_1434 : memref<1x!tpu.dma_semaphore, #tpu.memory_space<semaphore_mem>> -> memref<!tpu.dma_semaphore, #tpu.memory_space<semaphore_mem>>
    %dma_wait3A_1436 = arith.constant 0 : i32
    %dma_wait3A_1437 = arith.constant 0 : i32
    %dma_wait3A_1438 = tpu.memref_slice %arg11[%dma_wait3A_1432, %dma_wait3A_1436, %dma_wait3A_1437] : memref<2x64x4096xf32, #tpu.memory_space<vmem>> -> memref<1x64x4096xf32, #tpu.memory_space<vmem>>
    %dma_wait3A_1439 = tpu.memref_squeeze %dma_wait3A_1438 : memref<1x64x4096xf32, #tpu.memory_space<vmem>> -> memref<64x4096xf32, #tpu.memory_space<vmem>>
    %dma_wait3A_1440 = arith.constant 3584 : i32
    %dma_wait3A_1441 = arith.constant 0 : i32
    %dma_wait3A_1442 = tpu.memref_slice %arg2[%dma_wait3A_1440, %dma_wait3A_1441] : memref<4096x4096xf32, #tpu.memory_space<any>> -> memref<64x4096xf32, #tpu.memory_space<any>>
    tpu.wait_dma2 semaphore(%dma_wait3A_1435 : memref<!tpu.dma_semaphore, #tpu.memory_space<semaphore_mem>>) src(%dma_wait3A_1442 : memref<64x4096xf32, #tpu.memory_space<any>>) dst(%dma_wait3A_1439 : memref<64x4096xf32, #tpu.memory_space<vmem>>)
    %get3A_1443 = arith.constant 0 : index
    %get3A_1444 = arith.constant 0 : index
    %get3A_1445 = vector.load %arg14[%get3A_1443, %get3A_1444] : memref<1x4096xf32, #tpu.memory_space<vmem>>, vector<1x4096xf32>
    %get3A_1446 = arith.constant 0 : index
    %get3A_1447 = arith.constant 0 : index
    %get3A_1448 = arith.constant 0 : index
    %get3A_1449 = vector.load %arg11[%get3A_1446, %get3A_1447, %get3A_1448] : memref<2x64x4096xf32, #tpu.memory_space<vmem>>, vector<1x64x4096xf32>
    %get3A_1450 = vector.shape_cast %get3A_1449 : vector<1x64x4096xf32> to vector<64x4096xf32>
    %dot_general3A_1451 = arith.constant dense<0.000000e+00> : vector<1x64xf32>
    %dot_general3A_1452 = tpu.matmul %get3A_1445, %get3A_1450, %dot_general3A_1451 {dimension_numbers = #tpu.dot_dimension_numbers<[1], [1], [0], [0], [0, 0, 1, 0], [], []>, transpose_lhs_hint = false} : vector<1x4096xf32>, vector<64x4096xf32>, vector<1x64xf32> -> vector<1x64xf32>
    %swap3A_1453 = arith.constant 0 : index
    %swap3A_1454 = arith.constant 3584 : index
    %swap3A_1455 = vector.load %arg13[%swap3A_1453, %swap3A_1454] : memref<1x4096xf32, #tpu.memory_space<vmem>>, vector<1x64xf32>
    tpu.vector_store %arg13[%swap3A_1453, %swap3A_1454], %dot_general3A_1452 {strides = array<i32>} : memref<1x4096xf32, #tpu.memory_space<vmem>>, vector<1x64xf32>,
    %dma_start3A_1456 = arith.constant 0 : i32
    %dma_start3A_1457 = arith.constant 0 : i32
    %dma_start3A_1458 = tpu.memref_slice %arg16[%dma_start3A_1457] : memref<2x!tpu.dma_semaphore, #tpu.memory_space<semaphore_mem>> -> memref<1x!tpu.dma_semaphore, #tpu.memory_space<semaphore_mem>>
    %dma_start3A_1459 = tpu.memref_squeeze %dma_start3A_1458 : memref<1x!tpu.dma_semaphore, #tpu.memory_space<semaphore_mem>> -> memref<!tpu.dma_semaphore, #tpu.memory_space<semaphore_mem>>
    %dma_start3A_1460 = arith.constant 0 : i32
    %dma_start3A_1461 = arith.constant 0 : i32
    %dma_start3A_1462 = tpu.memref_slice %arg11[%dma_start3A_1456, %dma_start3A_1460, %dma_start3A_1461] : memref<2x64x4096xf32, #tpu.memory_space<vmem>> -> memref<1x64x4096xf32, #tpu.memory_space<vmem>>
    %dma_start3A_1463 = tpu.memref_squeeze %dma_start3A_1462 : memref<1x64x4096xf32, #tpu.memory_space<vmem>> -> memref<64x4096xf32, #tpu.memory_space<vmem>>
    %dma_start3A_1464 = arith.constant 3712 : i32
    %dma_start3A_1465 = arith.constant 0 : i32
    %dma_start3A_1466 = tpu.memref_slice %arg2[%dma_start3A_1464, %dma_start3A_1465] : memref<4096x4096xf32, #tpu.memory_space<any>> -> memref<64x4096xf32, #tpu.memory_space<any>>
    tpu.enqueue_dma source(%dma_start3A_1466 : memref<64x4096xf32, #tpu.memory_space<any>>) target(%dma_start3A_1463 : memref<64x4096xf32, #tpu.memory_space<vmem>>) target_semaphore(%dma_start3A_1459 : memref<!tpu.dma_semaphore, #tpu.memory_space<semaphore_mem>>)
    %dma_wait3A_1467 = arith.constant 1 : i32
    %dma_wait3A_1468 = arith.constant 1 : i32
    %dma_wait3A_1469 = tpu.memref_slice %arg16[%dma_wait3A_1468] : memref<2x!tpu.dma_semaphore, #tpu.memory_space<semaphore_mem>> -> memref<1x!tpu.dma_semaphore, #tpu.memory_space<semaphore_mem>>
    %dma_wait3A_1470 = tpu.memref_squeeze %dma_wait3A_1469 : memref<1x!tpu.dma_semaphore, #tpu.memory_space<semaphore_mem>> -> memref<!tpu.dma_semaphore, #tpu.memory_space<semaphore_mem>>
    %dma_wait3A_1471 = arith.constant 0 : i32
    %dma_wait3A_1472 = arith.constant 0 : i32
    %dma_wait3A_1473 = tpu.memref_slice %arg11[%dma_wait3A_1467, %dma_wait3A_1471, %dma_wait3A_1472] : memref<2x64x4096xf32, #tpu.memory_space<vmem>> -> memref<1x64x4096xf32, #tpu.memory_space<vmem>>
    %dma_wait3A_1474 = tpu.memref_squeeze %dma_wait3A_1473 : memref<1x64x4096xf32, #tpu.memory_space<vmem>> -> memref<64x4096xf32, #tpu.memory_space<vmem>>
    %dma_wait3A_1475 = arith.constant 3648 : i32
    %dma_wait3A_1476 = arith.constant 0 : i32
    %dma_wait3A_1477 = tpu.memref_slice %arg2[%dma_wait3A_1475, %dma_wait3A_1476] : memref<4096x4096xf32, #tpu.memory_space<any>> -> memref<64x4096xf32, #tpu.memory_space<any>>
    tpu.wait_dma2 semaphore(%dma_wait3A_1470 : memref<!tpu.dma_semaphore, #tpu.memory_space<semaphore_mem>>) src(%dma_wait3A_1477 : memref<64x4096xf32, #tpu.memory_space<any>>) dst(%dma_wait3A_1474 : memref<64x4096xf32, #tpu.memory_space<vmem>>)
    %get3A_1478 = arith.constant 0 : index
    %get3A_1479 = arith.constant 0 : index
    %get3A_1480 = vector.load %arg14[%get3A_1478, %get3A_1479] : memref<1x4096xf32, #tpu.memory_space<vmem>>, vector<1x4096xf32>
    %get3A_1481 = arith.constant 1 : index
    %get3A_1482 = arith.constant 0 : index
    %get3A_1483 = arith.constant 0 : index
    %get3A_1484 = vector.load %arg11[%get3A_1481, %get3A_1482, %get3A_1483] : memref<2x64x4096xf32, #tpu.memory_space<vmem>>, vector<1x64x4096xf32>
    %get3A_1485 = vector.shape_cast %get3A_1484 : vector<1x64x4096xf32> to vector<64x4096xf32>
    %dot_general3A_1486 = arith.constant dense<0.000000e+00> : vector<1x64xf32>
    %dot_general3A_1487 = tpu.matmul %get3A_1480, %get3A_1485, %dot_general3A_1486 {dimension_numbers = #tpu.dot_dimension_numbers<[1], [1], [0], [0], [0, 0, 1, 0], [], []>, transpose_lhs_hint = false} : vector<1x4096xf32>, vector<64x4096xf32>, vector<1x64xf32> -> vector<1x64xf32>
    %swap3A_1488 = arith.constant 0 : index
    %swap3A_1489 = arith.constant 3648 : index
    %swap3A_1490 = vector.load %arg13[%swap3A_1488, %swap3A_1489] : memref<1x4096xf32, #tpu.memory_space<vmem>>, vector<1x64xf32>
    tpu.vector_store %arg13[%swap3A_1488, %swap3A_1489], %dot_general3A_1487 {strides = array<i32>} : memref<1x4096xf32, #tpu.memory_space<vmem>>, vector<1x64xf32>,
    %dma_start3A_1491 = arith.constant 1 : i32
    %dma_start3A_1492 = arith.constant 1 : i32
    %dma_start3A_1493 = tpu.memref_slice %arg16[%dma_start3A_1492] : memref<2x!tpu.dma_semaphore, #tpu.memory_space<semaphore_mem>> -> memref<1x!tpu.dma_semaphore, #tpu.memory_space<semaphore_mem>>
    %dma_start3A_1494 = tpu.memref_squeeze %dma_start3A_1493 : memref<1x!tpu.dma_semaphore, #tpu.memory_space<semaphore_mem>> -> memref<!tpu.dma_semaphore, #tpu.memory_space<semaphore_mem>>
    %dma_start3A_1495 = arith.constant 0 : i32
    %dma_start3A_1496 = arith.constant 0 : i32
    %dma_start3A_1497 = tpu.memref_slice %arg11[%dma_start3A_1491, %dma_start3A_1495, %dma_start3A_1496] : memref<2x64x4096xf32, #tpu.memory_space<vmem>> -> memref<1x64x4096xf32, #tpu.memory_space<vmem>>
    %dma_start3A_1498 = tpu.memref_squeeze %dma_start3A_1497 : memref<1x64x4096xf32, #tpu.memory_space<vmem>> -> memref<64x4096xf32, #tpu.memory_space<vmem>>
    %dma_start3A_1499 = arith.constant 3776 : i32
    %dma_start3A_1500 = arith.constant 0 : i32
    %dma_start3A_1501 = tpu.memref_slice %arg2[%dma_start3A_1499, %dma_start3A_1500] : memref<4096x4096xf32, #tpu.memory_space<any>> -> memref<64x4096xf32, #tpu.memory_space<any>>
    tpu.enqueue_dma source(%dma_start3A_1501 : memref<64x4096xf32, #tpu.memory_space<any>>) target(%dma_start3A_1498 : memref<64x4096xf32, #tpu.memory_space<vmem>>) target_semaphore(%dma_start3A_1494 : memref<!tpu.dma_semaphore, #tpu.memory_space<semaphore_mem>>)
    %dma_wait3A_1502 = arith.constant 0 : i32
    %dma_wait3A_1503 = arith.constant 0 : i32
    %dma_wait3A_1504 = tpu.memref_slice %arg16[%dma_wait3A_1503] : memref<2x!tpu.dma_semaphore, #tpu.memory_space<semaphore_mem>> -> memref<1x!tpu.dma_semaphore, #tpu.memory_space<semaphore_mem>>
    %dma_wait3A_1505 = tpu.memref_squeeze %dma_wait3A_1504 : memref<1x!tpu.dma_semaphore, #tpu.memory_space<semaphore_mem>> -> memref<!tpu.dma_semaphore, #tpu.memory_space<semaphore_mem>>
    %dma_wait3A_1506 = arith.constant 0 : i32
    %dma_wait3A_1507 = arith.constant 0 : i32
    %dma_wait3A_1508 = tpu.memref_slice %arg11[%dma_wait3A_1502, %dma_wait3A_1506, %dma_wait3A_1507] : memref<2x64x4096xf32, #tpu.memory_space<vmem>> -> memref<1x64x4096xf32, #tpu.memory_space<vmem>>
    %dma_wait3A_1509 = tpu.memref_squeeze %dma_wait3A_1508 : memref<1x64x4096xf32, #tpu.memory_space<vmem>> -> memref<64x4096xf32, #tpu.memory_space<vmem>>
    %dma_wait3A_1510 = arith.constant 3712 : i32
    %dma_wait3A_1511 = arith.constant 0 : i32
    %dma_wait3A_1512 = tpu.memref_slice %arg2[%dma_wait3A_1510, %dma_wait3A_1511] : memref<4096x4096xf32, #tpu.memory_space<any>> -> memref<64x4096xf32, #tpu.memory_space<any>>
    tpu.wait_dma2 semaphore(%dma_wait3A_1505 : memref<!tpu.dma_semaphore, #tpu.memory_space<semaphore_mem>>) src(%dma_wait3A_1512 : memref<64x4096xf32, #tpu.memory_space<any>>) dst(%dma_wait3A_1509 : memref<64x4096xf32, #tpu.memory_space<vmem>>)
    %get3A_1513 = arith.constant 0 : index
    %get3A_1514 = arith.constant 0 : index
    %get3A_1515 = vector.load %arg14[%get3A_1513, %get3A_1514] : memref<1x4096xf32, #tpu.memory_space<vmem>>, vector<1x4096xf32>
    %get3A_1516 = arith.constant 0 : index
    %get3A_1517 = arith.constant 0 : index
    %get3A_1518 = arith.constant 0 : index
    %get3A_1519 = vector.load %arg11[%get3A_1516, %get3A_1517, %get3A_1518] : memref<2x64x4096xf32, #tpu.memory_space<vmem>>, vector<1x64x4096xf32>
    %get3A_1520 = vector.shape_cast %get3A_1519 : vector<1x64x4096xf32> to vector<64x4096xf32>
    %dot_general3A_1521 = arith.constant dense<0.000000e+00> : vector<1x64xf32>
    %dot_general3A_1522 = tpu.matmul %get3A_1515, %get3A_1520, %dot_general3A_1521 {dimension_numbers = #tpu.dot_dimension_numbers<[1], [1], [0], [0], [0, 0, 1, 0], [], []>, transpose_lhs_hint = false} : vector<1x4096xf32>, vector<64x4096xf32>, vector<1x64xf32> -> vector<1x64xf32>
    %swap3A_1523 = arith.constant 0 : index
    %swap3A_1524 = arith.constant 3712 : index
    %swap3A_1525 = vector.load %arg13[%swap3A_1523, %swap3A_1524] : memref<1x4096xf32, #tpu.memory_space<vmem>>, vector<1x64xf32>
    tpu.vector_store %arg13[%swap3A_1523, %swap3A_1524], %dot_general3A_1522 {strides = array<i32>} : memref<1x4096xf32, #tpu.memory_space<vmem>>, vector<1x64xf32>,
    %dma_start3A_1526 = arith.constant 0 : i32
    %dma_start3A_1527 = arith.constant 0 : i32
    %dma_start3A_1528 = tpu.memref_slice %arg16[%dma_start3A_1527] : memref<2x!tpu.dma_semaphore, #tpu.memory_space<semaphore_mem>> -> memref<1x!tpu.dma_semaphore, #tpu.memory_space<semaphore_mem>>
    %dma_start3A_1529 = tpu.memref_squeeze %dma_start3A_1528 : memref<1x!tpu.dma_semaphore, #tpu.memory_space<semaphore_mem>> -> memref<!tpu.dma_semaphore, #tpu.memory_space<semaphore_mem>>
    %dma_start3A_1530 = arith.constant 0 : i32
    %dma_start3A_1531 = arith.constant 0 : i32
    %dma_start3A_1532 = tpu.memref_slice %arg11[%dma_start3A_1526, %dma_start3A_1530, %dma_start3A_1531] : memref<2x64x4096xf32, #tpu.memory_space<vmem>> -> memref<1x64x4096xf32, #tpu.memory_space<vmem>>
    %dma_start3A_1533 = tpu.memref_squeeze %dma_start3A_1532 : memref<1x64x4096xf32, #tpu.memory_space<vmem>> -> memref<64x4096xf32, #tpu.memory_space<vmem>>
    %dma_start3A_1534 = arith.constant 3840 : i32
    %dma_start3A_1535 = arith.constant 0 : i32
    %dma_start3A_1536 = tpu.memref_slice %arg2[%dma_start3A_1534, %dma_start3A_1535] : memref<4096x4096xf32, #tpu.memory_space<any>> -> memref<64x4096xf32, #tpu.memory_space<any>>
    tpu.enqueue_dma source(%dma_start3A_1536 : memref<64x4096xf32, #tpu.memory_space<any>>) target(%dma_start3A_1533 : memref<64x4096xf32, #tpu.memory_space<vmem>>) target_semaphore(%dma_start3A_1529 : memref<!tpu.dma_semaphore, #tpu.memory_space<semaphore_mem>>)
    %dma_wait3A_1537 = arith.constant 1 : i32
    %dma_wait3A_1538 = arith.constant 1 : i32
    %dma_wait3A_1539 = tpu.memref_slice %arg16[%dma_wait3A_1538] : memref<2x!tpu.dma_semaphore, #tpu.memory_space<semaphore_mem>> -> memref<1x!tpu.dma_semaphore, #tpu.memory_space<semaphore_mem>>
    %dma_wait3A_1540 = tpu.memref_squeeze %dma_wait3A_1539 : memref<1x!tpu.dma_semaphore, #tpu.memory_space<semaphore_mem>> -> memref<!tpu.dma_semaphore, #tpu.memory_space<semaphore_mem>>
    %dma_wait3A_1541 = arith.constant 0 : i32
    %dma_wait3A_1542 = arith.constant 0 : i32
    %dma_wait3A_1543 = tpu.memref_slice %arg11[%dma_wait3A_1537, %dma_wait3A_1541, %dma_wait3A_1542] : memref<2x64x4096xf32, #tpu.memory_space<vmem>> -> memref<1x64x4096xf32, #tpu.memory_space<vmem>>
    %dma_wait3A_1544 = tpu.memref_squeeze %dma_wait3A_1543 : memref<1x64x4096xf32, #tpu.memory_space<vmem>> -> memref<64x4096xf32, #tpu.memory_space<vmem>>
    %dma_wait3A_1545 = arith.constant 3776 : i32
    %dma_wait3A_1546 = arith.constant 0 : i32
    %dma_wait3A_1547 = tpu.memref_slice %arg2[%dma_wait3A_1545, %dma_wait3A_1546] : memref<4096x4096xf32, #tpu.memory_space<any>> -> memref<64x4096xf32, #tpu.memory_space<any>>
    tpu.wait_dma2 semaphore(%dma_wait3A_1540 : memref<!tpu.dma_semaphore, #tpu.memory_space<semaphore_mem>>) src(%dma_wait3A_1547 : memref<64x4096xf32, #tpu.memory_space<any>>) dst(%dma_wait3A_1544 : memref<64x4096xf32, #tpu.memory_space<vmem>>)
    %get3A_1548 = arith.constant 0 : index
    %get3A_1549 = arith.constant 0 : index
    %get3A_1550 = vector.load %arg14[%get3A_1548, %get3A_1549] : memref<1x4096xf32, #tpu.memory_space<vmem>>, vector<1x4096xf32>
    %get3A_1551 = arith.constant 1 : index
    %get3A_1552 = arith.constant 0 : index
    %get3A_1553 = arith.constant 0 : index
    %get3A_1554 = vector.load %arg11[%get3A_1551, %get3A_1552, %get3A_1553] : memref<2x64x4096xf32, #tpu.memory_space<vmem>>, vector<1x64x4096xf32>
    %get3A_1555 = vector.shape_cast %get3A_1554 : vector<1x64x4096xf32> to vector<64x4096xf32>
    %dot_general3A_1556 = arith.constant dense<0.000000e+00> : vector<1x64xf32>
    %dot_general3A_1557 = tpu.matmul %get3A_1550, %get3A_1555, %dot_general3A_1556 {dimension_numbers = #tpu.dot_dimension_numbers<[1], [1], [0], [0], [0, 0, 1, 0], [], []>, transpose_lhs_hint = false} : vector<1x4096xf32>, vector<64x4096xf32>, vector<1x64xf32> -> vector<1x64xf32>
    %swap3A_1558 = arith.constant 0 : index
    %swap3A_1559 = arith.constant 3776 : index
    %swap3A_1560 = vector.load %arg13[%swap3A_1558, %swap3A_1559] : memref<1x4096xf32, #tpu.memory_space<vmem>>, vector<1x64xf32>
    tpu.vector_store %arg13[%swap3A_1558, %swap3A_1559], %dot_general3A_1557 {strides = array<i32>} : memref<1x4096xf32, #tpu.memory_space<vmem>>, vector<1x64xf32>,
    %dma_start3A_1561 = arith.constant 1 : i32
    %dma_start3A_1562 = arith.constant 1 : i32
    %dma_start3A_1563 = tpu.memref_slice %arg16[%dma_start3A_1562] : memref<2x!tpu.dma_semaphore, #tpu.memory_space<semaphore_mem>> -> memref<1x!tpu.dma_semaphore, #tpu.memory_space<semaphore_mem>>
    %dma_start3A_1564 = tpu.memref_squeeze %dma_start3A_1563 : memref<1x!tpu.dma_semaphore, #tpu.memory_space<semaphore_mem>> -> memref<!tpu.dma_semaphore, #tpu.memory_space<semaphore_mem>>
    %dma_start3A_1565 = arith.constant 0 : i32
    %dma_start3A_1566 = arith.constant 0 : i32
    %dma_start3A_1567 = tpu.memref_slice %arg11[%dma_start3A_1561, %dma_start3A_1565, %dma_start3A_1566] : memref<2x64x4096xf32, #tpu.memory_space<vmem>> -> memref<1x64x4096xf32, #tpu.memory_space<vmem>>
    %dma_start3A_1568 = tpu.memref_squeeze %dma_start3A_1567 : memref<1x64x4096xf32, #tpu.memory_space<vmem>> -> memref<64x4096xf32, #tpu.memory_space<vmem>>
    %dma_start3A_1569 = arith.constant 3904 : i32
    %dma_start3A_1570 = arith.constant 0 : i32
    %dma_start3A_1571 = tpu.memref_slice %arg2[%dma_start3A_1569, %dma_start3A_1570] : memref<4096x4096xf32, #tpu.memory_space<any>> -> memref<64x4096xf32, #tpu.memory_space<any>>
    tpu.enqueue_dma source(%dma_start3A_1571 : memref<64x4096xf32, #tpu.memory_space<any>>) target(%dma_start3A_1568 : memref<64x4096xf32, #tpu.memory_space<vmem>>) target_semaphore(%dma_start3A_1564 : memref<!tpu.dma_semaphore, #tpu.memory_space<semaphore_mem>>)
    %dma_wait3A_1572 = arith.constant 0 : i32
    %dma_wait3A_1573 = arith.constant 0 : i32
    %dma_wait3A_1574 = tpu.memref_slice %arg16[%dma_wait3A_1573] : memref<2x!tpu.dma_semaphore, #tpu.memory_space<semaphore_mem>> -> memref<1x!tpu.dma_semaphore, #tpu.memory_space<semaphore_mem>>
    %dma_wait3A_1575 = tpu.memref_squeeze %dma_wait3A_1574 : memref<1x!tpu.dma_semaphore, #tpu.memory_space<semaphore_mem>> -> memref<!tpu.dma_semaphore, #tpu.memory_space<semaphore_mem>>
    %dma_wait3A_1576 = arith.constant 0 : i32
    %dma_wait3A_1577 = arith.constant 0 : i32
    %dma_wait3A_1578 = tpu.memref_slice %arg11[%dma_wait3A_1572, %dma_wait3A_1576, %dma_wait3A_1577] : memref<2x64x4096xf32, #tpu.memory_space<vmem>> -> memref<1x64x4096xf32, #tpu.memory_space<vmem>>
    %dma_wait3A_1579 = tpu.memref_squeeze %dma_wait3A_1578 : memref<1x64x4096xf32, #tpu.memory_space<vmem>> -> memref<64x4096xf32, #tpu.memory_space<vmem>>
    %dma_wait3A_1580 = arith.constant 3840 : i32
    %dma_wait3A_1581 = arith.constant 0 : i32
    %dma_wait3A_1582 = tpu.memref_slice %arg2[%dma_wait3A_1580, %dma_wait3A_1581] : memref<4096x4096xf32, #tpu.memory_space<any>> -> memref<64x4096xf32, #tpu.memory_space<any>>
    tpu.wait_dma2 semaphore(%dma_wait3A_1575 : memref<!tpu.dma_semaphore, #tpu.memory_space<semaphore_mem>>) src(%dma_wait3A_1582 : memref<64x4096xf32, #tpu.memory_space<any>>) dst(%dma_wait3A_1579 : memref<64x4096xf32, #tpu.memory_space<vmem>>)
    %get3A_1583 = arith.constant 0 : index
    %get3A_1584 = arith.constant 0 : index
    %get3A_1585 = vector.load %arg14[%get3A_1583, %get3A_1584] : memref<1x4096xf32, #tpu.memory_space<vmem>>, vector<1x4096xf32>
    %get3A_1586 = arith.constant 0 : index
    %get3A_1587 = arith.constant 0 : index
    %get3A_1588 = arith.constant 0 : index
    %get3A_1589 = vector.load %arg11[%get3A_1586, %get3A_1587, %get3A_1588] : memref<2x64x4096xf32, #tpu.memory_space<vmem>>, vector<1x64x4096xf32>
    %get3A_1590 = vector.shape_cast %get3A_1589 : vector<1x64x4096xf32> to vector<64x4096xf32>
    %dot_general3A_1591 = arith.constant dense<0.000000e+00> : vector<1x64xf32>
    %dot_general3A_1592 = tpu.matmul %get3A_1585, %get3A_1590, %dot_general3A_1591 {dimension_numbers = #tpu.dot_dimension_numbers<[1], [1], [0], [0], [0, 0, 1, 0], [], []>, transpose_lhs_hint = false} : vector<1x4096xf32>, vector<64x4096xf32>, vector<1x64xf32> -> vector<1x64xf32>
    %swap3A_1593 = arith.constant 0 : index
    %swap3A_1594 = arith.constant 3840 : index
    %swap3A_1595 = vector.load %arg13[%swap3A_1593, %swap3A_1594] : memref<1x4096xf32, #tpu.memory_space<vmem>>, vector<1x64xf32>
    tpu.vector_store %arg13[%swap3A_1593, %swap3A_1594], %dot_general3A_1592 {strides = array<i32>} : memref<1x4096xf32, #tpu.memory_space<vmem>>, vector<1x64xf32>,
    %dma_start3A_1596 = arith.constant 0 : i32
    %dma_start3A_1597 = arith.constant 0 : i32
    %dma_start3A_1598 = tpu.memref_slice %arg16[%dma_start3A_1597] : memref<2x!tpu.dma_semaphore, #tpu.memory_space<semaphore_mem>> -> memref<1x!tpu.dma_semaphore, #tpu.memory_space<semaphore_mem>>
    %dma_start3A_1599 = tpu.memref_squeeze %dma_start3A_1598 : memref<1x!tpu.dma_semaphore, #tpu.memory_space<semaphore_mem>> -> memref<!tpu.dma_semaphore, #tpu.memory_space<semaphore_mem>>
    %dma_start3A_1600 = arith.constant 0 : i32
    %dma_start3A_1601 = arith.constant 0 : i32
    %dma_start3A_1602 = tpu.memref_slice %arg11[%dma_start3A_1596, %dma_start3A_1600, %dma_start3A_1601] : memref<2x64x4096xf32, #tpu.memory_space<vmem>> -> memref<1x64x4096xf32, #tpu.memory_space<vmem>>
    %dma_start3A_1603 = tpu.memref_squeeze %dma_start3A_1602 : memref<1x64x4096xf32, #tpu.memory_space<vmem>> -> memref<64x4096xf32, #tpu.memory_space<vmem>>
    %dma_start3A_1604 = arith.constant 3968 : i32
    %dma_start3A_1605 = arith.constant 0 : i32
    %dma_start3A_1606 = tpu.memref_slice %arg2[%dma_start3A_1604, %dma_start3A_1605] : memref<4096x4096xf32, #tpu.memory_space<any>> -> memref<64x4096xf32, #tpu.memory_space<any>>
    tpu.enqueue_dma source(%dma_start3A_1606 : memref<64x4096xf32, #tpu.memory_space<any>>) target(%dma_start3A_1603 : memref<64x4096xf32, #tpu.memory_space<vmem>>) target_semaphore(%dma_start3A_1599 : memref<!tpu.dma_semaphore, #tpu.memory_space<semaphore_mem>>)
    %dma_wait3A_1607 = arith.constant 1 : i32
    %dma_wait3A_1608 = arith.constant 1 : i32
    %dma_wait3A_1609 = tpu.memref_slice %arg16[%dma_wait3A_1608] : memref<2x!tpu.dma_semaphore, #tpu.memory_space<semaphore_mem>> -> memref<1x!tpu.dma_semaphore, #tpu.memory_space<semaphore_mem>>
    %dma_wait3A_1610 = tpu.memref_squeeze %dma_wait3A_1609 : memref<1x!tpu.dma_semaphore, #tpu.memory_space<semaphore_mem>> -> memref<!tpu.dma_semaphore, #tpu.memory_space<semaphore_mem>>
    %dma_wait3A_1611 = arith.constant 0 : i32
    %dma_wait3A_1612 = arith.constant 0 : i32
    %dma_wait3A_1613 = tpu.memref_slice %arg11[%dma_wait3A_1607, %dma_wait3A_1611, %dma_wait3A_1612] : memref<2x64x4096xf32, #tpu.memory_space<vmem>> -> memref<1x64x4096xf32, #tpu.memory_space<vmem>>
    %dma_wait3A_1614 = tpu.memref_squeeze %dma_wait3A_1613 : memref<1x64x4096xf32, #tpu.memory_space<vmem>> -> memref<64x4096xf32, #tpu.memory_space<vmem>>
    %dma_wait3A_1615 = arith.constant 3904 : i32
    %dma_wait3A_1616 = arith.constant 0 : i32
    %dma_wait3A_1617 = tpu.memref_slice %arg2[%dma_wait3A_1615, %dma_wait3A_1616] : memref<4096x4096xf32, #tpu.memory_space<any>> -> memref<64x4096xf32, #tpu.memory_space<any>>
    tpu.wait_dma2 semaphore(%dma_wait3A_1610 : memref<!tpu.dma_semaphore, #tpu.memory_space<semaphore_mem>>) src(%dma_wait3A_1617 : memref<64x4096xf32, #tpu.memory_space<any>>) dst(%dma_wait3A_1614 : memref<64x4096xf32, #tpu.memory_space<vmem>>)
    %get3A_1618 = arith.constant 0 : index
    %get3A_1619 = arith.constant 0 : index
    %get3A_1620 = vector.load %arg14[%get3A_1618, %get3A_1619] : memref<1x4096xf32, #tpu.memory_space<vmem>>, vector<1x4096xf32>
    %get3A_1621 = arith.constant 1 : index
    %get3A_1622 = arith.constant 0 : index
    %get3A_1623 = arith.constant 0 : index
    %get3A_1624 = vector.load %arg11[%get3A_1621, %get3A_1622, %get3A_1623] : memref<2x64x4096xf32, #tpu.memory_space<vmem>>, vector<1x64x4096xf32>
    %get3A_1625 = vector.shape_cast %get3A_1624 : vector<1x64x4096xf32> to vector<64x4096xf32>
    %dot_general3A_1626 = arith.constant dense<0.000000e+00> : vector<1x64xf32>
    %dot_general3A_1627 = tpu.matmul %get3A_1620, %get3A_1625, %dot_general3A_1626 {dimension_numbers = #tpu.dot_dimension_numbers<[1], [1], [0], [0], [0, 0, 1, 0], [], []>, transpose_lhs_hint = false} : vector<1x4096xf32>, vector<64x4096xf32>, vector<1x64xf32> -> vector<1x64xf32>
    %swap3A_1628 = arith.constant 0 : index
    %swap3A_1629 = arith.constant 3904 : index
    %swap3A_1630 = vector.load %arg13[%swap3A_1628, %swap3A_1629] : memref<1x4096xf32, #tpu.memory_space<vmem>>, vector<1x64xf32>
    tpu.vector_store %arg13[%swap3A_1628, %swap3A_1629], %dot_general3A_1627 {strides = array<i32>} : memref<1x4096xf32, #tpu.memory_space<vmem>>, vector<1x64xf32>,
    %dma_start3A_1631 = arith.constant 1 : i32
    %dma_start3A_1632 = arith.constant 1 : i32
    %dma_start3A_1633 = tpu.memref_slice %arg16[%dma_start3A_1632] : memref<2x!tpu.dma_semaphore, #tpu.memory_space<semaphore_mem>> -> memref<1x!tpu.dma_semaphore, #tpu.memory_space<semaphore_mem>>
    %dma_start3A_1634 = tpu.memref_squeeze %dma_start3A_1633 : memref<1x!tpu.dma_semaphore, #tpu.memory_space<semaphore_mem>> -> memref<!tpu.dma_semaphore, #tpu.memory_space<semaphore_mem>>
    %dma_start3A_1635 = arith.constant 0 : i32
    %dma_start3A_1636 = arith.constant 0 : i32
    %dma_start3A_1637 = tpu.memref_slice %arg11[%dma_start3A_1631, %dma_start3A_1635, %dma_start3A_1636] : memref<2x64x4096xf32, #tpu.memory_space<vmem>> -> memref<1x64x4096xf32, #tpu.memory_space<vmem>>
    %dma_start3A_1638 = tpu.memref_squeeze %dma_start3A_1637 : memref<1x64x4096xf32, #tpu.memory_space<vmem>> -> memref<64x4096xf32, #tpu.memory_space<vmem>>
    %dma_start3A_1639 = arith.constant 4032 : i32
    %dma_start3A_1640 = arith.constant 0 : i32
    %dma_start3A_1641 = tpu.memref_slice %arg2[%dma_start3A_1639, %dma_start3A_1640] : memref<4096x4096xf32, #tpu.memory_space<any>> -> memref<64x4096xf32, #tpu.memory_space<any>>
    tpu.enqueue_dma source(%dma_start3A_1641 : memref<64x4096xf32, #tpu.memory_space<any>>) target(%dma_start3A_1638 : memref<64x4096xf32, #tpu.memory_space<vmem>>) target_semaphore(%dma_start3A_1634 : memref<!tpu.dma_semaphore, #tpu.memory_space<semaphore_mem>>)
    %dma_wait3A_1642 = arith.constant 0 : i32
    %dma_wait3A_1643 = arith.constant 0 : i32
    %dma_wait3A_1644 = tpu.memref_slice %arg16[%dma_wait3A_1643] : memref<2x!tpu.dma_semaphore, #tpu.memory_space<semaphore_mem>> -> memref<1x!tpu.dma_semaphore, #tpu.memory_space<semaphore_mem>>
    %dma_wait3A_1645 = tpu.memref_squeeze %dma_wait3A_1644 : memref<1x!tpu.dma_semaphore, #tpu.memory_space<semaphore_mem>> -> memref<!tpu.dma_semaphore, #tpu.memory_space<semaphore_mem>>
    %dma_wait3A_1646 = arith.constant 0 : i32
    %dma_wait3A_1647 = arith.constant 0 : i32
    %dma_wait3A_1648 = tpu.memref_slice %arg11[%dma_wait3A_1642, %dma_wait3A_1646, %dma_wait3A_1647] : memref<2x64x4096xf32, #tpu.memory_space<vmem>> -> memref<1x64x4096xf32, #tpu.memory_space<vmem>>
    %dma_wait3A_1649 = tpu.memref_squeeze %dma_wait3A_1648 : memref<1x64x4096xf32, #tpu.memory_space<vmem>> -> memref<64x4096xf32, #tpu.memory_space<vmem>>
    %dma_wait3A_1650 = arith.constant 3968 : i32
    %dma_wait3A_1651 = arith.constant 0 : i32
    %dma_wait3A_1652 = tpu.memref_slice %arg2[%dma_wait3A_1650, %dma_wait3A_1651] : memref<4096x4096xf32, #tpu.memory_space<any>> -> memref<64x4096xf32, #tpu.memory_space<any>>
    tpu.wait_dma2 semaphore(%dma_wait3A_1645 : memref<!tpu.dma_semaphore, #tpu.memory_space<semaphore_mem>>) src(%dma_wait3A_1652 : memref<64x4096xf32, #tpu.memory_space<any>>) dst(%dma_wait3A_1649 : memref<64x4096xf32, #tpu.memory_space<vmem>>)
    %get3A_1653 = arith.constant 0 : index
    %get3A_1654 = arith.constant 0 : index
    %get3A_1655 = vector.load %arg14[%get3A_1653, %get3A_1654] : memref<1x4096xf32, #tpu.memory_space<vmem>>, vector<1x4096xf32>
    %get3A_1656 = arith.constant 0 : index
    %get3A_1657 = arith.constant 0 : index
    %get3A_1658 = arith.constant 0 : index
    %get3A_1659 = vector.load %arg11[%get3A_1656, %get3A_1657, %get3A_1658] : memref<2x64x4096xf32, #tpu.memory_space<vmem>>, vector<1x64x4096xf32>
    %get3A_1660 = vector.shape_cast %get3A_1659 : vector<1x64x4096xf32> to vector<64x4096xf32>
    %dot_general3A_1661 = arith.constant dense<0.000000e+00> : vector<1x64xf32>
    %dot_general3A_1662 = tpu.matmul %get3A_1655, %get3A_1660, %dot_general3A_1661 {dimension_numbers = #tpu.dot_dimension_numbers<[1], [1], [0], [0], [0, 0, 1, 0], [], []>, transpose_lhs_hint = false} : vector<1x4096xf32>, vector<64x4096xf32>, vector<1x64xf32> -> vector<1x64xf32>
    %swap3A_1663 = arith.constant 0 : index
    %swap3A_1664 = arith.constant 3968 : index
    %swap3A_1665 = vector.load %arg13[%swap3A_1663, %swap3A_1664] : memref<1x4096xf32, #tpu.memory_space<vmem>>, vector<1x64xf32>
    tpu.vector_store %arg13[%swap3A_1663, %swap3A_1664], %dot_general3A_1662 {strides = array<i32>} : memref<1x4096xf32, #tpu.memory_space<vmem>>, vector<1x64xf32>,
    %dma_wait3A_1666 = arith.constant 1 : i32
    %dma_wait3A_1667 = arith.constant 1 : i32
    %dma_wait3A_1668 = tpu.memref_slice %arg16[%dma_wait3A_1667] : memref<2x!tpu.dma_semaphore, #tpu.memory_space<semaphore_mem>> -> memref<1x!tpu.dma_semaphore, #tpu.memory_space<semaphore_mem>>
    %dma_wait3A_1669 = tpu.memref_squeeze %dma_wait3A_1668 : memref<1x!tpu.dma_semaphore, #tpu.memory_space<semaphore_mem>> -> memref<!tpu.dma_semaphore, #tpu.memory_space<semaphore_mem>>
    %dma_wait3A_1670 = arith.constant 0 : i32
    %dma_wait3A_1671 = arith.constant 0 : i32
    %dma_wait3A_1672 = tpu.memref_slice %arg11[%dma_wait3A_1666, %dma_wait3A_1670, %dma_wait3A_1671] : memref<2x64x4096xf32, #tpu.memory_space<vmem>> -> memref<1x64x4096xf32, #tpu.memory_space<vmem>>
    %dma_wait3A_1673 = tpu.memref_squeeze %dma_wait3A_1672 : memref<1x64x4096xf32, #tpu.memory_space<vmem>> -> memref<64x4096xf32, #tpu.memory_space<vmem>>
    %dma_wait3A_1674 = arith.constant 4032 : i32
    %dma_wait3A_1675 = arith.constant 0 : i32
    %dma_wait3A_1676 = tpu.memref_slice %arg2[%dma_wait3A_1674, %dma_wait3A_1675] : memref<4096x4096xf32, #tpu.memory_space<any>> -> memref<64x4096xf32, #tpu.memory_space<any>>
    tpu.wait_dma2 semaphore(%dma_wait3A_1669 : memref<!tpu.dma_semaphore, #tpu.memory_space<semaphore_mem>>) src(%dma_wait3A_1676 : memref<64x4096xf32, #tpu.memory_space<any>>) dst(%dma_wait3A_1673 : memref<64x4096xf32, #tpu.memory_space<vmem>>)
    %get3A_1677 = arith.constant 0 : index
    %get3A_1678 = arith.constant 0 : index
    %get3A_1679 = vector.load %arg14[%get3A_1677, %get3A_1678] : memref<1x4096xf32, #tpu.memory_space<vmem>>, vector<1x4096xf32>
    %get3A_1680 = arith.constant 1 : index
    %get3A_1681 = arith.constant 0 : index
    %get3A_1682 = arith.constant 0 : index
    %get3A_1683 = vector.load %arg11[%get3A_1680, %get3A_1681, %get3A_1682] : memref<2x64x4096xf32, #tpu.memory_space<vmem>>, vector<1x64x4096xf32>
    %get3A_1684 = vector.shape_cast %get3A_1683 : vector<1x64x4096xf32> to vector<64x4096xf32>
    %dot_general3A_1685 = arith.constant dense<0.000000e+00> : vector<1x64xf32>
    %dot_general3A_1686 = tpu.matmul %get3A_1679, %get3A_1684, %dot_general3A_1685 {dimension_numbers = #tpu.dot_dimension_numbers<[1], [1], [0], [0], [0, 0, 1, 0], [], []>, transpose_lhs_hint = false} : vector<1x4096xf32>, vector<64x4096xf32>, vector<1x64xf32> -> vector<1x64xf32>
    %swap3A_1687 = arith.constant 0 : index
    %swap3A_1688 = arith.constant 4032 : index
    %swap3A_1689 = vector.load %arg13[%swap3A_1687, %swap3A_1688] : memref<1x4096xf32, #tpu.memory_space<vmem>>, vector<1x64xf32>
    tpu.vector_store %arg13[%swap3A_1687, %swap3A_1688], %dot_general3A_1686 {strides = array<i32>} : memref<1x4096xf32, #tpu.memory_space<vmem>>, vector<1x64xf32>,
    %get3A_1690 = arith.constant 0 : index
    %get3A_1691 = arith.constant 1 : index
    %get3A_1692 = memref.load %arg4[%get3A_1690, %get3A_1691] : memref<1x11xf32, #tpu.memory_space<smem>>
    %get3A_1693 = arith.constant 0 : index
    %get3A_1694 = arith.constant 2 : index
    %get3A_1695 = memref.load %arg4[%get3A_1693, %get3A_1694] : memref<1x11xf32, #tpu.memory_space<smem>>
    %get3A_1696 = arith.constant 0 : index
    %get3A_1697 = arith.constant 3 : index
    %get3A_1698 = memref.load %arg4[%get3A_1696, %get3A_1697] : memref<1x11xf32, #tpu.memory_space<smem>>
    %get3A_1699 = arith.constant 0 : index
    %get3A_1700 = arith.constant 4 : index
    %get3A_1701 = memref.load %arg4[%get3A_1699, %get3A_1700] : memref<1x11xf32, #tpu.memory_space<smem>>
    %get3A_1702 = arith.constant 0 : index
    %get3A_1703 = arith.constant 5 : index
    %get3A_1704 = memref.load %arg4[%get3A_1702, %get3A_1703] : memref<1x11xf32, #tpu.memory_space<smem>>
    %get3A_1705 = arith.constant 0 : index
    %get3A_1706 = arith.constant 6 : index
    %get3A_1707 = memref.load %arg4[%get3A_1705, %get3A_1706] : memref<1x11xf32, #tpu.memory_space<smem>>
    %get3A_1708 = arith.constant 0 : index
    %get3A_1709 = arith.constant 7 : index
    %get3A_1710 = memref.load %arg4[%get3A_1708, %get3A_1709] : memref<1x11xf32, #tpu.memory_space<smem>>
    %get3A_1711 = arith.constant 0 : index
    %get3A_1712 = arith.constant 8 : index
    %get3A_1713 = memref.load %arg4[%get3A_1711, %get3A_1712] : memref<1x11xf32, #tpu.memory_space<smem>>
    %get3A_1714 = arith.constant 0 : index
    %get3A_1715 = arith.constant 9 : index
    %get3A_1716 = memref.load %arg4[%get3A_1714, %get3A_1715] : memref<1x11xf32, #tpu.memory_space<smem>>
    %get3A_1717 = arith.constant 0 : index
    %get3A_1718 = arith.constant 10 : index
    %get3A_1719 = memref.load %arg4[%get3A_1717, %get3A_1718] : memref<1x11xf32, #tpu.memory_space<smem>>
    %get3A_1720 = arith.constant 0 : index
    %get3A_1721 = arith.constant 0 : index
    %get3A_1722 = vector.load %arg12[%get3A_1720, %get3A_1721] : memref<1x4096xf32, #tpu.memory_space<vmem>>, vector<1x4096xf32>
    %get3A_1723 = arith.constant 0 : index
    %get3A_1724 = arith.constant 0 : index
    %get3A_1725 = vector.load %arg13[%get3A_1723, %get3A_1724] : memref<1x4096xf32, #tpu.memory_space<vmem>>, vector<1x4096xf32>
    %add3A_1726 = vector.broadcast %get3A_1692 : f32 to vector<1x4096xf32>
    %add3A_1727 = arith.addf %get3A_1725, %add3A_1726 : vector<1x4096xf32>
    %mul3A_1728 = vector.broadcast %get3A_1695 : f32 to vector<1x4096xf32>
    %mul3A_1729 = arith.mulf %add3A_1727, %mul3A_1728 : vector<1x4096xf32>
    %mul3A_1730 = vector.broadcast %get3A_1698 : f32 to vector<1x4096xf32>
    %mul3A_1731 = arith.mulf %get3A_1722, %mul3A_1730 : vector<1x4096xf32>
    %add3A_1732 = arith.addf %mul3A_1729, %mul3A_1731 : vector<1x4096xf32>
    %add3A_1733 = vector.broadcast %get3A_1701 : f32 to vector<1x4096xf32>
    %add3A_1734 = arith.addf %add3A_1732, %add3A_1733 : vector<1x4096xf32>
    %logistic3A_1735 = arith.negf %add3A_1734 : vector<1x4096xf32>
    %logistic3A_1736 = math.exp %logistic3A_1735 : vector<1x4096xf32>
    %logistic3A_1737 = arith.constant 1.000000e+00 : f32
    %logistic3A_1738 = vector.broadcast %logistic3A_1737 : f32 to vector<1x4096xf32>
    %logistic3A_1739 = arith.addf %logistic3A_1738, %logistic3A_1736 : vector<1x4096xf32>
    %logistic3A_1740 = arith.divf %logistic3A_1738, %logistic3A_1739 : vector<1x4096xf32>
    %mul3A_1741 = vector.broadcast %get3A_1704 : f32 to vector<1x4096xf32>
    %mul3A_1742 = arith.mulf %add3A_1727, %mul3A_1741 : vector<1x4096xf32>
    %mul3A_1743 = vector.broadcast %get3A_1707 : f32 to vector<1x4096xf32>
    %mul3A_1744 = arith.mulf %get3A_1722, %mul3A_1743 : vector<1x4096xf32>
    %add3A_1745 = arith.addf %mul3A_1742, %mul3A_1744 : vector<1x4096xf32>
    %add3A_1746 = vector.broadcast %get3A_1710 : f32 to vector<1x4096xf32>
    %add3A_1747 = arith.addf %add3A_1745, %add3A_1746 : vector<1x4096xf32>
    %logistic3A_1748 = arith.negf %add3A_1747 : vector<1x4096xf32>
    %logistic3A_1749 = math.exp %logistic3A_1748 : vector<1x4096xf32>
    %logistic3A_1750 = arith.constant 1.000000e+00 : f32
    %logistic3A_1751 = vector.broadcast %logistic3A_1750 : f32 to vector<1x4096xf32>
    %logistic3A_1752 = arith.addf %logistic3A_1751, %logistic3A_1749 : vector<1x4096xf32>
    %logistic3A_1753 = arith.divf %logistic3A_1751, %logistic3A_1752 : vector<1x4096xf32>
    %mul3A_1754 = vector.broadcast %get3A_1713 : f32 to vector<1x4096xf32>
    %mul3A_1755 = arith.mulf %add3A_1727, %mul3A_1754 : vector<1x4096xf32>
    %mul3A_1756 = arith.mulf %logistic3A_1753, %get3A_1722 : vector<1x4096xf32>
    %mul3A_1757 = vector.broadcast %get3A_1716 : f32 to vector<1x4096xf32>
    %mul3A_1758 = arith.mulf %mul3A_1756, %mul3A_1757 : vector<1x4096xf32>
    %add3A_1759 = arith.addf %mul3A_1755, %mul3A_1758 : vector<1x4096xf32>
    %add3A_1760 = vector.broadcast %get3A_1719 : f32 to vector<1x4096xf32>
    %add3A_1761 = arith.addf %add3A_1759, %add3A_1760 : vector<1x4096xf32>
    %tanh3A_1762 = math.tanh %add3A_1761 : vector<1x4096xf32>
    %sub3A_1763 = arith.constant 1.000000e+00 : f32
    %sub3A_1764 = vector.broadcast %sub3A_1763 : f32 to vector<1x4096xf32>
    %sub3A_1765 = arith.subf %sub3A_1764, %logistic3A_1740 : vector<1x4096xf32>
    %mul3A_1766 = arith.mulf %sub3A_1765, %get3A_1722 : vector<1x4096xf32>
    %mul3A_1767 = arith.mulf %logistic3A_1740, %tanh3A_1762 : vector<1x4096xf32>
    %add3A_1768 = arith.addf %mul3A_1766, %mul3A_1767 : vector<1x4096xf32>
    %swap3A_1769 = arith.constant 0 : index
    %swap3A_1770 = arith.constant 0 : index
    %swap3A_1771 = vector.load %arg12[%swap3A_1769, %swap3A_1770] : memref<1x4096xf32, #tpu.memory_space<vmem>>, vector<1x4096xf32>
    tpu.vector_store %arg12[%swap3A_1769, %swap3A_1770], %add3A_1768 {strides = array<i32>} : memref<1x4096xf32, #tpu.memory_space<vmem>>, vector<1x4096xf32>,
    %get3A_1772 = arith.constant 0 : index
    %get3A_1773 = arith.constant 0 : index
    %get3A_1774 = memref.load %arg4[%get3A_1772, %get3A_1773] : memref<1x11xf32, #tpu.memory_space<smem>>
    %mul3A_1775 = vector.broadcast %get3A_1774 : f32 to vector<1x4096xf32>
    %mul3A_1776 = arith.mulf %add3A_1768, %mul3A_1775 : vector<1x4096xf32>
    %swap3A_1777 = arith.constant 0 : index
    %swap3A_1778 = arith.constant 0 : index
    %swap3A_1779 = vector.load %arg14[%swap3A_1777, %swap3A_1778] : memref<1x4096xf32, #tpu.memory_space<vmem>>, vector<1x4096xf32>
    tpu.vector_store %arg14[%swap3A_1777, %swap3A_1778], %mul3A_1776 {strides = array<i32>} : memref<1x4096xf32, #tpu.memory_space<vmem>>, vector<1x4096xf32>,
    %get3A_1780 = arith.constant 0 : index
    %get3A_1781 = arith.constant 0 : index
    %get3A_1782 = vector.load %arg12[%get3A_1780, %get3A_1781] : memref<1x4096xf32, #tpu.memory_space<vmem>>, vector<1x4096xf32>
    %eq3A = arith.constant 0.000000e+00 : f32
    %eq3A_1783 = vector.broadcast %eq3A : f32 to vector<1x4096xf32>
    %eq3A_1784 = arith.cmpf oeq, %get3A_1782, %eq3A_1783 : vector<1x4096xf32>
    %jit3A = arith.constant 0.000000e+00 : f32
    %broadcast_in_dim3A_1785 = vector.broadcast %jit3A : f32 to vector<1x4096xf32>
    %select_n3A = arith.select %eq3A_1784, %broadcast_in_dim3A_1785, %get3A_1782 : vector<1x4096xi1>, vector<1x4096xf32>
    %reshape3A_1786 = vector.shape_cast %select_n3A : vector<1x4096xf32> to vector<32x128xf32>
    %bitcast3A = tpu.bitcast %reshape3A_1786 : vector<32x128xf32> -> vector<32x128xi32>
    %shift_right_arithmetic3A = arith.constant 31 : i32
    %shift_right_arithmetic3A_1787 = vector.broadcast %shift_right_arithmetic3A : i32 to vector<32x128xi32>
    %shift_right_arithmetic3A_1788 = arith.shrsi %bitcast3A, %shift_right_arithmetic3A_1787 : vector<32x128xi32>
    %and3A = arith.constant 2147483647 : i32
    %and3A_1789 = vector.broadcast %and3A : i32 to vector<32x128xi32>
    %and3A_1790 = arith.andi %shift_right_arithmetic3A_1788, %and3A_1789 : vector<32x128xi32>
    %xor3A = arith.xori %bitcast3A, %and3A_1790 : vector<32x128xi32>
    %scan3A = arith.constant -2147483648 : i32
    %scan3A_1791 = arith.constant 2147483647 : i32
    %scan3A_1792 = arith.constant 0 : i32
    %scan3A_1793 = arith.constant 32 : i32
    %scan3A_1794 = arith.addi %scan3A_1792, %scan3A_1793 : i32
    %scan3A_1795 = arith.constant 1 : i32
    %scan3A_1796:2 = scf.for %scan3A_1865 = %scan3A_1792 to %scan3A_1794 step %scan3A_1795 iter_args(%scan3A_1866 = %scan3A, %scan3A_1867 = %scan3A_1791) -> (i32, i32)  : i32 {
      %and3A_1868 = arith.andi %scan3A_1866, %scan3A_1867 : i32
      %xor3A_1869 = arith.xori %scan3A_1866, %scan3A_1867 : i32
      %shift_right_arithmetic3A_1870 = arith.constant 1 : i32
      %shift_right_arithmetic3A_1871 = arith.shrsi %xor3A_1869, %shift_right_arithmetic3A_1870 : i32
      %add3A_1872 = arith.addi %and3A_1868, %shift_right_arithmetic3A_1871 : i32
      %le3A = vector.broadcast %add3A_1872 : i32 to vector<32x128xi32>
      %le3A_1873 = arith.cmpi sle, %xor3A, %le3A : vector<32x128xi32>
      %convert_element_type3A_1874 = arith.extui %le3A_1873 : vector<32x128xi1> to vector<32x128xi32>
      %reduce_sum3A_1875 = vector.shape_cast %convert_element_type3A_1874 : vector<32x128xi32> to vector<1x32x128xi32>
      %reduce_sum3A_1876 = arith.constant dense<0> : vector<1xi32>
      %reduce_sum3A_1877 = vector.multi_reduction <add>, %reduce_sum3A_1875, %reduce_sum3A_1876 [1, 2] : vector<1x32x128xi32> to vector<1xi32>
      %reduce_sum3A_1878 = vector.shape_cast %reduce_sum3A_1877 : vector<1xi32> to vector<1x1x1xi32>
      %reduce_sum3A_1879 = vector.extract %reduce_sum3A_1878[0, 0, 0] : i32 from vector<1x1x1xi32>
      %ge3A = arith.constant 2868 : i32
      %ge3A_1880 = arith.cmpi sge, %reduce_sum3A_1879, %ge3A : i32
      %add3A_1881 = arith.constant 1 : i32
      %add3A_1882 = arith.addi %add3A_1872, %add3A_1881 : i32
      %select_n3A_1883 = arith.select %ge3A_1880, %scan3A_1866, %add3A_1882 : i32
      %select_n3A_1884 = arith.select %ge3A_1880, %add3A_1872, %scan3A_1867 : i32
      scf.yield %select_n3A_1883, %select_n3A_1884 : i32, i32
    }
    %lt3A = vector.broadcast %scan3A_1796#1 : i32 to vector<32x128xi32>
    %lt3A_1797 = arith.cmpi slt, %xor3A, %lt3A : vector<32x128xi32>
    %convert_element_type3A = arith.extui %lt3A_1797 : vector<32x128xi1> to vector<32x128xi32>
    %reduce_sum3A_1798 = vector.shape_cast %convert_element_type3A : vector<32x128xi32> to vector<1x32x128xi32>
    %reduce_sum3A_1799 = arith.constant dense<0> : vector<1xi32>
    %reduce_sum3A_1800 = vector.multi_reduction <add>, %reduce_sum3A_1798, %reduce_sum3A_1799 [1, 2] : vector<1x32x128xi32> to vector<1xi32>
    %reduce_sum3A_1801 = vector.shape_cast %reduce_sum3A_1800 : vector<1xi32> to vector<1x1x1xi32>
    %reduce_sum3A_1802 = vector.extract %reduce_sum3A_1801[0, 0, 0] : i32 from vector<1x1x1xi32>
    %sub3A_1803 = arith.constant 2868 : i32
    %sub3A_1804 = arith.subi %sub3A_1803, %reduce_sum3A_1802 : i32
    %convert_element_type3A_1805 = arith.sitofp %sub3A_1804 : i32 to f32
    %eq3A_1806 = vector.broadcast %scan3A_1796#1 : i32 to vector<32x128xi32>
    %eq3A_1807 = arith.cmpi eq, %xor3A, %eq3A_1806 : vector<32x128xi32>
    %convert_element_type3A_1808 = arith.extui %eq3A_1807 : vector<32x128xi1> to vector<32x128xi32>
    %convert_element_type3A_1809 = arith.sitofp %convert_element_type3A_1808 : vector<32x128xi32> to vector<32x128xf32>
    %iota3A = tpu.iota {dimensions = array<i32: 0>} : vector<128x128xi32>
    %iota3A_1810 = tpu.iota {dimensions = array<i32: 1>} : vector<128x128xi32>
    %lt3A_1811 = arith.cmpi slt, %iota3A, %iota3A_1810 : vector<128x128xi32>
    %convert_element_type3A_1812 = arith.extui %lt3A_1811 : vector<128x128xi1> to vector<128x128xi32>
    %convert_element_type3A_1813 = arith.sitofp %convert_element_type3A_1812 : vector<128x128xi32> to vector<128x128xf32>
    %dot_general3A_1814 = arith.constant dense<0.000000e+00> : vector<32x128xf32>
    %dot_general3A_1815 = tpu.matmul %convert_element_type3A_1809, %convert_element_type3A_1813, %dot_general3A_1814 {dimension_numbers = #tpu.dot_dimension_numbers<[1], [0], [0], [1], [0, 0, 1, 1], [], []>, transpose_lhs_hint = false} : vector<32x128xf32>, vector<128x128xf32>, vector<32x128xf32> -> vector<32x128xf32>
    %reduce_sum3A_1816 = arith.constant dense<0.000000e+00> : vector<32xf32>
    %reduce_sum3A_1817 = vector.multi_reduction <add>, %convert_element_type3A_1809, %reduce_sum3A_1816 [1] : vector<32x128xf32> to vector<32xf32>
    %broadcast_in_dim3A_1818 = vector.shape_cast %reduce_sum3A_1817 : vector<32xf32> to vector<32x1xf32>
    %iota3A_1819 = tpu.iota {dimensions = array<i32: 0>} : vector<32x32xi32>
    %iota3A_1820 = tpu.iota {dimensions = array<i32: 1>} : vector<32x32xi32>
    %lt3A_1821 = arith.cmpi slt, %iota3A_1820, %iota3A_1819 : vector<32x32xi32>
    %convert_element_type3A_1822 = arith.extui %lt3A_1821 : vector<32x32xi1> to vector<32x32xi32>
    %convert_element_type3A_1823 = arith.sitofp %convert_element_type3A_1822 : vector<32x32xi32> to vector<32x32xf32>
    %dot_general3A_1824 = arith.constant dense<0.000000e+00> : vector<32x1xf32>
    %dot_general3A_1825 = tpu.matmul %convert_element_type3A_1823, %broadcast_in_dim3A_1818, %dot_general3A_1824 {dimension_numbers = #tpu.dot_dimension_numbers<[1], [0], [0], [1], [0, 0, 1, 1], [], []>, transpose_lhs_hint = false} : vector<32x32xf32>, vector<32x1xf32>, vector<32x1xf32> -> vector<32x1xf32>
    %add3A_1826 = vector.broadcast %dot_general3A_1825 : vector<32x1xf32> to vector<32x128xf32>
    %add3A_1827 = arith.addf %dot_general3A_1815, %add3A_1826 : vector<32x128xf32>
    %lt3A_1828 = vector.broadcast %scan3A_1796#1 : i32 to vector<32x128xi32>
    %lt3A_1829 = arith.cmpi slt, %xor3A, %lt3A_1828 : vector<32x128xi32>
    %eq3A_1830 = vector.broadcast %scan3A_1796#1 : i32 to vector<32x128xi32>
    %eq3A_1831 = arith.cmpi eq, %xor3A, %eq3A_1830 : vector<32x128xi32>
    %lt3A_1832 = vector.broadcast %convert_element_type3A_1805 : f32 to vector<32x128xf32>
    %lt3A_1833 = arith.cmpf olt, %add3A_1827, %lt3A_1832 : vector<32x128xf32>
    %and3A_1834 = arith.andi %eq3A_1831, %lt3A_1833 : vector<32x128xi1>
    %or3A = arith.ori %lt3A_1829, %and3A_1834 : vector<32x128xi1>
    %convert_element_type3A_1835 = arith.extui %or3A : vector<32x128xi1> to vector<32x128xi32>
    %swap3A_1836 = arith.constant 0 : index
    %swap3A_1837 = arith.constant 0 : index
    %swap3A_1838 = vector.load %arg5[%swap3A_1836, %swap3A_1837] : memref<32x128xi32, #tpu.memory_space<vmem>>, vector<32x128xi32>
    tpu.vector_store %arg5[%swap3A_1836, %swap3A_1837], %convert_element_type3A_1835 {strides = array<i32>} : memref<32x128xi32, #tpu.memory_space<vmem>>, vector<32x128xi32>,
    %convert_element_type3A_1839 = arith.extui %or3A : vector<32x128xi1> to vector<32x128xi32>
    %convert_element_type3A_1840 = arith.sitofp %convert_element_type3A_1839 : vector<32x128xi32> to vector<32x128xf32>
    %dot_general3A_1841 = arith.constant dense<0.000000e+00> : vector<32x128xf32>
    %dot_general3A_1842 = tpu.matmul %convert_element_type3A_1840, %convert_element_type3A_1813, %dot_general3A_1841 {dimension_numbers = #tpu.dot_dimension_numbers<[1], [0], [0], [1], [0, 0, 1, 1], [], []>, transpose_lhs_hint = false} : vector<32x128xf32>, vector<128x128xf32>, vector<32x128xf32> -> vector<32x128xf32>
    %reduce_sum3A_1843 = arith.constant dense<0.000000e+00> : vector<32xf32>
    %reduce_sum3A_1844 = vector.multi_reduction <add>, %convert_element_type3A_1840, %reduce_sum3A_1843 [1] : vector<32x128xf32> to vector<32xf32>
    %broadcast_in_dim3A_1845 = vector.shape_cast %reduce_sum3A_1844 : vector<32xf32> to vector<32x1xf32>
    %dot_general3A_1846 = arith.constant dense<0.000000e+00> : vector<32x1xf32>
    %dot_general3A_1847 = tpu.matmul %convert_element_type3A_1823, %broadcast_in_dim3A_1845, %dot_general3A_1846 {dimension_numbers = #tpu.dot_dimension_numbers<[1], [0], [0], [1], [0, 0, 1, 1], [], []>, transpose_lhs_hint = false} : vector<32x32xf32>, vector<32x1xf32>, vector<32x1xf32> -> vector<32x1xf32>
    %add3A_1848 = vector.broadcast %dot_general3A_1847 : vector<32x1xf32> to vector<32x128xf32>
    %add3A_1849 = arith.addf %dot_general3A_1842, %add3A_1848 : vector<32x128xf32>
    %convert_element_type3A_1850 = arith.fptosi %add3A_1849 : vector<32x128xf32> to vector<32x128xi32>
    %iota3A_1851 = tpu.iota {dimensions = array<i32: 0>} : vector<32x128xi32>
    %mul3A_1852 = arith.constant 128 : i32
    %mul3A_1853 = vector.broadcast %mul3A_1852 : i32 to vector<32x128xi32>
    %mul3A_1854 = arith.muli %iota3A_1851, %mul3A_1853 : vector<32x128xi32>
    %iota3A_1855 = tpu.iota {dimensions = array<i32: 1>} : vector<32x128xi32>
    %add3A_1856 = arith.addi %mul3A_1854, %iota3A_1855 : vector<32x128xi32>
    %add3A_1857 = arith.constant 2868 : i32
    %add3A_1858 = vector.broadcast %add3A_1857 : i32 to vector<32x128xi32>
    %add3A_1859 = arith.addi %add3A_1858, %add3A_1856 : vector<32x128xi32>
    %sub3A_1860 = arith.subi %add3A_1859, %convert_element_type3A_1850 : vector<32x128xi32>
    %select_n3A_1861 = arith.select %or3A, %convert_element_type3A_1850, %sub3A_1860 : vector<32x128xi1>, vector<32x128xi32>
    %swap3A_1862 = arith.constant 0 : index
    %swap3A_1863 = arith.constant 0 : index
    %swap3A_1864 = vector.load %arg6[%swap3A_1862, %swap3A_1863] : memref<32x128xi32, #tpu.memory_space<vmem>>, vector<32x128xi32>
    tpu.vector_store %arg6[%swap3A_1862, %swap3A_1863], %select_n3A_1861 {strides = array<i32>} : memref<32x128xi32, #tpu.memory_space<vmem>>, vector<32x128xi32>,
    return
  }
}

</mosaic_0001>

<sc_bundles>
// kernel: kernel.4.cloned.1.call-start
scs
__scs_entry_jumppad:
0x0: {  	(pc) =	sbr.rel $0x88, $3  }
0x1: {  	(tag) =	ssettag $0x0;
	lr =	simm.s32 $0x1  }
0x2: {  	[smem:$0x3F92] =	sst lr;
	_ =	strace $0xD0000000  }
0x3: {  	_ = 	snop  }
0x4: {  	_ = 	snop  }
0x5: {  	_ = 	snop  }
0x6: {  	_ = 	snop  }
0x7: {  	_ = 	snop  }
__scs_overlays_trampoline_lowered:
0x8: {  	[smem:$0x3FA1] =	sst s0  }
0x9: {  	[smem:$0x3FA2] =	sst s1  }
0xa: {  	[smem:$0x3FA3] =	sst s2  }
0xb: {  	[smem:$0x3FA4] =	sst s3  }
0xc: {  	[smem:$0x3FA5] =	sst s4  }
0xd: {  	[smem:$0x3FA6] =	sst s5  }
0xe: {  	[smem:$0x3FA7] =	sst s6  }
0xf: {  	[smem:$0x3FA8] =	sst s7  }
0x10: {  	[smem:$0x3FA9] =	sst s8  }
0x11: {  	[smem:$0x3FAA] =	sst s9;
	s0 =	simm.s32 @!p0 $0x0  }
0x12: {  	s1 =	sld [smem:$0x3F90];
	s0 =	simm.s32 @p0 $0x1  }
0x13: {  	[smem:$0x3FAB] =	sst s0;
	s0 =	simm.s32 @!p1 $0x0  }
0x14: {  	s2 =	sld [smem:$0x3F8F];
	s0 =	simm.s32 @p1 $0x1  }
0x15: {  	[smem:$0x3FAC] =	sst s0;
	s0 =	simm.s32 @!p2 $0x0  }
0x16: {  	s3 =	sld [smem:$0x3FDB];
	s0 =	simm.s32 @p2 $0x1  }
0x17: {  	s4 =	simm.s32 $0x1BF5;
	[smem:$0x3FAE] =	sst s0  }
0x18: {  	s0 =	sld [smem:$0x3F91];
	_ =	swait.ge [sflag:s4], $0x0  }
0x19: {  	s7 =	sld [smem:$0x3F92]  }
0x1a: {  	s8 =	sadd.s32 $0xFFFFE003, lr  }
0x1b: {  	s9 =	sadd.s32 $0xFFFFFEF7, lr;
	s5 =	simm.s32 $0xFFFFFFFF;
	p2 =	slt.u32 s8, $0xFFFFF086  }
0x1c: {  	p1 =	slt.u32 s9, $0xF7A;
	s5 =	simm.s32 @!p2 $0x0  }
0x1d: {  	s5 =	simm.s32 @p1 $0x1;
	p0 =	seq.s32 s7, s2  }
0x1e: {  	s7 =	smul.u32 @!p0 $0xF7A, s2;
	p2 =	seq.s32 @!p0 s5, $0x0  }
0x1f: {  	s9 =	smul.u32 $0xF7A, s1;
	s8 =	simm.s32 @!p0 $0x1BF5;
	p2 =	por !p2, p0  }
0x20: {  	[sflag:s8] =	ssyncset.s32 @!p0 $0xFFFFF086;
	s6 =	sadd.s32 @!p0 s3, s7;
	s7 =	simm.s32 @!p0 $0x108  }
0x21: {  	s3 =	sadd.s32 s3, s9;
	s6 =	sadd.s32 @!p0 $0x88, s6;
	s7 =	simm.s32 @p2 $0x1082  }
0x22: {  	[simem:s7], [sflag:s8] =	dma.local @!p0 [hbm:s6], $0xF7A  }
0x23: {  	s9 =	sor.u32 $0xD0000000, s2;
	s6 =	simm.s32 $0x108;
	_ =	swait.ge @!p0 [sflag:s8], $0x0  }
0x24: {  	s3 =	sadd.s32 $0x88, s3;
	s6 =	simm.s32 @!p1 $0x1082;
	[sflag:s4] =	ssyncset.s32 $0xFFFFF086  }
0x25: {  	[simem:s6], [sflag:s4] =	dma.local [hbm:s3], $0xF7A  }
0x26: {  	[smem:$0x3F92] =	sst s1;
	(tag) =	ssettag s2;
	_ =	strace s9  }
0x27: {  	s1 =	sld [smem:$0x3FA2]  }
0x28: {  	s2 =	sld [smem:$0x3FA3]  }
0x29: {  	s4 =	sld [smem:$0x3FA5]  }
0x2a: {  	p0 =	seq.s32 s5, $0x0;
	s5 =	sld [smem:$0x3FA6]  }
0x2b: {  	s6 =	sld [smem:$0x3FA7]  }
0x2c: {  	s7 =	sld [smem:$0x3FA8]  }
0x2d: {  	s3 =	simm.s32 $0x108;
	s8 =	sld [smem:$0x3FA9]  }
0x2e: {  	s3 =	simm.s32 @!p0 $0x1082;
	s9 =	sld [smem:$0x3FAA]  }
0x2f: {  	lr =	sadd.s32 s0, s3;
	s0 =	sld [smem:$0x3FA1]  }
0x30: {  	s3 =	sld [smem:$0x3FA4]  }
0x31: {  	[smem:$0x3FAD] =	sst s10  }
0x32: {  	s10 =	sld [smem:$0x3FAB];
	_ =	sdelay $0x3  }
0x33: {  	p0 =	seq.s32 s10, $0x1;
	s10 =	sld [smem:$0x3FAD];
	_ =	sdelay $0x3  }
0x34: {  	[smem:$0x3FAD] =	sst s10  }
0x35: {  	s10 =	sld [smem:$0x3FAC];
	_ =	sdelay $0x3  }
0x36: {  	p1 =	seq.s32 s10, $0x1;
	s10 =	sld [smem:$0x3FAD];
	_ =	sdelay $0x3  }
0x37: {  	[smem:$0x3FAD] =	sst s10  }
0x38: {  	s10 =	sld [smem:$0x3FAE]  }
0x39: {  	_ = 	snop;
	(pc) =	sbr.ind lr, $3  }
0x3a: {  	_ = 	snop  }
0x3b: {  	_ = 	snop  }
0x3c: {  	p2 =	seq.s32 s10, $0x1;
	s10 =	sld [smem:$0x3FAD]  }
0x3d: {  	_ =	shalt  }
0x3e: {  	_ =	shalt  }
0x3f: {  	_ =	shalt  }
0x40: {  	_ =	shalt  }
0x41: {  	_ =	shalt  }
0x42: {  	_ =	shalt  }
0x43: {  	_ =	shalt  }
0x44: {  	_ =	shalt  }
0x45: {  	_ =	shalt  }
0x46: {  	_ =	shalt  }
0x47: {  	_ =	shalt  }
0x48: {  	_ =	shalt  }
0x49: {  	_ =	shalt  }
0x4a: {  	_ =	shalt  }
0x4b: {  	_ =	shalt  }
0x4c: {  	_ =	shalt  }
0x4d: {  	_ =	shalt  }
0x4e: {  	_ =	shalt  }
0x4f: {  	_ =	shalt  }
0x50: {  	_ =	shalt  }
0x51: {  	_ =	shalt  }
0x52: {  	_ =	shalt  }
0x53: {  	_ =	shalt  }
0x54: {  	_ =	shalt  }
0x55: {  	_ =	shalt  }
0x56: {  	_ =	shalt  }
0x57: {  	_ =	shalt  }
0x58: {  	_ =	shalt  }
0x59: {  	_ =	shalt  }
0x5a: {  	_ =	shalt  }
0x5b: {  	_ =	shalt  }
0x5c: {  	_ =	shalt  }
0x5d: {  	_ =	shalt  }
0x5e: {  	_ =	shalt  }
0x5f: {  	_ =	shalt  }
0x60: {  	_ =	shalt  }
0x61: {  	_ =	shalt  }
0x62: {  	_ =	shalt  }
0x63: {  	_ =	shalt  }
0x64: {  	_ =	shalt  }
0x65: {  	_ =	shalt  }
0x66: {  	_ =	shalt  }
0x67: {  	_ =	shalt  }
0x68: {  	_ =	shalt  }
0x69: {  	_ =	shalt  }
0x6a: {  	_ =	shalt  }
0x6b: {  	_ =	shalt  }
0x6c: {  	_ =	shalt  }
0x6d: {  	_ =	shalt  }
0x6e: {  	_ =	shalt  }
0x6f: {  	_ =	shalt  }
0x70: {  	_ =	shalt  }
0x71: {  	_ =	shalt  }
0x72: {  	_ =	shalt  }
0x73: {  	_ =	shalt  }
0x74: {  	_ =	shalt  }
0x75: {  	_ =	shalt  }
0x76: {  	_ =	shalt  }
0x77: {  	_ =	shalt  }
0x78: {  	_ =	shalt  }
0x79: {  	_ =	shalt  }
0x7a: {  	_ =	shalt  }
0x7b: {  	_ =	shalt  }
0x7c: {  	_ =	shalt  }
0x7d: {  	_ =	shalt  }
0x7e: {  	_ =	shalt  }
0x7f: {  	_ =	shalt  }
0x80: {  	_ =	shalt  }
0x81: {  	_ =	shalt  }
0x82: {  	_ =	shalt  }
0x83: {  	_ =	shalt  }
0x84: {  	_ =	shalt  }
0x85: {  	_ =	shalt  }
0x86: {  	_ =	shalt  }
0x87: {  	_ =	shalt  }
.Lfunc_end0:
.L_simem_size_0:
called_computation_lowered:
.L_overlay_start_0:
0x88: {  	s2 =	sld [smem:$0x3FD9]  }
0x89: {  	s3 =	sld [smem:$0x3FFE];
	_ =	sdelay $0x1  }
0x8a: {  	s1 =	srdreg.scid  }
0x8b: {  	s0 =	sand.u32 $0x1, s1  }
0x8c: {  	s17 =	sshll.u32 s0, $0xA;
	s2 =	sadd.s32 s3, s2  }
0x8d: {  	s2 =	sadd.s32 s2, s17  }
0x8e: {  	[smem:$0x3FB9] =	sst s2  }
0x8f: {  	_ = 	snop  }
0x90: {  	s2 =	sld [smem:$0x3FC9];
	(tm) =	ssettm $0x1  }
0x91: {  	s18 =	sld [smem:$0x3FFB];
	_ =	sdelay $0x3  }
0x92: {  	_ =	strace s18  }
0x93: {  	s3 =	sld [smem:$0x3FFC];
	_ =	sdelay $0x3  }
0x94: {  	_ =	strace s3  }
0x95: {  	s3 =	sld [smem:$0x3FFD];
	_ =	sdelay $0x3  }
0x96: {  	_ =	strace s3  }
0x97: {  	_ =	strace $0x8FFFFFFF  }
0x98: {  	s19 =	sld [smem:$0x3FDB];
	_ =	sdelay $0x1  }
0x99: {  	s4 =	simm.s32 $_scs_section_size  }
0x9a: {  	s5 =	simm.s32 $_size__tile_overlayer_lowered;
	s6 =	simm.s32 $_tile_overlayer_lowered  }
0x9b: {  	s22 =	simm.s32 $0x1BFF;
	s21 =	sshll.u32 s6, $0x1;
	s3 =	sadd.s32 s4, s19  }
0x9c: {  	s7 =	simm.s32 $0x0;
	s20 =	sshll.u32 s5, $0x1;
	s5 =	sadd.s32 s21, s3  }
0x9d: {  	[timem:s7], [sflag:s22] =	dma.local [hbm:s5], s20  }
0x9e: {  	_ =	swait.ge [sflag:s22], s20  }
0x9f: {  	s4 =	ssub.s32 $0x0, s20;
	[sflag:s22] =	ssyncset.done $0x0  }
0xa0: {  	[sflag:s22] =	ssyncadd.s32 s4;
	_ =	sdelay $0x1  }
0xa1: {  	s23 =	simm.s32 $0x1B8B  }
0xa2: {  	_ =	swait.ge [sflag:s23], $0x1  }
0xa3: {  	[sflag:s23] =	ssyncset.done $0x0  }
0xa4: {  	s25 =	simm.s32 $0x1B8E;
	s24 =	sld [smem:$0x3FFE];
	[sflag:s23] =	ssyncadd.s32 $0xFFFFFFFF  }
0xa5: {  	s26 =	simm.s32 $execute0_lowered;
	[smem:$0x3FD2] =	sst s25  }
0xa6: {  	s5 =	sshll.u32 s26, $0x1;
	_ =	strace $0x80000046;
	[dreg:$0x1] =	wrdreg $0xFFFFFFFF  }
0xa7: {  	s28 =	simm.s32 $_size_execute0_lowered;
	s3 =	sadd.s32 s3, s5;
	[dreg:$0x0] =	wrdreg $0x0  }
0xa8: {  	s5 =	sshll.u32 s28, $0x1;
	[dreg:$0x2] =	wrdreg s3  }
0xa9: {  	[dreg:$0x3] =	wrdreg s5  }
0xaa: {  	[dreg:$0x4] =	wrdreg $0xC0  }
0xab: {  	_ =	task [dreg:s7], $0x5FFFF  }
0xac: {  	[dreg:$0x1] =	wrdreg $0xFFFFFFFF  }
0xad: {  	[dreg:$0x0] =	wrdreg $0x60  }
0xae: {  	[dreg:$0x2] =	wrdreg s24  }
0xaf: {  	[dreg:$0x3] =	wrdreg s2  }
0xb0: {  	[dreg:$0x4] =	wrdreg $0x9  }
0xb1: {  	_ =	task.clear_ibuf [dreg:s7], $0x5FFFF;
	_ =	strace $0x90000046  }
0xb2: {  	s29 =	simm.s32 $0x9;
	_ =	strace $0x80000048  }
0xb3: {  	_ =	swait.ge [sflag:s29], $0x1  }
0xb4: {  	[sflag:s29] =	ssyncadd.s32 $0xFFFFFFFF  }
0xb5: {  	_ =	strace $0x90000048  }
0xb6: {  	_ =	sfence  }
0xb7: {  	s30 =	sld [smem:$0x0];
	_ =	sdelay $0x2  }
0xb8: {  	s31 =	sshll.u32 s1, $0xD;
	s1 =	sshrl.u32 s1, $0x2  }
0xb9: {  	s3 =	sand.u32 $0x4000, s31;
	s1 =	sadd.s32 s1, s30  }
0xba: {  	s0 =	sor.u32 s3, s0;
	s1 =	sshll.u32 s1, $0x11  }
0xbb: {  	s0 =	sor.u32 s1, s0  }
0xbc: {  	s0 =	sadd.s32 $0x8F2B, s0  }
0xbd: {  	[sflag:s0] =	ssyncadd.remote.s32 $0x1  }
0xbe: {  	_ =	sfence.sel $0xFFFF  }
0xbf: {  	[dreg:$0x0] =	wrdreg $0xFFFFFFFF;
	(pc) =	sbr.abs _section_cstart, $3  }
0xc0: {  	[dreg:$0x1] =	wrdreg $0xFFFFFFFF  }
0xc1: {  	_ =	task.clear_ibuf [dreg:s7], $0x2FFFF;
	_ =	strace $0x9FFFFFFF  }
0xc2: {  	(tm) =	ssettm $0x7FFFFFFF  }
0xc3: {  	_ =	shalt  }
tec
execute0_lowered:
.L_overlay_start_1:
0x0: {  	(tag) =	ssettag $0x1  }
0x1: {  	s1 =	srdreg.scid  }
0x2: {  	s0 =	stileid.u32;
	s5 =	sand.u32 $0x1, s1  }
0x3: {  	s7 =	rddreg [dreg:$0x0];
	s29 =	sshll.u32 s0, $0x8;
	s2 =	sshll.u32 s5, $0x7  }
0x4: {  	s6 =	rddreg [dreg:$0x1];
	s8 =	sor.u32 s2, s29  }
0x5: {  	s1 =	rddreg [dreg:$0x2];
	s2 =	simm.s32 $0x0;
	s3 =	sshrl.u32 s8, $0x3  }
0x6: {  	s4 =	simm.s32 $0x2;
	[smem:$0x7FF] =	sst s2;
	s3 =	sadd.s32 s3, s7  }
0x7: {  	s9 =	ssub.s32 $0x2, s5;
	_ =	strace $0x80000047;
	s3 =	sadd.s32 $0xA00, s3  }
0x8: {  	[tilespmem:s2], [sflag:$0x2] =	stream.linear.gather [hbm4b:s3+s2], $0x80, $0x38;
	[tilespmem:$0x4080] =	vst v63  }
0x9: {  	s31 =	sshrl.u32 s9, $0x1;
	s30 =	sshll.u32 s8, $0x4;
	_ =	swait.ge [sflag:s4], $0x80  }
0xa: {  	s8 =	ssub.s32 s9, s31;
	s5 =	sadd.s32 s6, s30;
	[sflag:s4] =	ssyncset.done $0x0  }
0xb: {  	s6 =	simm.s32 $0x80;
	s9 =	smax.u32 s8, $0x1;
	[sflag:s4] =	ssyncadd.s32 $0xFFFFFF80  }
0xc: {  	[tilespmem:s6], [sflag:$0x2] =	stream.linear.gather [hbm4b:s5+s2], $0x4000, $0x38;
	[tilespmem:$0x4080] =	vst v63  }
0xd: {  	p0 =	sne.s32 s9, $0x1;
	_ =	swait.ge [sflag:s4], $0x4000  }
.Ltmp0:
0xe: {  	[sflag:s4] =	ssyncset.done $0x0;
	(pc) =	sbr.rel @!p0 .LBB2_2-.Ltmp0, $4  }
0xf: {  	s7 =	sadd.s32 $0xC00, s7;
	s8 =	simm.s32 $0x1;
	[sflag:s4] =	ssyncadd.s32 $0xFFFFC000  }
0x10: {  	[hbm4b:s7+s6] =	stream.indirect.scatter [tilespmem:s6], [sflag:$0x1], $0x80, s2, s6, $0xb8;
	[tilespmem:$0x4080] =	vst v63  }
0x11: {  	_ =	swait.ge [sflag:s8], $0x4000  }
0x12: {  	s9 =	sadd.s32 $0xFFFFFFFF, s9;
	[sflag:s8] =	ssyncset.done $0x0  }
.LBB2_1:
0x13: {  	p0 =	sne.s32 s9, $0x1;
	s9 =	sadd.s32 $0xFFFFFFFF, s9;
	[sflag:s8] =	ssyncadd.s32 $0xFFFFC000  }
0x14: {  	[tilespmem:s2], [sflag:$0x2] =	stream.linear.gather [hbm4b:s3+s2], $0x80, $0x38;
	[tilespmem:$0x4080] =	vst v63  }
0x15: {  	_ =	swait.ge [sflag:s4], $0x80  }
0x16: {  	[sflag:s4] =	ssyncset.done $0x0  }
0x17: {  	[sflag:s4] =	ssyncadd.s32 $0xFFFFFF80  }
0x18: {  	[tilespmem:s6], [sflag:$0x2] =	stream.linear.gather [hbm4b:s5+s2], $0x4000, $0x38;
	[tilespmem:$0x4080] =	vst v63  }
0x19: {  	_ =	swait.ge [sflag:s4], $0x4000  }
.Ltmp1:
0x1a: {  	[sflag:s4] =	ssyncset.done $0x0;
	(pc) =	sbr.rel @p0 .LBB2_1-.Ltmp1, $4  }
0x1b: {  	[sflag:s4] =	ssyncadd.s32 $0xFFFFC000  }
0x1c: {  	[hbm4b:s7+s6] =	stream.indirect.scatter [tilespmem:s6], [sflag:$0x1], $0x80, s2, s6, $0xb8;
	[tilespmem:$0x4080] =	vst v63  }
0x1d: {  	_ =	swait.ge [sflag:s8], $0x4000  }
0x1e: {  	[sflag:s8] =	ssyncset.done $0x0  }
.LBB2_2:
0x1f: {  	[sflag:s8] =	ssyncadd.s32 $0xFFFFC000  }
0x20: {  	_ =	sfence.sel $0x180000  }
0x21: {  	[bflag:$0x0] =	sbarrier.arrive $0xFFFF  }
0x22: {  	p0 =	sne.s32 s0, $0x0;
	_ =	strace $0x90000047  }
0x23: {  	s0 =	sadd.s32 @!p0 $0x100000, s1;
	[bflag:$0x2] =	sbarrier.arrive $0xFFFF  }
0x24: {  	[sflag:s0] =	ssyncadd.tile.s32 @!p0 $0x1;
	_ =	shalt  }
.Lfunc_end2:
_tile_overlayer_lowered:
.L_overlay_start_2:
0x25: {  	(tag) =	ssettag $0x2  }
0x26: {  	s0 =	rddreg [dreg:$0x0];
	s2 =	stileid.u32  }
0x27: {  	s1 =	rddreg [dreg:$0x1];
	p0 =	sne.s32 s2, $0x0  }
0x28: {  	s3 =	rddreg [dreg:$0x2];
	[bflag:$0x3] =	sbarrier.arrive $0xFFFF;
	s2 =	simm.s32 @!p0 $0x1C02  }
0x29: {  	[timem:s3], [sflag:s2] =	dma.local @!p0 [hbm:s0], s1  }
0x2a: {  	s0 =	simm.s32 @!p0 $0x2  }
0x2b: {  	_ =	swait.ge @!p0 [sflag:s0], s1  }
0x2c: {  	s1 =	ssub.s32 @!p0 $0x0, s1;
	[sflag:s0] =	ssyncset.done @!p0 $0x0  }
0x2d: {  	[sflag:s0] =	ssyncadd.s32 @!p0 s1  }
0x2e: {  	[bflag:$0x3] =	sbarrier.arrive $0xFFFF  }
0x2f: {  	_ =	shalt  }

</sc_bundles>
